<compile_context>
chip_gen: v7x
topology: tpu7x:2x2x1
jax: 0.10.2.dev20260603
libtpu: 0.0.44.dev20260713+nightly
codegen_flags: <defaults>
</compile_context>

<pallas_src>
import functools

import jax
import jax.numpy as jnp
from jax import lax
from jax.experimental import pallas as pl
from jax.experimental.pallas import tpu as pltpu
from jax.experimental.pallas import tpu_sc as plsc

D_MODEL = 64
NC, NS = 2, 16
NW = NC * NS
NBUF = 4
LANES = 16


def kernel(inputs, token_table, pos_table):
    nseq, slen = inputs.shape
    bpw = nseq // NW
    ids_per_w = bpw * slen
    groups = slen // NBUF
    kb = bpw // LANES
    mesh = plsc.VectorSubcoreMesh(core_axis_name="c", subcore_axis_name="s")

    @functools.partial(
        pl.kernel,
        out_type=jax.ShapeDtypeStruct((slen, D_MODEL, nseq), jnp.float32),
        mesh=mesh,
        scratch_types=(
            [pltpu.VMEM((ids_per_w,), jnp.int32),
             pltpu.VMEM((slen, bpw), jnp.int32),
             pltpu.VMEM((slen * D_MODEL,), jnp.float32)]
            + [pltpu.VMEM((bpw, D_MODEL), jnp.float32)] * NBUF
            + [pltpu.VMEM((D_MODEL, bpw), jnp.float32)] * NBUF
            + [pltpu.SemaphoreType.DMA] * (2 * NBUF)
        ),
        compiler_params=pltpu.CompilerParams(use_tc_tiling_on_sc=False,
                                             needs_layout_passes=False),
    )
    def k(ids_hbm, tok_tab_hbm, pos_tab_hbm, out_hbm, ti, tix, pos_v, *rest):
        gbufs = rest[:NBUF]
        tbufs = rest[NBUF:2 * NBUF]
        sem_g = rest[2 * NBUF:3 * NBUF]
        sem_s = rest[3 * NBUF:]
        wid = lax.axis_index("s") * NC + lax.axis_index("c")
        b0 = wid * bpw

        pltpu.sync_copy(ids_hbm.at[pl.ds(b0 * slen, ids_per_w)], ti)
        pltpu.sync_copy(pos_tab_hbm.at[pl.ds(0, slen * D_MODEL)], pos_v)

        iota = lax.iota(jnp.int32, LANES)
        lanes_k = [iota + LANES * kk for kk in range(kb)]
        seqstr_k = [v * slen for v in lanes_k]
        flatg_k = [v * D_MODEL for v in lanes_k]

        @plsc.parallel_loop(0, slen, unroll=4)
        def idtr(l):
            for kk in range(kb):
                col = plsc.load_gather(ti, [seqstr_k[kk] + l])
                tix[l, pl.ds(kk * LANES, LANES)] = col

        def group(g, carry):
            descs = []
            for s in range(NBUF):
                l = g * NBUF + s

                @pl.when(g > 0)
                def _wait_prev_store(s=s):
                    pltpu.make_async_copy(
                        tbufs[s], out_hbm.at[0, :, pl.ds(0, bpw)],
                        sem_s[s]).wait()

                descs.append(
                    pltpu.async_copy(tok_tab_hbm.at[tix.at[l]], gbufs[s],
                                     sem_g[s]))
            for s in range(NBUF):
                l = g * NBUF + s
                descs[s].wait()
                gbuf, tbuf = gbufs[s], tbufs[s]

                @plsc.parallel_loop(0, D_MODEL, unroll=8)
                def drow(d, gbuf=gbuf, tbuf=tbuf, l=l):
                    rowsel = (jnp.full((LANES,), d, jnp.int32) + iota) & (
                        D_MODEL - 1)
                    ps = plsc.load_gather(pos_v, [rowsel + l * D_MODEL])
                    for kk in range(kb):
                        v = plsc.load_gather(gbuf, [lanes_k[kk], rowsel])
                        plsc.store_scatter(tbuf, [rowsel, lanes_k[kk]],
                                           v + ps)
                pltpu.async_copy(tbuf, out_hbm.at[l, :, pl.ds(b0, bpw)],
                                 sem_s[s])
            return carry

        lax.fori_loop(0, groups, group, 0)
        for s in range(NBUF):
            pltpu.make_async_copy(
                tbufs[s], out_hbm.at[0, :, pl.ds(0, bpw)], sem_s[s]).wait()

    flat_ids = inputs.reshape(nseq * slen)
    flat_pos = pos_table.reshape(pos_table.shape[0] * D_MODEL)
    raw = k(flat_ids, token_table, flat_pos)
    return jnp.transpose(raw, (2, 0, 1))

# --- scband reference (transcript-rebuilt; emitter-appended) ---
"""Pipeline reference for scband-token-pos-embedding-55980603736367 (READ-ONLY COPY).

The authoritative reference and input builder live on the scoring server;
editing this copy changes nothing except your own understanding.
"""

import jax, jax.numpy as jnp
import numpy as np

D_VOCAB = 100000
D_MODEL = 64
POS_LENGTH = 512
SCALE = 1


def setup_inputs(seed: int = 0) -> dict:
    key = jax.random.key(seed)
    k1, k2, k3 = jax.random.split(key, 3)
    inputs = jax.random.randint(k1, (4096, 200), 0, D_VOCAB, dtype=jnp.int64 if jax.config.jax_enable_x64 else jnp.int32).astype(jnp.int32)
    token_table = jax.random.normal(k2, (D_VOCAB, D_MODEL), dtype=jnp.float32) * 0.02
    pos_table = jax.random.normal(k3, (POS_LENGTH, D_MODEL), dtype=jnp.float32) * 0.02
    return {"inputs": inputs, "token_table": token_table, "pos_table": pos_table}


def reference(inputs, token_table, pos_table):
    # Faithful translation of TokenPosEmbedding.call (d_projection=None, scale=1)
    seq_len = inputs.shape[-1]
    pos_range = jnp.arange(seq_len, dtype=jnp.int32)
    token_vector = jnp.take(token_table, inputs, axis=0)  # [B, L, d_model]
    token_vector = token_vector * SCALE
    pos_vector = jnp.take(pos_table, pos_range, axis=0)  # [L, d_model]
    embeddings = token_vector + pos_vector[None, :, :]
    return embeddings


if False:  # reference __main__ guard neutralized (emitter)
    out = reference(**setup_inputs())
    print(out.shape, out.dtype)

if __name__ == "__main__":
    import jax
    _d = setup_inputs()
    print(jax.jit(kernel)(*tuple(_d.values())))

</pallas_src>

<mosaic_0001>
#map = affine_map<(d0, d1) -> (0)>
#map1 = affine_map<(d0, d1) -> (0, 0)>
#map2 = affine_map<(d0, d1) -> (0, 0, 0)>
module attributes {stable_mosaic.version = 14 : i64} {
  func.func @k(%arg0: i32, %arg1: i32, %arg2: memref<819200xi32, #tpu.memory_space<hbm>>, %arg3: memref<100000x64xf32, #tpu.memory_space<hbm>>, %arg4: memref<32768xf32, #tpu.memory_space<hbm>>, %arg5: memref<200x64x4096xf32, #tpu.memory_space<hbm>>, %arg6: memref<25600xi32, #tpu.memory_space<vmem>>, %arg7: memref<200x128xi32, #tpu.memory_space<vmem>>, %arg8: memref<12800xf32, #tpu.memory_space<vmem>>, %arg9: memref<128x64xf32, #tpu.memory_space<vmem>>, %arg10: memref<128x64xf32, #tpu.memory_space<vmem>>, %arg11: memref<128x64xf32, #tpu.memory_space<vmem>>, %arg12: memref<128x64xf32, #tpu.memory_space<vmem>>, %arg13: memref<64x128xf32, #tpu.memory_space<vmem>>, %arg14: memref<64x128xf32, #tpu.memory_space<vmem>>, %arg15: memref<64x128xf32, #tpu.memory_space<vmem>>, %arg16: memref<64x128xf32, #tpu.memory_space<vmem>>, %arg17: memref<!tpu.dma_semaphore, #tpu.memory_space<semaphore_mem>>, %arg18: memref<!tpu.dma_semaphore, #tpu.memory_space<semaphore_mem>>, %arg19: memref<!tpu.dma_semaphore, #tpu.memory_space<semaphore_mem>>, %arg20: memref<!tpu.dma_semaphore, #tpu.memory_space<semaphore_mem>>, %arg21: memref<!tpu.dma_semaphore, #tpu.memory_space<semaphore_mem>>, %arg22: memref<!tpu.dma_semaphore, #tpu.memory_space<semaphore_mem>>, %arg23: memref<!tpu.dma_semaphore, #tpu.memory_space<semaphore_mem>>, %arg24: memref<!tpu.dma_semaphore, #tpu.memory_space<semaphore_mem>>) attributes {dimension_semantics = [#tpu.dimension_semantics<core_parallel>, #tpu.dimension_semantics<subcore_parallel>], iteration_bounds = array<i64: 2, 16>, scalar_prefetch = 0 : i64, scratch_operands = 19 : i64, tpu.core_type = #tpu.core_type<sc_vector_subcore>, window_params = [{transform_indices = #map}, {transform_indices = #map1}, {transform_indices = #map}, {transform_indices = #map2}]} {
    %mul3A = arith.constant 2 : i32
    %mul3A_0 = arith.muli %arg1, %mul3A : i32
    %add3A = arith.addi %mul3A_0, %arg0 : i32
    %mul3A_1 = arith.constant 128 : i32
    %mul3A_2 = arith.muli %add3A, %mul3A_1 : i32
    %mul3A_3 = arith.constant 200 : i32
    %mul3A_4 = arith.muli %mul3A_2, %mul3A_3 : i32
    "tpu.region"() ({
      %run_scoped3A = tpu.sem_alloc : memref<!tpu.dma_semaphore, #tpu.memory_space<semaphore_mem>>
      %dma_start3A = tpu.memref_slice %arg2[%mul3A_4] : memref<819200xi32, #tpu.memory_space<hbm>> -> memref<25600xi32, #tpu.memory_space<hbm>>
      %dma_start3A_119 = tpu.memref_slice %arg2[%mul3A_4] : memref<819200xi32, #tpu.memory_space<hbm>> -> memref<25600xi32, #tpu.memory_space<hbm>>
      tpu.enqueue_dma source(%dma_start3A_119 : memref<25600xi32, #tpu.memory_space<hbm>>) target(%arg6 : memref<25600xi32, #tpu.memory_space<vmem>>) target_semaphore(%run_scoped3A : memref<!tpu.dma_semaphore, #tpu.memory_space<semaphore_mem>>)
      %dma_wait3A_120 = tpu.memref_slice %arg2[%mul3A_4] : memref<819200xi32, #tpu.memory_space<hbm>> -> memref<25600xi32, #tpu.memory_space<hbm>>
      %dma_wait3A_121 = tpu.memref_slice %arg2[%mul3A_4] : memref<819200xi32, #tpu.memory_space<hbm>> -> memref<25600xi32, #tpu.memory_space<hbm>>
      tpu.wait_dma2 semaphore(%run_scoped3A : memref<!tpu.dma_semaphore, #tpu.memory_space<semaphore_mem>>) src(%dma_wait3A_121 : memref<25600xi32, #tpu.memory_space<hbm>>) dst(%arg6 : memref<25600xi32, #tpu.memory_space<vmem>>)
      tpu.yield
    }) : () -> ()
    "tpu.region"() ({
      %run_scoped3A = tpu.sem_alloc : memref<!tpu.dma_semaphore, #tpu.memory_space<semaphore_mem>>
      %dma_start3A = arith.constant 0 : i32
      %dma_start3A_119 = tpu.memref_slice %arg4[%dma_start3A] : memref<32768xf32, #tpu.memory_space<hbm>> -> memref<12800xf32, #tpu.memory_space<hbm>>
      %dma_start3A_120 = arith.constant 0 : i32
      %dma_start3A_121 = tpu.memref_slice %arg4[%dma_start3A_120] : memref<32768xf32, #tpu.memory_space<hbm>> -> memref<12800xf32, #tpu.memory_space<hbm>>
      tpu.enqueue_dma source(%dma_start3A_121 : memref<12800xf32, #tpu.memory_space<hbm>>) target(%arg8 : memref<12800xf32, #tpu.memory_space<vmem>>) target_semaphore(%run_scoped3A : memref<!tpu.dma_semaphore, #tpu.memory_space<semaphore_mem>>)
      %dma_wait3A_122 = arith.constant 0 : i32
      %dma_wait3A_123 = tpu.memref_slice %arg4[%dma_wait3A_122] : memref<32768xf32, #tpu.memory_space<hbm>> -> memref<12800xf32, #tpu.memory_space<hbm>>
      %dma_wait3A_124 = arith.constant 0 : i32
      %dma_wait3A_125 = tpu.memref_slice %arg4[%dma_wait3A_124] : memref<32768xf32, #tpu.memory_space<hbm>> -> memref<12800xf32, #tpu.memory_space<hbm>>
      tpu.wait_dma2 semaphore(%run_scoped3A : memref<!tpu.dma_semaphore, #tpu.memory_space<semaphore_mem>>) src(%dma_wait3A_125 : memref<12800xf32, #tpu.memory_space<hbm>>) dst(%arg8 : memref<12800xf32, #tpu.memory_space<vmem>>)
      tpu.yield
    }) : () -> ()
    %iota3A = tpu.iota {dimensions = array<i32: 0>} : vector<16xi32>
    %add3A_5 = arith.constant 0 : i32
    %add3A_6 = vector.broadcast %add3A_5 : i32 to vector<16xi32>
    %add3A_7 = arith.addi %iota3A, %add3A_6 : vector<16xi32>
    %add3A_8 = arith.constant 16 : i32
    %add3A_9 = vector.broadcast %add3A_8 : i32 to vector<16xi32>
    %add3A_10 = arith.addi %iota3A, %add3A_9 : vector<16xi32>
    %add3A_11 = arith.constant 32 : i32
    %add3A_12 = vector.broadcast %add3A_11 : i32 to vector<16xi32>
    %add3A_13 = arith.addi %iota3A, %add3A_12 : vector<16xi32>
    %add3A_14 = arith.constant 48 : i32
    %add3A_15 = vector.broadcast %add3A_14 : i32 to vector<16xi32>
    %add3A_16 = arith.addi %iota3A, %add3A_15 : vector<16xi32>
    %add3A_17 = arith.constant 64 : i32
    %add3A_18 = vector.broadcast %add3A_17 : i32 to vector<16xi32>
    %add3A_19 = arith.addi %iota3A, %add3A_18 : vector<16xi32>
    %add3A_20 = arith.constant 80 : i32
    %add3A_21 = vector.broadcast %add3A_20 : i32 to vector<16xi32>
    %add3A_22 = arith.addi %iota3A, %add3A_21 : vector<16xi32>
    %add3A_23 = arith.constant 96 : i32
    %add3A_24 = vector.broadcast %add3A_23 : i32 to vector<16xi32>
    %add3A_25 = arith.addi %iota3A, %add3A_24 : vector<16xi32>
    %add3A_26 = arith.constant 112 : i32
    %add3A_27 = vector.broadcast %add3A_26 : i32 to vector<16xi32>
    %add3A_28 = arith.addi %iota3A, %add3A_27 : vector<16xi32>
    %mul3A_29 = arith.constant 200 : i32
    %mul3A_30 = vector.broadcast %mul3A_29 : i32 to vector<16xi32>
    %mul3A_31 = arith.muli %add3A_7, %mul3A_30 : vector<16xi32>
    %mul3A_32 = arith.constant 200 : i32
    %mul3A_33 = vector.broadcast %mul3A_32 : i32 to vector<16xi32>
    %mul3A_34 = arith.muli %add3A_10, %mul3A_33 : vector<16xi32>
    %mul3A_35 = arith.constant 200 : i32
    %mul3A_36 = vector.broadcast %mul3A_35 : i32 to vector<16xi32>
    %mul3A_37 = arith.muli %add3A_13, %mul3A_36 : vector<16xi32>
    %mul3A_38 = arith.constant 200 : i32
    %mul3A_39 = vector.broadcast %mul3A_38 : i32 to vector<16xi32>
    %mul3A_40 = arith.muli %add3A_16, %mul3A_39 : vector<16xi32>
    %mul3A_41 = arith.constant 200 : i32
    %mul3A_42 = vector.broadcast %mul3A_41 : i32 to vector<16xi32>
    %mul3A_43 = arith.muli %add3A_19, %mul3A_42 : vector<16xi32>
    %mul3A_44 = arith.constant 200 : i32
    %mul3A_45 = vector.broadcast %mul3A_44 : i32 to vector<16xi32>
    %mul3A_46 = arith.muli %add3A_22, %mul3A_45 : vector<16xi32>
    %mul3A_47 = arith.constant 200 : i32
    %mul3A_48 = vector.broadcast %mul3A_47 : i32 to vector<16xi32>
    %mul3A_49 = arith.muli %add3A_25, %mul3A_48 : vector<16xi32>
    %mul3A_50 = arith.constant 200 : i32
    %mul3A_51 = vector.broadcast %mul3A_50 : i32 to vector<16xi32>
    %mul3A_52 = arith.muli %add3A_28, %mul3A_51 : vector<16xi32>
    %mul3A_53 = arith.constant 64 : i32
    %mul3A_54 = vector.broadcast %mul3A_53 : i32 to vector<16xi32>
    %mul3A_55 = arith.muli %add3A_7, %mul3A_54 : vector<16xi32>
    %mul3A_56 = arith.constant 64 : i32
    %mul3A_57 = vector.broadcast %mul3A_56 : i32 to vector<16xi32>
    %mul3A_58 = arith.muli %add3A_10, %mul3A_57 : vector<16xi32>
    %mul3A_59 = arith.constant 64 : i32
    %mul3A_60 = vector.broadcast %mul3A_59 : i32 to vector<16xi32>
    %mul3A_61 = arith.muli %add3A_13, %mul3A_60 : vector<16xi32>
    %mul3A_62 = arith.constant 64 : i32
    %mul3A_63 = vector.broadcast %mul3A_62 : i32 to vector<16xi32>
    %mul3A_64 = arith.muli %add3A_16, %mul3A_63 : vector<16xi32>
    %mul3A_65 = arith.constant 64 : i32
    %mul3A_66 = vector.broadcast %mul3A_65 : i32 to vector<16xi32>
    %mul3A_67 = arith.muli %add3A_19, %mul3A_66 : vector<16xi32>
    %mul3A_68 = arith.constant 64 : i32
    %mul3A_69 = vector.broadcast %mul3A_68 : i32 to vector<16xi32>
    %mul3A_70 = arith.muli %add3A_22, %mul3A_69 : vector<16xi32>
    %mul3A_71 = arith.constant 64 : i32
    %mul3A_72 = vector.broadcast %mul3A_71 : i32 to vector<16xi32>
    %mul3A_73 = arith.muli %add3A_25, %mul3A_72 : vector<16xi32>
    %mul3A_74 = arith.constant 64 : i32
    %mul3A_75 = vector.broadcast %mul3A_74 : i32 to vector<16xi32>
    %mul3A_76 = arith.muli %add3A_28, %mul3A_75 : vector<16xi32>
    %parallel_loop3A = arith.constant 0 : i32
    %parallel_loop3A_77 = arith.constant 200 : i32
    %parallel_loop3A_78 = arith.constant 1 : i32
    scf.for %parallel_loop3A_119 = %parallel_loop3A to %parallel_loop3A_77 step %parallel_loop3A_78  : i32 {
      %parallel_loop3A_120 = vector.broadcast %parallel_loop3A_119 : i32 to vector<16xi32>
      %parallel_loop3A_121 = arith.addi %mul3A_31, %parallel_loop3A_120 : vector<16xi32>
      %parallel_loop3A_122 = tpu.vector_load_idx %arg6[%parallel_loop3A_121] : memref<25600xi32, #tpu.memory_space<vmem>>[vector<16xi32>], vector<16xi32>,
      %parallel_loop3A_123 = arith.index_cast %parallel_loop3A_119 : i32 to index
      %parallel_loop3A_124 = arith.constant 0 : index
      %parallel_loop3A_125 = tpu.vector_load %arg7[%parallel_loop3A_123, %parallel_loop3A_124] {strides = array<i32>} : memref<200x128xi32, #tpu.memory_space<vmem>>, vector<16xi32>,
      tpu.vector_store %arg7[%parallel_loop3A_123, %parallel_loop3A_124], %parallel_loop3A_122 {strides = array<i32>} : memref<200x128xi32, #tpu.memory_space<vmem>>, vector<16xi32>,
      %parallel_loop3A_126 = vector.broadcast %parallel_loop3A_119 : i32 to vector<16xi32>
      %parallel_loop3A_127 = arith.addi %mul3A_34, %parallel_loop3A_126 : vector<16xi32>
      %parallel_loop3A_128 = tpu.vector_load_idx %arg6[%parallel_loop3A_127] : memref<25600xi32, #tpu.memory_space<vmem>>[vector<16xi32>], vector<16xi32>,
      %parallel_loop3A_129 = arith.index_cast %parallel_loop3A_119 : i32 to index
      %parallel_loop3A_130 = arith.constant 16 : index
      %parallel_loop3A_131 = tpu.vector_load %arg7[%parallel_loop3A_129, %parallel_loop3A_130] {strides = array<i32>} : memref<200x128xi32, #tpu.memory_space<vmem>>, vector<16xi32>,
      tpu.vector_store %arg7[%parallel_loop3A_129, %parallel_loop3A_130], %parallel_loop3A_128 {strides = array<i32>} : memref<200x128xi32, #tpu.memory_space<vmem>>, vector<16xi32>,
      %parallel_loop3A_132 = vector.broadcast %parallel_loop3A_119 : i32 to vector<16xi32>
      %parallel_loop3A_133 = arith.addi %mul3A_37, %parallel_loop3A_132 : vector<16xi32>
      %parallel_loop3A_134 = tpu.vector_load_idx %arg6[%parallel_loop3A_133] : memref<25600xi32, #tpu.memory_space<vmem>>[vector<16xi32>], vector<16xi32>,
      %parallel_loop3A_135 = arith.index_cast %parallel_loop3A_119 : i32 to index
      %parallel_loop3A_136 = arith.constant 32 : index
      %parallel_loop3A_137 = tpu.vector_load %arg7[%parallel_loop3A_135, %parallel_loop3A_136] {strides = array<i32>} : memref<200x128xi32, #tpu.memory_space<vmem>>, vector<16xi32>,
      tpu.vector_store %arg7[%parallel_loop3A_135, %parallel_loop3A_136], %parallel_loop3A_134 {strides = array<i32>} : memref<200x128xi32, #tpu.memory_space<vmem>>, vector<16xi32>,
      %parallel_loop3A_138 = vector.broadcast %parallel_loop3A_119 : i32 to vector<16xi32>
      %parallel_loop3A_139 = arith.addi %mul3A_40, %parallel_loop3A_138 : vector<16xi32>
      %parallel_loop3A_140 = tpu.vector_load_idx %arg6[%parallel_loop3A_139] : memref<25600xi32, #tpu.memory_space<vmem>>[vector<16xi32>], vector<16xi32>,
      %parallel_loop3A_141 = arith.index_cast %parallel_loop3A_119 : i32 to index
      %parallel_loop3A_142 = arith.constant 48 : index
      %parallel_loop3A_143 = tpu.vector_load %arg7[%parallel_loop3A_141, %parallel_loop3A_142] {strides = array<i32>} : memref<200x128xi32, #tpu.memory_space<vmem>>, vector<16xi32>,
      tpu.vector_store %arg7[%parallel_loop3A_141, %parallel_loop3A_142], %parallel_loop3A_140 {strides = array<i32>} : memref<200x128xi32, #tpu.memory_space<vmem>>, vector<16xi32>,
      %parallel_loop3A_144 = vector.broadcast %parallel_loop3A_119 : i32 to vector<16xi32>
      %parallel_loop3A_145 = arith.addi %mul3A_43, %parallel_loop3A_144 : vector<16xi32>
      %parallel_loop3A_146 = tpu.vector_load_idx %arg6[%parallel_loop3A_145] : memref<25600xi32, #tpu.memory_space<vmem>>[vector<16xi32>], vector<16xi32>,
      %parallel_loop3A_147 = arith.index_cast %parallel_loop3A_119 : i32 to index
      %parallel_loop3A_148 = arith.constant 64 : index
      %parallel_loop3A_149 = tpu.vector_load %arg7[%parallel_loop3A_147, %parallel_loop3A_148] {strides = array<i32>} : memref<200x128xi32, #tpu.memory_space<vmem>>, vector<16xi32>,
      tpu.vector_store %arg7[%parallel_loop3A_147, %parallel_loop3A_148], %parallel_loop3A_146 {strides = array<i32>} : memref<200x128xi32, #tpu.memory_space<vmem>>, vector<16xi32>,
      %parallel_loop3A_150 = vector.broadcast %parallel_loop3A_119 : i32 to vector<16xi32>
      %parallel_loop3A_151 = arith.addi %mul3A_46, %parallel_loop3A_150 : vector<16xi32>
      %parallel_loop3A_152 = tpu.vector_load_idx %arg6[%parallel_loop3A_151] : memref<25600xi32, #tpu.memory_space<vmem>>[vector<16xi32>], vector<16xi32>,
      %parallel_loop3A_153 = arith.index_cast %parallel_loop3A_119 : i32 to index
      %parallel_loop3A_154 = arith.constant 80 : index
      %parallel_loop3A_155 = tpu.vector_load %arg7[%parallel_loop3A_153, %parallel_loop3A_154] {strides = array<i32>} : memref<200x128xi32, #tpu.memory_space<vmem>>, vector<16xi32>,
      tpu.vector_store %arg7[%parallel_loop3A_153, %parallel_loop3A_154], %parallel_loop3A_152 {strides = array<i32>} : memref<200x128xi32, #tpu.memory_space<vmem>>, vector<16xi32>,
      %parallel_loop3A_156 = vector.broadcast %parallel_loop3A_119 : i32 to vector<16xi32>
      %parallel_loop3A_157 = arith.addi %mul3A_49, %parallel_loop3A_156 : vector<16xi32>
      %parallel_loop3A_158 = tpu.vector_load_idx %arg6[%parallel_loop3A_157] : memref<25600xi32, #tpu.memory_space<vmem>>[vector<16xi32>], vector<16xi32>,
      %parallel_loop3A_159 = arith.index_cast %parallel_loop3A_119 : i32 to index
      %parallel_loop3A_160 = arith.constant 96 : index
      %parallel_loop3A_161 = tpu.vector_load %arg7[%parallel_loop3A_159, %parallel_loop3A_160] {strides = array<i32>} : memref<200x128xi32, #tpu.memory_space<vmem>>, vector<16xi32>,
      tpu.vector_store %arg7[%parallel_loop3A_159, %parallel_loop3A_160], %parallel_loop3A_158 {strides = array<i32>} : memref<200x128xi32, #tpu.memory_space<vmem>>, vector<16xi32>,
      %parallel_loop3A_162 = vector.broadcast %parallel_loop3A_119 : i32 to vector<16xi32>
      %parallel_loop3A_163 = arith.addi %mul3A_52, %parallel_loop3A_162 : vector<16xi32>
      %parallel_loop3A_164 = tpu.vector_load_idx %arg6[%parallel_loop3A_163] : memref<25600xi32, #tpu.memory_space<vmem>>[vector<16xi32>], vector<16xi32>,
      %parallel_loop3A_165 = arith.index_cast %parallel_loop3A_119 : i32 to index
      %parallel_loop3A_166 = arith.constant 112 : index
      %parallel_loop3A_167 = tpu.vector_load %arg7[%parallel_loop3A_165, %parallel_loop3A_166] {strides = array<i32>} : memref<200x128xi32, #tpu.memory_space<vmem>>, vector<16xi32>,
      tpu.vector_store %arg7[%parallel_loop3A_165, %parallel_loop3A_166], %parallel_loop3A_164 {strides = array<i32>} : memref<200x128xi32, #tpu.memory_space<vmem>>, vector<16xi32>,
    } {sc.loop_unroll_factor = 4 : i64, sc.parallel_access}
    %scan3A = arith.constant 0 : i32
    %scan3A_79 = arith.constant 0 : i32
    %scan3A_80 = arith.constant 50 : i32
    %scan3A_81 = arith.addi %scan3A_79, %scan3A_80 : i32
    %scan3A_82 = arith.constant 1 : i32
    scf.for %scan3A_119 = %scan3A_79 to %scan3A_81 step %scan3A_82  : i32 {
      %mul3A_120 = arith.constant 4 : i32
      %mul3A_121 = arith.muli %scan3A_119, %mul3A_120 : i32
      %add3A_122 = arith.constant 0 : i32
      %add3A_123 = arith.addi %mul3A_121, %add3A_122 : i32
      %gt3A = arith.constant 0 : i32
      %gt3A_124 = arith.cmpi sgt, %scan3A_119, %gt3A : i32
      %convert_element_type3A = arith.extui %gt3A_124 : i1 to i32
      %cond3A = arith.constant 0 : i32
      %cond3A_125 = arith.cmpi ne, %convert_element_type3A, %cond3A : i32
      scf.if %cond3A_125 {
        %dma_wait3A_252 = arith.constant 0 : i32
        %dma_wait3A_253 = arith.constant 0 : i32
        %dma_wait3A_254 = arith.constant 0 : i32
        %dma_wait3A_255 = tpu.memref_slice %arg5[%dma_wait3A_252, %dma_wait3A_253, %dma_wait3A_254] : memref<200x64x4096xf32, #tpu.memory_space<hbm>> -> memref<1x64x128xf32, #tpu.memory_space<hbm>>
        %dma_wait3A_256 = tpu.memref_squeeze %dma_wait3A_255 : memref<1x64x128xf32, #tpu.memory_space<hbm>> -> memref<64x128xf32, #tpu.memory_space<hbm>>
        %dma_wait3A_257 = arith.constant 0 : i32
        %dma_wait3A_258 = arith.constant 0 : i32
        %dma_wait3A_259 = tpu.memref_slice %arg5[%dma_wait3A_252, %dma_wait3A_257, %dma_wait3A_258] : memref<200x64x4096xf32, #tpu.memory_space<hbm>> -> memref<1x64x128xf32, #tpu.memory_space<hbm>>
        %dma_wait3A_260 = tpu.memref_squeeze %dma_wait3A_259 : memref<1x64x128xf32, #tpu.memory_space<hbm>> -> memref<64x128xf32, #tpu.memory_space<hbm>>
        tpu.wait_dma2 semaphore(%arg21 : memref<!tpu.dma_semaphore, #tpu.memory_space<semaphore_mem>>) src(%arg13 : memref<64x128xf32, #tpu.memory_space<vmem>>) dst(%dma_wait3A_260 : memref<64x128xf32, #tpu.memory_space<hbm>>)
      } else {
      }
      %dma_start3A = arith.constant 0 : i32
      %dma_start3A_126 = tpu.memref_slice %arg7[%add3A_123, %dma_start3A] : memref<200x128xi32, #tpu.memory_space<vmem>> -> memref<1x128xi32, #tpu.memory_space<vmem>>
      %dma_start3A_127 = tpu.memref_squeeze %dma_start3A_126 : memref<1x128xi32, #tpu.memory_space<vmem>> -> memref<128xi32, #tpu.memory_space<vmem>>
      %dma_start3A_128 = arith.constant 0 : i32
      %dma_start3A_129 = arith.constant 0 : i32
      %dma_start3A_130 = tpu.memref_slice %arg3[%dma_start3A_128, %dma_start3A_129] : memref<100000x64xf32, #tpu.memory_space<hbm>> -> memref<100000x64xf32, #tpu.memory_space<hbm>>
      tpu.enqueue_indirect_dma source(%dma_start3A_130 : memref<100000x64xf32, #tpu.memory_space<hbm>>) target(%arg9 : memref<128x64xf32, #tpu.memory_space<vmem>>) offsets(%dma_start3A_127 : memref<128xi32, #tpu.memory_space<vmem>>) semaphore(%arg17 : memref<!tpu.dma_semaphore, #tpu.memory_space<semaphore_mem>>)
      %mul3A_131 = arith.constant 4 : i32
      %mul3A_132 = arith.muli %scan3A_119, %mul3A_131 : i32
      %add3A_133 = arith.constant 1 : i32
      %add3A_134 = arith.addi %mul3A_132, %add3A_133 : i32
      %gt3A_135 = arith.constant 0 : i32
      %gt3A_136 = arith.cmpi sgt, %scan3A_119, %gt3A_135 : i32
      %convert_element_type3A_137 = arith.extui %gt3A_136 : i1 to i32
      %cond3A_138 = arith.constant 0 : i32
      %cond3A_139 = arith.cmpi ne, %convert_element_type3A_137, %cond3A_138 : i32
      scf.if %cond3A_139 {
        %dma_wait3A_252 = arith.constant 0 : i32
        %dma_wait3A_253 = arith.constant 0 : i32
        %dma_wait3A_254 = arith.constant 0 : i32
        %dma_wait3A_255 = tpu.memref_slice %arg5[%dma_wait3A_252, %dma_wait3A_253, %dma_wait3A_254] : memref<200x64x4096xf32, #tpu.memory_space<hbm>> -> memref<1x64x128xf32, #tpu.memory_space<hbm>>
        %dma_wait3A_256 = tpu.memref_squeeze %dma_wait3A_255 : memref<1x64x128xf32, #tpu.memory_space<hbm>> -> memref<64x128xf32, #tpu.memory_space<hbm>>
        %dma_wait3A_257 = arith.constant 0 : i32
        %dma_wait3A_258 = arith.constant 0 : i32
        %dma_wait3A_259 = tpu.memref_slice %arg5[%dma_wait3A_252, %dma_wait3A_257, %dma_wait3A_258] : memref<200x64x4096xf32, #tpu.memory_space<hbm>> -> memref<1x64x128xf32, #tpu.memory_space<hbm>>
        %dma_wait3A_260 = tpu.memref_squeeze %dma_wait3A_259 : memref<1x64x128xf32, #tpu.memory_space<hbm>> -> memref<64x128xf32, #tpu.memory_space<hbm>>
        tpu.wait_dma2 semaphore(%arg22 : memref<!tpu.dma_semaphore, #tpu.memory_space<semaphore_mem>>) src(%arg14 : memref<64x128xf32, #tpu.memory_space<vmem>>) dst(%dma_wait3A_260 : memref<64x128xf32, #tpu.memory_space<hbm>>)
      } else {
      }
      %dma_start3A_140 = arith.constant 0 : i32
      %dma_start3A_141 = tpu.memref_slice %arg7[%add3A_134, %dma_start3A_140] : memref<200x128xi32, #tpu.memory_space<vmem>> -> memref<1x128xi32, #tpu.memory_space<vmem>>
      %dma_start3A_142 = tpu.memref_squeeze %dma_start3A_141 : memref<1x128xi32, #tpu.memory_space<vmem>> -> memref<128xi32, #tpu.memory_space<vmem>>
      %dma_start3A_143 = arith.constant 0 : i32
      %dma_start3A_144 = arith.constant 0 : i32
      %dma_start3A_145 = tpu.memref_slice %arg3[%dma_start3A_143, %dma_start3A_144] : memref<100000x64xf32, #tpu.memory_space<hbm>> -> memref<100000x64xf32, #tpu.memory_space<hbm>>
      tpu.enqueue_indirect_dma source(%dma_start3A_145 : memref<100000x64xf32, #tpu.memory_space<hbm>>) target(%arg10 : memref<128x64xf32, #tpu.memory_space<vmem>>) offsets(%dma_start3A_142 : memref<128xi32, #tpu.memory_space<vmem>>) semaphore(%arg18 : memref<!tpu.dma_semaphore, #tpu.memory_space<semaphore_mem>>)
      %mul3A_146 = arith.constant 4 : i32
      %mul3A_147 = arith.muli %scan3A_119, %mul3A_146 : i32
      %add3A_148 = arith.constant 2 : i32
      %add3A_149 = arith.addi %mul3A_147, %add3A_148 : i32
      %gt3A_150 = arith.constant 0 : i32
      %gt3A_151 = arith.cmpi sgt, %scan3A_119, %gt3A_150 : i32
      %convert_element_type3A_152 = arith.extui %gt3A_151 : i1 to i32
      %cond3A_153 = arith.constant 0 : i32
      %cond3A_154 = arith.cmpi ne, %convert_element_type3A_152, %cond3A_153 : i32
      scf.if %cond3A_154 {
        %dma_wait3A_252 = arith.constant 0 : i32
        %dma_wait3A_253 = arith.constant 0 : i32
        %dma_wait3A_254 = arith.constant 0 : i32
        %dma_wait3A_255 = tpu.memref_slice %arg5[%dma_wait3A_252, %dma_wait3A_253, %dma_wait3A_254] : memref<200x64x4096xf32, #tpu.memory_space<hbm>> -> memref<1x64x128xf32, #tpu.memory_space<hbm>>
        %dma_wait3A_256 = tpu.memref_squeeze %dma_wait3A_255 : memref<1x64x128xf32, #tpu.memory_space<hbm>> -> memref<64x128xf32, #tpu.memory_space<hbm>>
        %dma_wait3A_257 = arith.constant 0 : i32
        %dma_wait3A_258 = arith.constant 0 : i32
        %dma_wait3A_259 = tpu.memref_slice %arg5[%dma_wait3A_252, %dma_wait3A_257, %dma_wait3A_258] : memref<200x64x4096xf32, #tpu.memory_space<hbm>> -> memref<1x64x128xf32, #tpu.memory_space<hbm>>
        %dma_wait3A_260 = tpu.memref_squeeze %dma_wait3A_259 : memref<1x64x128xf32, #tpu.memory_space<hbm>> -> memref<64x128xf32, #tpu.memory_space<hbm>>
        tpu.wait_dma2 semaphore(%arg23 : memref<!tpu.dma_semaphore, #tpu.memory_space<semaphore_mem>>) src(%arg15 : memref<64x128xf32, #tpu.memory_space<vmem>>) dst(%dma_wait3A_260 : memref<64x128xf32, #tpu.memory_space<hbm>>)
      } else {
      }
      %dma_start3A_155 = arith.constant 0 : i32
      %dma_start3A_156 = tpu.memref_slice %arg7[%add3A_149, %dma_start3A_155] : memref<200x128xi32, #tpu.memory_space<vmem>> -> memref<1x128xi32, #tpu.memory_space<vmem>>
      %dma_start3A_157 = tpu.memref_squeeze %dma_start3A_156 : memref<1x128xi32, #tpu.memory_space<vmem>> -> memref<128xi32, #tpu.memory_space<vmem>>
      %dma_start3A_158 = arith.constant 0 : i32
      %dma_start3A_159 = arith.constant 0 : i32
      %dma_start3A_160 = tpu.memref_slice %arg3[%dma_start3A_158, %dma_start3A_159] : memref<100000x64xf32, #tpu.memory_space<hbm>> -> memref<100000x64xf32, #tpu.memory_space<hbm>>
      tpu.enqueue_indirect_dma source(%dma_start3A_160 : memref<100000x64xf32, #tpu.memory_space<hbm>>) target(%arg11 : memref<128x64xf32, #tpu.memory_space<vmem>>) offsets(%dma_start3A_157 : memref<128xi32, #tpu.memory_space<vmem>>) semaphore(%arg19 : memref<!tpu.dma_semaphore, #tpu.memory_space<semaphore_mem>>)
      %mul3A_161 = arith.constant 4 : i32
      %mul3A_162 = arith.muli %scan3A_119, %mul3A_161 : i32
      %add3A_163 = arith.constant 3 : i32
      %add3A_164 = arith.addi %mul3A_162, %add3A_163 : i32
      %gt3A_165 = arith.constant 0 : i32
      %gt3A_166 = arith.cmpi sgt, %scan3A_119, %gt3A_165 : i32
      %convert_element_type3A_167 = arith.extui %gt3A_166 : i1 to i32
      %cond3A_168 = arith.constant 0 : i32
      %cond3A_169 = arith.cmpi ne, %convert_element_type3A_167, %cond3A_168 : i32
      scf.if %cond3A_169 {
        %dma_wait3A_252 = arith.constant 0 : i32
        %dma_wait3A_253 = arith.constant 0 : i32
        %dma_wait3A_254 = arith.constant 0 : i32
        %dma_wait3A_255 = tpu.memref_slice %arg5[%dma_wait3A_252, %dma_wait3A_253, %dma_wait3A_254] : memref<200x64x4096xf32, #tpu.memory_space<hbm>> -> memref<1x64x128xf32, #tpu.memory_space<hbm>>
        %dma_wait3A_256 = tpu.memref_squeeze %dma_wait3A_255 : memref<1x64x128xf32, #tpu.memory_space<hbm>> -> memref<64x128xf32, #tpu.memory_space<hbm>>
        %dma_wait3A_257 = arith.constant 0 : i32
        %dma_wait3A_258 = arith.constant 0 : i32
        %dma_wait3A_259 = tpu.memref_slice %arg5[%dma_wait3A_252, %dma_wait3A_257, %dma_wait3A_258] : memref<200x64x4096xf32, #tpu.memory_space<hbm>> -> memref<1x64x128xf32, #tpu.memory_space<hbm>>
        %dma_wait3A_260 = tpu.memref_squeeze %dma_wait3A_259 : memref<1x64x128xf32, #tpu.memory_space<hbm>> -> memref<64x128xf32, #tpu.memory_space<hbm>>
        tpu.wait_dma2 semaphore(%arg24 : memref<!tpu.dma_semaphore, #tpu.memory_space<semaphore_mem>>) src(%arg16 : memref<64x128xf32, #tpu.memory_space<vmem>>) dst(%dma_wait3A_260 : memref<64x128xf32, #tpu.memory_space<hbm>>)
      } else {
      }
      %dma_start3A_170 = arith.constant 0 : i32
      %dma_start3A_171 = tpu.memref_slice %arg7[%add3A_164, %dma_start3A_170] : memref<200x128xi32, #tpu.memory_space<vmem>> -> memref<1x128xi32, #tpu.memory_space<vmem>>
      %dma_start3A_172 = tpu.memref_squeeze %dma_start3A_171 : memref<1x128xi32, #tpu.memory_space<vmem>> -> memref<128xi32, #tpu.memory_space<vmem>>
      %dma_start3A_173 = arith.constant 0 : i32
      %dma_start3A_174 = arith.constant 0 : i32
      %dma_start3A_175 = tpu.memref_slice %arg3[%dma_start3A_173, %dma_start3A_174] : memref<100000x64xf32, #tpu.memory_space<hbm>> -> memref<100000x64xf32, #tpu.memory_space<hbm>>
      tpu.enqueue_indirect_dma source(%dma_start3A_175 : memref<100000x64xf32, #tpu.memory_space<hbm>>) target(%arg12 : memref<128x64xf32, #tpu.memory_space<vmem>>) offsets(%dma_start3A_172 : memref<128xi32, #tpu.memory_space<vmem>>) semaphore(%arg20 : memref<!tpu.dma_semaphore, #tpu.memory_space<semaphore_mem>>)
      %mul3A_176 = arith.constant 4 : i32
      %mul3A_177 = arith.muli %scan3A_119, %mul3A_176 : i32
      %add3A_178 = arith.constant 0 : i32
      %add3A_179 = arith.addi %mul3A_177, %add3A_178 : i32
      %dma_wait3A_180 = arith.constant 0 : i32
      %dma_wait3A_181 = tpu.memref_slice %arg7[%add3A_123, %dma_wait3A_180] : memref<200x128xi32, #tpu.memory_space<vmem>> -> memref<1x128xi32, #tpu.memory_space<vmem>>
      %dma_wait3A_182 = tpu.memref_squeeze %dma_wait3A_181 : memref<1x128xi32, #tpu.memory_space<vmem>> -> memref<128xi32, #tpu.memory_space<vmem>>
      %dma_wait3A_183 = arith.constant 0 : i32
      %dma_wait3A_184 = arith.constant 0 : i32
      %dma_wait3A_185 = tpu.memref_slice %arg3[%dma_wait3A_183, %dma_wait3A_184] : memref<100000x64xf32, #tpu.memory_space<hbm>> -> memref<100000x64xf32, #tpu.memory_space<hbm>>
      tpu.wait_indirect_dma semaphore(%arg17 : memref<!tpu.dma_semaphore, #tpu.memory_space<semaphore_mem>>) src(%dma_wait3A_185 : memref<100000x64xf32, #tpu.memory_space<hbm>>) dst(%arg9 : memref<128x64xf32, #tpu.memory_space<vmem>>)
      %parallel_loop3A_186 = arith.constant 0 : i32
      %parallel_loop3A_187 = arith.constant 64 : i32
      %parallel_loop3A_188 = arith.constant 1 : i32
      scf.for %parallel_loop3A_252 = %parallel_loop3A_186 to %parallel_loop3A_187 step %parallel_loop3A_188  : i32 {
        %parallel_loop3A_253 = vector.broadcast %parallel_loop3A_252 : i32 to vector<16xi32>
        %parallel_loop3A_254 = arith.addi %parallel_loop3A_253, %iota3A : vector<16xi32>
        %parallel_loop3A_255 = arith.constant 63 : i32
        %parallel_loop3A_256 = vector.broadcast %parallel_loop3A_255 : i32 to vector<16xi32>
        %parallel_loop3A_257 = arith.andi %parallel_loop3A_254, %parallel_loop3A_256 : vector<16xi32>
        %parallel_loop3A_258 = arith.constant 64 : i32
        %parallel_loop3A_259 = arith.muli %add3A_179, %parallel_loop3A_258 : i32
        %parallel_loop3A_260 = vector.broadcast %parallel_loop3A_259 : i32 to vector<16xi32>
        %parallel_loop3A_261 = arith.addi %parallel_loop3A_257, %parallel_loop3A_260 : vector<16xi32>
        %parallel_loop3A_262 = tpu.vector_load_idx %arg8[%parallel_loop3A_261] : memref<12800xf32, #tpu.memory_space<vmem>>[vector<16xi32>], vector<16xf32>,
        %parallel_loop3A_263 = tpu.vector_load_idx %arg9[%add3A_7, %parallel_loop3A_257] : memref<128x64xf32, #tpu.memory_space<vmem>>[vector<16xi32>, vector<16xi32>], vector<16xf32>,
        %parallel_loop3A_264 = arith.addf %parallel_loop3A_263, %parallel_loop3A_262 : vector<16xf32>
        tpu.vector_store_idx %arg13[%parallel_loop3A_257, %add3A_7], %parallel_loop3A_264 : memref<64x128xf32, #tpu.memory_space<vmem>>[vector<16xi32>, vector<16xi32>], vector<16xf32>,
        %parallel_loop3A_265 = tpu.vector_load_idx %arg9[%add3A_10, %parallel_loop3A_257] : memref<128x64xf32, #tpu.memory_space<vmem>>[vector<16xi32>, vector<16xi32>], vector<16xf32>,
        %parallel_loop3A_266 = arith.addf %parallel_loop3A_265, %parallel_loop3A_262 : vector<16xf32>
        tpu.vector_store_idx %arg13[%parallel_loop3A_257, %add3A_10], %parallel_loop3A_266 : memref<64x128xf32, #tpu.memory_space<vmem>>[vector<16xi32>, vector<16xi32>], vector<16xf32>,
        %parallel_loop3A_267 = tpu.vector_load_idx %arg9[%add3A_13, %parallel_loop3A_257] : memref<128x64xf32, #tpu.memory_space<vmem>>[vector<16xi32>, vector<16xi32>], vector<16xf32>,
        %parallel_loop3A_268 = arith.addf %parallel_loop3A_267, %parallel_loop3A_262 : vector<16xf32>
        tpu.vector_store_idx %arg13[%parallel_loop3A_257, %add3A_13], %parallel_loop3A_268 : memref<64x128xf32, #tpu.memory_space<vmem>>[vector<16xi32>, vector<16xi32>], vector<16xf32>,
        %parallel_loop3A_269 = tpu.vector_load_idx %arg9[%add3A_16, %parallel_loop3A_257] : memref<128x64xf32, #tpu.memory_space<vmem>>[vector<16xi32>, vector<16xi32>], vector<16xf32>,
        %parallel_loop3A_270 = arith.addf %parallel_loop3A_269, %parallel_loop3A_262 : vector<16xf32>
        tpu.vector_store_idx %arg13[%parallel_loop3A_257, %add3A_16], %parallel_loop3A_270 : memref<64x128xf32, #tpu.memory_space<vmem>>[vector<16xi32>, vector<16xi32>], vector<16xf32>,
        %parallel_loop3A_271 = tpu.vector_load_idx %arg9[%add3A_19, %parallel_loop3A_257] : memref<128x64xf32, #tpu.memory_space<vmem>>[vector<16xi32>, vector<16xi32>], vector<16xf32>,
        %parallel_loop3A_272 = arith.addf %parallel_loop3A_271, %parallel_loop3A_262 : vector<16xf32>
        tpu.vector_store_idx %arg13[%parallel_loop3A_257, %add3A_19], %parallel_loop3A_272 : memref<64x128xf32, #tpu.memory_space<vmem>>[vector<16xi32>, vector<16xi32>], vector<16xf32>,
        %parallel_loop3A_273 = tpu.vector_load_idx %arg9[%add3A_22, %parallel_loop3A_257] : memref<128x64xf32, #tpu.memory_space<vmem>>[vector<16xi32>, vector<16xi32>], vector<16xf32>,
        %parallel_loop3A_274 = arith.addf %parallel_loop3A_273, %parallel_loop3A_262 : vector<16xf32>
        tpu.vector_store_idx %arg13[%parallel_loop3A_257, %add3A_22], %parallel_loop3A_274 : memref<64x128xf32, #tpu.memory_space<vmem>>[vector<16xi32>, vector<16xi32>], vector<16xf32>,
        %parallel_loop3A_275 = tpu.vector_load_idx %arg9[%add3A_25, %parallel_loop3A_257] : memref<128x64xf32, #tpu.memory_space<vmem>>[vector<16xi32>, vector<16xi32>], vector<16xf32>,
        %parallel_loop3A_276 = arith.addf %parallel_loop3A_275, %parallel_loop3A_262 : vector<16xf32>
        tpu.vector_store_idx %arg13[%parallel_loop3A_257, %add3A_25], %parallel_loop3A_276 : memref<64x128xf32, #tpu.memory_space<vmem>>[vector<16xi32>, vector<16xi32>], vector<16xf32>,
        %parallel_loop3A_277 = tpu.vector_load_idx %arg9[%add3A_28, %parallel_loop3A_257] : memref<128x64xf32, #tpu.memory_space<vmem>>[vector<16xi32>, vector<16xi32>], vector<16xf32>,
        %parallel_loop3A_278 = arith.addf %parallel_loop3A_277, %parallel_loop3A_262 : vector<16xf32>
        tpu.vector_store_idx %arg13[%parallel_loop3A_257, %add3A_28], %parallel_loop3A_278 : memref<64x128xf32, #tpu.memory_space<vmem>>[vector<16xi32>, vector<16xi32>], vector<16xf32>,
      } {sc.loop_unroll_factor = 8 : i64, sc.parallel_access}
      %dma_start3A_189 = arith.constant 0 : i32
      %dma_start3A_190 = tpu.memref_slice %arg5[%add3A_179, %dma_start3A_189, %mul3A_2] : memref<200x64x4096xf32, #tpu.memory_space<hbm>> -> memref<1x64x128xf32, #tpu.memory_space<hbm>>
      %dma_start3A_191 = tpu.memref_squeeze %dma_start3A_190 : memref<1x64x128xf32, #tpu.memory_space<hbm>> -> memref<64x128xf32, #tpu.memory_space<hbm>>
      %dma_start3A_192 = arith.constant 0 : i32
      %dma_start3A_193 = tpu.memref_slice %arg5[%add3A_179, %dma_start3A_192, %mul3A_2] : memref<200x64x4096xf32, #tpu.memory_space<hbm>> -> memref<1x64x128xf32, #tpu.memory_space<hbm>>
      %dma_start3A_194 = tpu.memref_squeeze %dma_start3A_193 : memref<1x64x128xf32, #tpu.memory_space<hbm>> -> memref<64x128xf32, #tpu.memory_space<hbm>>
      tpu.enqueue_dma source(%arg13 : memref<64x128xf32, #tpu.memory_space<vmem>>) target(%dma_start3A_194 : memref<64x128xf32, #tpu.memory_space<hbm>>) target_semaphore(%arg21 : memref<!tpu.dma_semaphore, #tpu.memory_space<semaphore_mem>>)
      %mul3A_195 = arith.constant 4 : i32
      %mul3A_196 = arith.muli %scan3A_119, %mul3A_195 : i32
      %add3A_197 = arith.constant 1 : i32
      %add3A_198 = arith.addi %mul3A_196, %add3A_197 : i32
      %dma_wait3A_199 = arith.constant 0 : i32
      %dma_wait3A_200 = tpu.memref_slice %arg7[%add3A_134, %dma_wait3A_199] : memref<200x128xi32, #tpu.memory_space<vmem>> -> memref<1x128xi32, #tpu.memory_space<vmem>>
      %dma_wait3A_201 = tpu.memref_squeeze %dma_wait3A_200 : memref<1x128xi32, #tpu.memory_space<vmem>> -> memref<128xi32, #tpu.memory_space<vmem>>
      %dma_wait3A_202 = arith.constant 0 : i32
      %dma_wait3A_203 = arith.constant 0 : i32
      %dma_wait3A_204 = tpu.memref_slice %arg3[%dma_wait3A_202, %dma_wait3A_203] : memref<100000x64xf32, #tpu.memory_space<hbm>> -> memref<100000x64xf32, #tpu.memory_space<hbm>>
      tpu.wait_indirect_dma semaphore(%arg18 : memref<!tpu.dma_semaphore, #tpu.memory_space<semaphore_mem>>) src(%dma_wait3A_204 : memref<100000x64xf32, #tpu.memory_space<hbm>>) dst(%arg10 : memref<128x64xf32, #tpu.memory_space<vmem>>)
      %parallel_loop3A_205 = arith.constant 0 : i32
      %parallel_loop3A_206 = arith.constant 64 : i32
      %parallel_loop3A_207 = arith.constant 1 : i32
      scf.for %parallel_loop3A_252 = %parallel_loop3A_205 to %parallel_loop3A_206 step %parallel_loop3A_207  : i32 {
        %parallel_loop3A_253 = vector.broadcast %parallel_loop3A_252 : i32 to vector<16xi32>
        %parallel_loop3A_254 = arith.addi %parallel_loop3A_253, %iota3A : vector<16xi32>
        %parallel_loop3A_255 = arith.constant 63 : i32
        %parallel_loop3A_256 = vector.broadcast %parallel_loop3A_255 : i32 to vector<16xi32>
        %parallel_loop3A_257 = arith.andi %parallel_loop3A_254, %parallel_loop3A_256 : vector<16xi32>
        %parallel_loop3A_258 = arith.constant 64 : i32
        %parallel_loop3A_259 = arith.muli %add3A_198, %parallel_loop3A_258 : i32
        %parallel_loop3A_260 = vector.broadcast %parallel_loop3A_259 : i32 to vector<16xi32>
        %parallel_loop3A_261 = arith.addi %parallel_loop3A_257, %parallel_loop3A_260 : vector<16xi32>
        %parallel_loop3A_262 = tpu.vector_load_idx %arg8[%parallel_loop3A_261] : memref<12800xf32, #tpu.memory_space<vmem>>[vector<16xi32>], vector<16xf32>,
        %parallel_loop3A_263 = tpu.vector_load_idx %arg10[%add3A_7, %parallel_loop3A_257] : memref<128x64xf32, #tpu.memory_space<vmem>>[vector<16xi32>, vector<16xi32>], vector<16xf32>,
        %parallel_loop3A_264 = arith.addf %parallel_loop3A_263, %parallel_loop3A_262 : vector<16xf32>
        tpu.vector_store_idx %arg14[%parallel_loop3A_257, %add3A_7], %parallel_loop3A_264 : memref<64x128xf32, #tpu.memory_space<vmem>>[vector<16xi32>, vector<16xi32>], vector<16xf32>,
        %parallel_loop3A_265 = tpu.vector_load_idx %arg10[%add3A_10, %parallel_loop3A_257] : memref<128x64xf32, #tpu.memory_space<vmem>>[vector<16xi32>, vector<16xi32>], vector<16xf32>,
        %parallel_loop3A_266 = arith.addf %parallel_loop3A_265, %parallel_loop3A_262 : vector<16xf32>
        tpu.vector_store_idx %arg14[%parallel_loop3A_257, %add3A_10], %parallel_loop3A_266 : memref<64x128xf32, #tpu.memory_space<vmem>>[vector<16xi32>, vector<16xi32>], vector<16xf32>,
        %parallel_loop3A_267 = tpu.vector_load_idx %arg10[%add3A_13, %parallel_loop3A_257] : memref<128x64xf32, #tpu.memory_space<vmem>>[vector<16xi32>, vector<16xi32>], vector<16xf32>,
        %parallel_loop3A_268 = arith.addf %parallel_loop3A_267, %parallel_loop3A_262 : vector<16xf32>
        tpu.vector_store_idx %arg14[%parallel_loop3A_257, %add3A_13], %parallel_loop3A_268 : memref<64x128xf32, #tpu.memory_space<vmem>>[vector<16xi32>, vector<16xi32>], vector<16xf32>,
        %parallel_loop3A_269 = tpu.vector_load_idx %arg10[%add3A_16, %parallel_loop3A_257] : memref<128x64xf32, #tpu.memory_space<vmem>>[vector<16xi32>, vector<16xi32>], vector<16xf32>,
        %parallel_loop3A_270 = arith.addf %parallel_loop3A_269, %parallel_loop3A_262 : vector<16xf32>
        tpu.vector_store_idx %arg14[%parallel_loop3A_257, %add3A_16], %parallel_loop3A_270 : memref<64x128xf32, #tpu.memory_space<vmem>>[vector<16xi32>, vector<16xi32>], vector<16xf32>,
        %parallel_loop3A_271 = tpu.vector_load_idx %arg10[%add3A_19, %parallel_loop3A_257] : memref<128x64xf32, #tpu.memory_space<vmem>>[vector<16xi32>, vector<16xi32>], vector<16xf32>,
        %parallel_loop3A_272 = arith.addf %parallel_loop3A_271, %parallel_loop3A_262 : vector<16xf32>
        tpu.vector_store_idx %arg14[%parallel_loop3A_257, %add3A_19], %parallel_loop3A_272 : memref<64x128xf32, #tpu.memory_space<vmem>>[vector<16xi32>, vector<16xi32>], vector<16xf32>,
        %parallel_loop3A_273 = tpu.vector_load_idx %arg10[%add3A_22, %parallel_loop3A_257] : memref<128x64xf32, #tpu.memory_space<vmem>>[vector<16xi32>, vector<16xi32>], vector<16xf32>,
        %parallel_loop3A_274 = arith.addf %parallel_loop3A_273, %parallel_loop3A_262 : vector<16xf32>
        tpu.vector_store_idx %arg14[%parallel_loop3A_257, %add3A_22], %parallel_loop3A_274 : memref<64x128xf32, #tpu.memory_space<vmem>>[vector<16xi32>, vector<16xi32>], vector<16xf32>,
        %parallel_loop3A_275 = tpu.vector_load_idx %arg10[%add3A_25, %parallel_loop3A_257] : memref<128x64xf32, #tpu.memory_space<vmem>>[vector<16xi32>, vector<16xi32>], vector<16xf32>,
        %parallel_loop3A_276 = arith.addf %parallel_loop3A_275, %parallel_loop3A_262 : vector<16xf32>
        tpu.vector_store_idx %arg14[%parallel_loop3A_257, %add3A_25], %parallel_loop3A_276 : memref<64x128xf32, #tpu.memory_space<vmem>>[vector<16xi32>, vector<16xi32>], vector<16xf32>,
        %parallel_loop3A_277 = tpu.vector_load_idx %arg10[%add3A_28, %parallel_loop3A_257] : memref<128x64xf32, #tpu.memory_space<vmem>>[vector<16xi32>, vector<16xi32>], vector<16xf32>,
        %parallel_loop3A_278 = arith.addf %parallel_loop3A_277, %parallel_loop3A_262 : vector<16xf32>
        tpu.vector_store_idx %arg14[%parallel_loop3A_257, %add3A_28], %parallel_loop3A_278 : memref<64x128xf32, #tpu.memory_space<vmem>>[vector<16xi32>, vector<16xi32>], vector<16xf32>,
      } {sc.loop_unroll_factor = 8 : i64, sc.parallel_access}
      %dma_start3A_208 = arith.constant 0 : i32
      %dma_start3A_209 = tpu.memref_slice %arg5[%add3A_198, %dma_start3A_208, %mul3A_2] : memref<200x64x4096xf32, #tpu.memory_space<hbm>> -> memref<1x64x128xf32, #tpu.memory_space<hbm>>
      %dma_start3A_210 = tpu.memref_squeeze %dma_start3A_209 : memref<1x64x128xf32, #tpu.memory_space<hbm>> -> memref<64x128xf32, #tpu.memory_space<hbm>>
      %dma_start3A_211 = arith.constant 0 : i32
      %dma_start3A_212 = tpu.memref_slice %arg5[%add3A_198, %dma_start3A_211, %mul3A_2] : memref<200x64x4096xf32, #tpu.memory_space<hbm>> -> memref<1x64x128xf32, #tpu.memory_space<hbm>>
      %dma_start3A_213 = tpu.memref_squeeze %dma_start3A_212 : memref<1x64x128xf32, #tpu.memory_space<hbm>> -> memref<64x128xf32, #tpu.memory_space<hbm>>
      tpu.enqueue_dma source(%arg14 : memref<64x128xf32, #tpu.memory_space<vmem>>) target(%dma_start3A_213 : memref<64x128xf32, #tpu.memory_space<hbm>>) target_semaphore(%arg22 : memref<!tpu.dma_semaphore, #tpu.memory_space<semaphore_mem>>)
      %mul3A_214 = arith.constant 4 : i32
      %mul3A_215 = arith.muli %scan3A_119, %mul3A_214 : i32
      %add3A_216 = arith.constant 2 : i32
      %add3A_217 = arith.addi %mul3A_215, %add3A_216 : i32
      %dma_wait3A_218 = arith.constant 0 : i32
      %dma_wait3A_219 = tpu.memref_slice %arg7[%add3A_149, %dma_wait3A_218] : memref<200x128xi32, #tpu.memory_space<vmem>> -> memref<1x128xi32, #tpu.memory_space<vmem>>
      %dma_wait3A_220 = tpu.memref_squeeze %dma_wait3A_219 : memref<1x128xi32, #tpu.memory_space<vmem>> -> memref<128xi32, #tpu.memory_space<vmem>>
      %dma_wait3A_221 = arith.constant 0 : i32
      %dma_wait3A_222 = arith.constant 0 : i32
      %dma_wait3A_223 = tpu.memref_slice %arg3[%dma_wait3A_221, %dma_wait3A_222] : memref<100000x64xf32, #tpu.memory_space<hbm>> -> memref<100000x64xf32, #tpu.memory_space<hbm>>
      tpu.wait_indirect_dma semaphore(%arg19 : memref<!tpu.dma_semaphore, #tpu.memory_space<semaphore_mem>>) src(%dma_wait3A_223 : memref<100000x64xf32, #tpu.memory_space<hbm>>) dst(%arg11 : memref<128x64xf32, #tpu.memory_space<vmem>>)
      %parallel_loop3A_224 = arith.constant 0 : i32
      %parallel_loop3A_225 = arith.constant 64 : i32
      %parallel_loop3A_226 = arith.constant 1 : i32
      scf.for %parallel_loop3A_252 = %parallel_loop3A_224 to %parallel_loop3A_225 step %parallel_loop3A_226  : i32 {
        %parallel_loop3A_253 = vector.broadcast %parallel_loop3A_252 : i32 to vector<16xi32>
        %parallel_loop3A_254 = arith.addi %parallel_loop3A_253, %iota3A : vector<16xi32>
        %parallel_loop3A_255 = arith.constant 63 : i32
        %parallel_loop3A_256 = vector.broadcast %parallel_loop3A_255 : i32 to vector<16xi32>
        %parallel_loop3A_257 = arith.andi %parallel_loop3A_254, %parallel_loop3A_256 : vector<16xi32>
        %parallel_loop3A_258 = arith.constant 64 : i32
        %parallel_loop3A_259 = arith.muli %add3A_217, %parallel_loop3A_258 : i32
        %parallel_loop3A_260 = vector.broadcast %parallel_loop3A_259 : i32 to vector<16xi32>
        %parallel_loop3A_261 = arith.addi %parallel_loop3A_257, %parallel_loop3A_260 : vector<16xi32>
        %parallel_loop3A_262 = tpu.vector_load_idx %arg8[%parallel_loop3A_261] : memref<12800xf32, #tpu.memory_space<vmem>>[vector<16xi32>], vector<16xf32>,
        %parallel_loop3A_263 = tpu.vector_load_idx %arg11[%add3A_7, %parallel_loop3A_257] : memref<128x64xf32, #tpu.memory_space<vmem>>[vector<16xi32>, vector<16xi32>], vector<16xf32>,
        %parallel_loop3A_264 = arith.addf %parallel_loop3A_263, %parallel_loop3A_262 : vector<16xf32>
        tpu.vector_store_idx %arg15[%parallel_loop3A_257, %add3A_7], %parallel_loop3A_264 : memref<64x128xf32, #tpu.memory_space<vmem>>[vector<16xi32>, vector<16xi32>], vector<16xf32>,
        %parallel_loop3A_265 = tpu.vector_load_idx %arg11[%add3A_10, %parallel_loop3A_257] : memref<128x64xf32, #tpu.memory_space<vmem>>[vector<16xi32>, vector<16xi32>], vector<16xf32>,
        %parallel_loop3A_266 = arith.addf %parallel_loop3A_265, %parallel_loop3A_262 : vector<16xf32>
        tpu.vector_store_idx %arg15[%parallel_loop3A_257, %add3A_10], %parallel_loop3A_266 : memref<64x128xf32, #tpu.memory_space<vmem>>[vector<16xi32>, vector<16xi32>], vector<16xf32>,
        %parallel_loop3A_267 = tpu.vector_load_idx %arg11[%add3A_13, %parallel_loop3A_257] : memref<128x64xf32, #tpu.memory_space<vmem>>[vector<16xi32>, vector<16xi32>], vector<16xf32>,
        %parallel_loop3A_268 = arith.addf %parallel_loop3A_267, %parallel_loop3A_262 : vector<16xf32>
        tpu.vector_store_idx %arg15[%parallel_loop3A_257, %add3A_13], %parallel_loop3A_268 : memref<64x128xf32, #tpu.memory_space<vmem>>[vector<16xi32>, vector<16xi32>], vector<16xf32>,
        %parallel_loop3A_269 = tpu.vector_load_idx %arg11[%add3A_16, %parallel_loop3A_257] : memref<128x64xf32, #tpu.memory_space<vmem>>[vector<16xi32>, vector<16xi32>], vector<16xf32>,
        %parallel_loop3A_270 = arith.addf %parallel_loop3A_269, %parallel_loop3A_262 : vector<16xf32>
        tpu.vector_store_idx %arg15[%parallel_loop3A_257, %add3A_16], %parallel_loop3A_270 : memref<64x128xf32, #tpu.memory_space<vmem>>[vector<16xi32>, vector<16xi32>], vector<16xf32>,
        %parallel_loop3A_271 = tpu.vector_load_idx %arg11[%add3A_19, %parallel_loop3A_257] : memref<128x64xf32, #tpu.memory_space<vmem>>[vector<16xi32>, vector<16xi32>], vector<16xf32>,
        %parallel_loop3A_272 = arith.addf %parallel_loop3A_271, %parallel_loop3A_262 : vector<16xf32>
        tpu.vector_store_idx %arg15[%parallel_loop3A_257, %add3A_19], %parallel_loop3A_272 : memref<64x128xf32, #tpu.memory_space<vmem>>[vector<16xi32>, vector<16xi32>], vector<16xf32>,
        %parallel_loop3A_273 = tpu.vector_load_idx %arg11[%add3A_22, %parallel_loop3A_257] : memref<128x64xf32, #tpu.memory_space<vmem>>[vector<16xi32>, vector<16xi32>], vector<16xf32>,
        %parallel_loop3A_274 = arith.addf %parallel_loop3A_273, %parallel_loop3A_262 : vector<16xf32>
        tpu.vector_store_idx %arg15[%parallel_loop3A_257, %add3A_22], %parallel_loop3A_274 : memref<64x128xf32, #tpu.memory_space<vmem>>[vector<16xi32>, vector<16xi32>], vector<16xf32>,
        %parallel_loop3A_275 = tpu.vector_load_idx %arg11[%add3A_25, %parallel_loop3A_257] : memref<128x64xf32, #tpu.memory_space<vmem>>[vector<16xi32>, vector<16xi32>], vector<16xf32>,
        %parallel_loop3A_276 = arith.addf %parallel_loop3A_275, %parallel_loop3A_262 : vector<16xf32>
        tpu.vector_store_idx %arg15[%parallel_loop3A_257, %add3A_25], %parallel_loop3A_276 : memref<64x128xf32, #tpu.memory_space<vmem>>[vector<16xi32>, vector<16xi32>], vector<16xf32>,
        %parallel_loop3A_277 = tpu.vector_load_idx %arg11[%add3A_28, %parallel_loop3A_257] : memref<128x64xf32, #tpu.memory_space<vmem>>[vector<16xi32>, vector<16xi32>], vector<16xf32>,
        %parallel_loop3A_278 = arith.addf %parallel_loop3A_277, %parallel_loop3A_262 : vector<16xf32>
        tpu.vector_store_idx %arg15[%parallel_loop3A_257, %add3A_28], %parallel_loop3A_278 : memref<64x128xf32, #tpu.memory_space<vmem>>[vector<16xi32>, vector<16xi32>], vector<16xf32>,
      } {sc.loop_unroll_factor = 8 : i64, sc.parallel_access}
      %dma_start3A_227 = arith.constant 0 : i32
      %dma_start3A_228 = tpu.memref_slice %arg5[%add3A_217, %dma_start3A_227, %mul3A_2] : memref<200x64x4096xf32, #tpu.memory_space<hbm>> -> memref<1x64x128xf32, #tpu.memory_space<hbm>>
      %dma_start3A_229 = tpu.memref_squeeze %dma_start3A_228 : memref<1x64x128xf32, #tpu.memory_space<hbm>> -> memref<64x128xf32, #tpu.memory_space<hbm>>
      %dma_start3A_230 = arith.constant 0 : i32
      %dma_start3A_231 = tpu.memref_slice %arg5[%add3A_217, %dma_start3A_230, %mul3A_2] : memref<200x64x4096xf32, #tpu.memory_space<hbm>> -> memref<1x64x128xf32, #tpu.memory_space<hbm>>
      %dma_start3A_232 = tpu.memref_squeeze %dma_start3A_231 : memref<1x64x128xf32, #tpu.memory_space<hbm>> -> memref<64x128xf32, #tpu.memory_space<hbm>>
      tpu.enqueue_dma source(%arg15 : memref<64x128xf32, #tpu.memory_space<vmem>>) target(%dma_start3A_232 : memref<64x128xf32, #tpu.memory_space<hbm>>) target_semaphore(%arg23 : memref<!tpu.dma_semaphore, #tpu.memory_space<semaphore_mem>>)
      %mul3A_233 = arith.constant 4 : i32
      %mul3A_234 = arith.muli %scan3A_119, %mul3A_233 : i32
      %add3A_235 = arith.constant 3 : i32
      %add3A_236 = arith.addi %mul3A_234, %add3A_235 : i32
      %dma_wait3A_237 = arith.constant 0 : i32
      %dma_wait3A_238 = tpu.memref_slice %arg7[%add3A_164, %dma_wait3A_237] : memref<200x128xi32, #tpu.memory_space<vmem>> -> memref<1x128xi32, #tpu.memory_space<vmem>>
      %dma_wait3A_239 = tpu.memref_squeeze %dma_wait3A_238 : memref<1x128xi32, #tpu.memory_space<vmem>> -> memref<128xi32, #tpu.memory_space<vmem>>
      %dma_wait3A_240 = arith.constant 0 : i32
      %dma_wait3A_241 = arith.constant 0 : i32
      %dma_wait3A_242 = tpu.memref_slice %arg3[%dma_wait3A_240, %dma_wait3A_241] : memref<100000x64xf32, #tpu.memory_space<hbm>> -> memref<100000x64xf32, #tpu.memory_space<hbm>>
      tpu.wait_indirect_dma semaphore(%arg20 : memref<!tpu.dma_semaphore, #tpu.memory_space<semaphore_mem>>) src(%dma_wait3A_242 : memref<100000x64xf32, #tpu.memory_space<hbm>>) dst(%arg12 : memref<128x64xf32, #tpu.memory_space<vmem>>)
      %parallel_loop3A_243 = arith.constant 0 : i32
      %parallel_loop3A_244 = arith.constant 64 : i32
      %parallel_loop3A_245 = arith.constant 1 : i32
      scf.for %parallel_loop3A_252 = %parallel_loop3A_243 to %parallel_loop3A_244 step %parallel_loop3A_245  : i32 {
        %parallel_loop3A_253 = vector.broadcast %parallel_loop3A_252 : i32 to vector<16xi32>
        %parallel_loop3A_254 = arith.addi %parallel_loop3A_253, %iota3A : vector<16xi32>
        %parallel_loop3A_255 = arith.constant 63 : i32
        %parallel_loop3A_256 = vector.broadcast %parallel_loop3A_255 : i32 to vector<16xi32>
        %parallel_loop3A_257 = arith.andi %parallel_loop3A_254, %parallel_loop3A_256 : vector<16xi32>
        %parallel_loop3A_258 = arith.constant 64 : i32
        %parallel_loop3A_259 = arith.muli %add3A_236, %parallel_loop3A_258 : i32
        %parallel_loop3A_260 = vector.broadcast %parallel_loop3A_259 : i32 to vector<16xi32>
        %parallel_loop3A_261 = arith.addi %parallel_loop3A_257, %parallel_loop3A_260 : vector<16xi32>
        %parallel_loop3A_262 = tpu.vector_load_idx %arg8[%parallel_loop3A_261] : memref<12800xf32, #tpu.memory_space<vmem>>[vector<16xi32>], vector<16xf32>,
        %parallel_loop3A_263 = tpu.vector_load_idx %arg12[%add3A_7, %parallel_loop3A_257] : memref<128x64xf32, #tpu.memory_space<vmem>>[vector<16xi32>, vector<16xi32>], vector<16xf32>,
        %parallel_loop3A_264 = arith.addf %parallel_loop3A_263, %parallel_loop3A_262 : vector<16xf32>
        tpu.vector_store_idx %arg16[%parallel_loop3A_257, %add3A_7], %parallel_loop3A_264 : memref<64x128xf32, #tpu.memory_space<vmem>>[vector<16xi32>, vector<16xi32>], vector<16xf32>,
        %parallel_loop3A_265 = tpu.vector_load_idx %arg12[%add3A_10, %parallel_loop3A_257] : memref<128x64xf32, #tpu.memory_space<vmem>>[vector<16xi32>, vector<16xi32>], vector<16xf32>,
        %parallel_loop3A_266 = arith.addf %parallel_loop3A_265, %parallel_loop3A_262 : vector<16xf32>
        tpu.vector_store_idx %arg16[%parallel_loop3A_257, %add3A_10], %parallel_loop3A_266 : memref<64x128xf32, #tpu.memory_space<vmem>>[vector<16xi32>, vector<16xi32>], vector<16xf32>,
        %parallel_loop3A_267 = tpu.vector_load_idx %arg12[%add3A_13, %parallel_loop3A_257] : memref<128x64xf32, #tpu.memory_space<vmem>>[vector<16xi32>, vector<16xi32>], vector<16xf32>,
        %parallel_loop3A_268 = arith.addf %parallel_loop3A_267, %parallel_loop3A_262 : vector<16xf32>
        tpu.vector_store_idx %arg16[%parallel_loop3A_257, %add3A_13], %parallel_loop3A_268 : memref<64x128xf32, #tpu.memory_space<vmem>>[vector<16xi32>, vector<16xi32>], vector<16xf32>,
        %parallel_loop3A_269 = tpu.vector_load_idx %arg12[%add3A_16, %parallel_loop3A_257] : memref<128x64xf32, #tpu.memory_space<vmem>>[vector<16xi32>, vector<16xi32>], vector<16xf32>,
        %parallel_loop3A_270 = arith.addf %parallel_loop3A_269, %parallel_loop3A_262 : vector<16xf32>
        tpu.vector_store_idx %arg16[%parallel_loop3A_257, %add3A_16], %parallel_loop3A_270 : memref<64x128xf32, #tpu.memory_space<vmem>>[vector<16xi32>, vector<16xi32>], vector<16xf32>,
        %parallel_loop3A_271 = tpu.vector_load_idx %arg12[%add3A_19, %parallel_loop3A_257] : memref<128x64xf32, #tpu.memory_space<vmem>>[vector<16xi32>, vector<16xi32>], vector<16xf32>,
        %parallel_loop3A_272 = arith.addf %parallel_loop3A_271, %parallel_loop3A_262 : vector<16xf32>
        tpu.vector_store_idx %arg16[%parallel_loop3A_257, %add3A_19], %parallel_loop3A_272 : memref<64x128xf32, #tpu.memory_space<vmem>>[vector<16xi32>, vector<16xi32>], vector<16xf32>,
        %parallel_loop3A_273 = tpu.vector_load_idx %arg12[%add3A_22, %parallel_loop3A_257] : memref<128x64xf32, #tpu.memory_space<vmem>>[vector<16xi32>, vector<16xi32>], vector<16xf32>,
        %parallel_loop3A_274 = arith.addf %parallel_loop3A_273, %parallel_loop3A_262 : vector<16xf32>
        tpu.vector_store_idx %arg16[%parallel_loop3A_257, %add3A_22], %parallel_loop3A_274 : memref<64x128xf32, #tpu.memory_space<vmem>>[vector<16xi32>, vector<16xi32>], vector<16xf32>,
        %parallel_loop3A_275 = tpu.vector_load_idx %arg12[%add3A_25, %parallel_loop3A_257] : memref<128x64xf32, #tpu.memory_space<vmem>>[vector<16xi32>, vector<16xi32>], vector<16xf32>,
        %parallel_loop3A_276 = arith.addf %parallel_loop3A_275, %parallel_loop3A_262 : vector<16xf32>
        tpu.vector_store_idx %arg16[%parallel_loop3A_257, %add3A_25], %parallel_loop3A_276 : memref<64x128xf32, #tpu.memory_space<vmem>>[vector<16xi32>, vector<16xi32>], vector<16xf32>,
        %parallel_loop3A_277 = tpu.vector_load_idx %arg12[%add3A_28, %parallel_loop3A_257] : memref<128x64xf32, #tpu.memory_space<vmem>>[vector<16xi32>, vector<16xi32>], vector<16xf32>,
        %parallel_loop3A_278 = arith.addf %parallel_loop3A_277, %parallel_loop3A_262 : vector<16xf32>
        tpu.vector_store_idx %arg16[%parallel_loop3A_257, %add3A_28], %parallel_loop3A_278 : memref<64x128xf32, #tpu.memory_space<vmem>>[vector<16xi32>, vector<16xi32>], vector<16xf32>,
      } {sc.loop_unroll_factor = 8 : i64, sc.parallel_access}
      %dma_start3A_246 = arith.constant 0 : i32
      %dma_start3A_247 = tpu.memref_slice %arg5[%add3A_236, %dma_start3A_246, %mul3A_2] : memref<200x64x4096xf32, #tpu.memory_space<hbm>> -> memref<1x64x128xf32, #tpu.memory_space<hbm>>
      %dma_start3A_248 = tpu.memref_squeeze %dma_start3A_247 : memref<1x64x128xf32, #tpu.memory_space<hbm>> -> memref<64x128xf32, #tpu.memory_space<hbm>>
      %dma_start3A_249 = arith.constant 0 : i32
      %dma_start3A_250 = tpu.memref_slice %arg5[%add3A_236, %dma_start3A_249, %mul3A_2] : memref<200x64x4096xf32, #tpu.memory_space<hbm>> -> memref<1x64x128xf32, #tpu.memory_space<hbm>>
      %dma_start3A_251 = tpu.memref_squeeze %dma_start3A_250 : memref<1x64x128xf32, #tpu.memory_space<hbm>> -> memref<64x128xf32, #tpu.memory_space<hbm>>
      tpu.enqueue_dma source(%arg16 : memref<64x128xf32, #tpu.memory_space<vmem>>) target(%dma_start3A_251 : memref<64x128xf32, #tpu.memory_space<hbm>>) target_semaphore(%arg24 : memref<!tpu.dma_semaphore, #tpu.memory_space<semaphore_mem>>)
    }
    %scan3A_83 = arith.constant 50 : i32
    %dma_wait3A = arith.constant 0 : i32
    %dma_wait3A_84 = arith.constant 0 : i32
    %dma_wait3A_85 = arith.constant 0 : i32
    %dma_wait3A_86 = tpu.memref_slice %arg5[%dma_wait3A, %dma_wait3A_84, %dma_wait3A_85] : memref<200x64x4096xf32, #tpu.memory_space<hbm>> -> memref<1x64x128xf32, #tpu.memory_space<hbm>>
    %dma_wait3A_87 = tpu.memref_squeeze %dma_wait3A_86 : memref<1x64x128xf32, #tpu.memory_space<hbm>> -> memref<64x128xf32, #tpu.memory_space<hbm>>
    %dma_wait3A_88 = arith.constant 0 : i32
    %dma_wait3A_89 = arith.constant 0 : i32
    %dma_wait3A_90 = tpu.memref_slice %arg5[%dma_wait3A, %dma_wait3A_88, %dma_wait3A_89] : memref<200x64x4096xf32, #tpu.memory_space<hbm>> -> memref<1x64x128xf32, #tpu.memory_space<hbm>>
    %dma_wait3A_91 = tpu.memref_squeeze %dma_wait3A_90 : memref<1x64x128xf32, #tpu.memory_space<hbm>> -> memref<64x128xf32, #tpu.memory_space<hbm>>
    tpu.wait_dma2 semaphore(%arg21 : memref<!tpu.dma_semaphore, #tpu.memory_space<semaphore_mem>>) src(%arg13 : memref<64x128xf32, #tpu.memory_space<vmem>>) dst(%dma_wait3A_91 : memref<64x128xf32, #tpu.memory_space<hbm>>)
    %dma_wait3A_92 = arith.constant 0 : i32
    %dma_wait3A_93 = arith.constant 0 : i32
    %dma_wait3A_94 = arith.constant 0 : i32
    %dma_wait3A_95 = tpu.memref_slice %arg5[%dma_wait3A_92, %dma_wait3A_93, %dma_wait3A_94] : memref<200x64x4096xf32, #tpu.memory_space<hbm>> -> memref<1x64x128xf32, #tpu.memory_space<hbm>>
    %dma_wait3A_96 = tpu.memref_squeeze %dma_wait3A_95 : memref<1x64x128xf32, #tpu.memory_space<hbm>> -> memref<64x128xf32, #tpu.memory_space<hbm>>
    %dma_wait3A_97 = arith.constant 0 : i32
    %dma_wait3A_98 = arith.constant 0 : i32
    %dma_wait3A_99 = tpu.memref_slice %arg5[%dma_wait3A_92, %dma_wait3A_97, %dma_wait3A_98] : memref<200x64x4096xf32, #tpu.memory_space<hbm>> -> memref<1x64x128xf32, #tpu.memory_space<hbm>>
    %dma_wait3A_100 = tpu.memref_squeeze %dma_wait3A_99 : memref<1x64x128xf32, #tpu.memory_space<hbm>> -> memref<64x128xf32, #tpu.memory_space<hbm>>
    tpu.wait_dma2 semaphore(%arg22 : memref<!tpu.dma_semaphore, #tpu.memory_space<semaphore_mem>>) src(%arg14 : memref<64x128xf32, #tpu.memory_space<vmem>>) dst(%dma_wait3A_100 : memref<64x128xf32, #tpu.memory_space<hbm>>)
    %dma_wait3A_101 = arith.constant 0 : i32
    %dma_wait3A_102 = arith.constant 0 : i32
    %dma_wait3A_103 = arith.constant 0 : i32
    %dma_wait3A_104 = tpu.memref_slice %arg5[%dma_wait3A_101, %dma_wait3A_102, %dma_wait3A_103] : memref<200x64x4096xf32, #tpu.memory_space<hbm>> -> memref<1x64x128xf32, #tpu.memory_space<hbm>>
    %dma_wait3A_105 = tpu.memref_squeeze %dma_wait3A_104 : memref<1x64x128xf32, #tpu.memory_space<hbm>> -> memref<64x128xf32, #tpu.memory_space<hbm>>
    %dma_wait3A_106 = arith.constant 0 : i32
    %dma_wait3A_107 = arith.constant 0 : i32
    %dma_wait3A_108 = tpu.memref_slice %arg5[%dma_wait3A_101, %dma_wait3A_106, %dma_wait3A_107] : memref<200x64x4096xf32, #tpu.memory_space<hbm>> -> memref<1x64x128xf32, #tpu.memory_space<hbm>>
    %dma_wait3A_109 = tpu.memref_squeeze %dma_wait3A_108 : memref<1x64x128xf32, #tpu.memory_space<hbm>> -> memref<64x128xf32, #tpu.memory_space<hbm>>
    tpu.wait_dma2 semaphore(%arg23 : memref<!tpu.dma_semaphore, #tpu.memory_space<semaphore_mem>>) src(%arg15 : memref<64x128xf32, #tpu.memory_space<vmem>>) dst(%dma_wait3A_109 : memref<64x128xf32, #tpu.memory_space<hbm>>)
    %dma_wait3A_110 = arith.constant 0 : i32
    %dma_wait3A_111 = arith.constant 0 : i32
    %dma_wait3A_112 = arith.constant 0 : i32
    %dma_wait3A_113 = tpu.memref_slice %arg5[%dma_wait3A_110, %dma_wait3A_111, %dma_wait3A_112] : memref<200x64x4096xf32, #tpu.memory_space<hbm>> -> memref<1x64x128xf32, #tpu.memory_space<hbm>>
    %dma_wait3A_114 = tpu.memref_squeeze %dma_wait3A_113 : memref<1x64x128xf32, #tpu.memory_space<hbm>> -> memref<64x128xf32, #tpu.memory_space<hbm>>
    %dma_wait3A_115 = arith.constant 0 : i32
    %dma_wait3A_116 = arith.constant 0 : i32
    %dma_wait3A_117 = tpu.memref_slice %arg5[%dma_wait3A_110, %dma_wait3A_115, %dma_wait3A_116] : memref<200x64x4096xf32, #tpu.memory_space<hbm>> -> memref<1x64x128xf32, #tpu.memory_space<hbm>>
    %dma_wait3A_118 = tpu.memref_squeeze %dma_wait3A_117 : memref<1x64x128xf32, #tpu.memory_space<hbm>> -> memref<64x128xf32, #tpu.memory_space<hbm>>
    tpu.wait_dma2 semaphore(%arg24 : memref<!tpu.dma_semaphore, #tpu.memory_space<semaphore_mem>>) src(%arg16 : memref<64x128xf32, #tpu.memory_space<vmem>>) dst(%dma_wait3A_118 : memref<64x128xf32, #tpu.memory_space<hbm>>)
    return
  }
}

</mosaic_0001>

<sc_bundles>
// kernel: kernel.3.cloned.1.call-start
scs
__scs_entry_jumppad:
0x0: {  	(pc) =	sbr.rel $0x88, $3  }
0x1: {  	(tag) =	ssettag $0x0;
	lr =	simm.s32 $0x1  }
0x2: {  	[smem:$0x3F9E] =	sst lr;
	_ =	strace $0xD0000000  }
0x3: {  	_ = 	snop  }
0x4: {  	_ = 	snop  }
0x5: {  	_ = 	snop  }
0x6: {  	_ = 	snop  }
0x7: {  	_ = 	snop  }
__scs_overlays_trampoline_lowered:
0x8: {  	[smem:$0x3FAD] =	sst s0  }
0x9: {  	[smem:$0x3FAE] =	sst s1  }
0xa: {  	[smem:$0x3FAF] =	sst s2  }
0xb: {  	[smem:$0x3FB0] =	sst s3  }
0xc: {  	[smem:$0x3FB1] =	sst s4  }
0xd: {  	[smem:$0x3FB2] =	sst s5  }
0xe: {  	[smem:$0x3FB3] =	sst s6  }
0xf: {  	[smem:$0x3FB4] =	sst s7  }
0x10: {  	[smem:$0x3FB5] =	sst s8  }
0x11: {  	[smem:$0x3FB6] =	sst s9;
	s0 =	simm.s32 @!p0 $0x0  }
0x12: {  	s1 =	sld [smem:$0x3F9C];
	s0 =	simm.s32 @p0 $0x1  }
0x13: {  	[smem:$0x3FB7] =	sst s0;
	s0 =	simm.s32 @!p1 $0x0  }
0x14: {  	s2 =	sld [smem:$0x3F9B];
	s0 =	simm.s32 @p1 $0x1  }
0x15: {  	[smem:$0x3FB8] =	sst s0;
	s0 =	simm.s32 @!p2 $0x0  }
0x16: {  	s3 =	sld [smem:$0x3FDB];
	s0 =	simm.s32 @p2 $0x1  }
0x17: {  	s4 =	simm.s32 $0x1BF5;
	[smem:$0x3FBA] =	sst s0  }
0x18: {  	s0 =	sld [smem:$0x3F9D];
	_ =	swait.ge [sflag:s4], $0x0  }
0x19: {  	s7 =	sld [smem:$0x3F9E]  }
0x1a: {  	s8 =	sadd.s32 $0xFFFFE003, lr  }
0x1b: {  	s9 =	sadd.s32 $0xFFFFFEF7, lr;
	s5 =	simm.s32 $0xFFFFFFFF;
	p2 =	slt.u32 s8, $0xFFFFF086  }
0x1c: {  	p1 =	slt.u32 s9, $0xF7A;
	s5 =	simm.s32 @!p2 $0x0  }
0x1d: {  	s5 =	simm.s32 @p1 $0x1;
	p0 =	seq.s32 s7, s2  }
0x1e: {  	s7 =	smul.u32 @!p0 $0xF7A, s2;
	p2 =	seq.s32 @!p0 s5, $0x0  }
0x1f: {  	s9 =	smul.u32 $0xF7A, s1;
	s8 =	simm.s32 @!p0 $0x1BF5;
	p2 =	por !p2, p0  }
0x20: {  	[sflag:s8] =	ssyncset.s32 @!p0 $0xFFFFF086;
	s6 =	sadd.s32 @!p0 s3, s7;
	s7 =	simm.s32 @!p0 $0x108  }
0x21: {  	s3 =	sadd.s32 s3, s9;
	s6 =	sadd.s32 @!p0 $0x88, s6;
	s7 =	simm.s32 @p2 $0x1082  }
0x22: {  	[simem:s7], [sflag:s8] =	dma.local @!p0 [hbm:s6], $0xF7A  }
0x23: {  	s9 =	sor.u32 $0xD0000000, s2;
	s6 =	simm.s32 $0x108;
	_ =	swait.ge @!p0 [sflag:s8], $0x0  }
0x24: {  	s3 =	sadd.s32 $0x88, s3;
	s6 =	simm.s32 @!p1 $0x1082;
	[sflag:s4] =	ssyncset.s32 $0xFFFFF086  }
0x25: {  	[simem:s6], [sflag:s4] =	dma.local [hbm:s3], $0xF7A  }
0x26: {  	[smem:$0x3F9E] =	sst s1;
	(tag) =	ssettag s2;
	_ =	strace s9  }
0x27: {  	s1 =	sld [smem:$0x3FAE]  }
0x28: {  	s2 =	sld [smem:$0x3FAF]  }
0x29: {  	s4 =	sld [smem:$0x3FB1]  }
0x2a: {  	p0 =	seq.s32 s5, $0x0;
	s5 =	sld [smem:$0x3FB2]  }
0x2b: {  	s6 =	sld [smem:$0x3FB3]  }
0x2c: {  	s7 =	sld [smem:$0x3FB4]  }
0x2d: {  	s3 =	simm.s32 $0x108;
	s8 =	sld [smem:$0x3FB5]  }
0x2e: {  	s3 =	simm.s32 @!p0 $0x1082;
	s9 =	sld [smem:$0x3FB6]  }
0x2f: {  	lr =	sadd.s32 s0, s3;
	s0 =	sld [smem:$0x3FAD]  }
0x30: {  	s3 =	sld [smem:$0x3FB0]  }
0x31: {  	[smem:$0x3FB9] =	sst s10  }
0x32: {  	s10 =	sld [smem:$0x3FB7];
	_ =	sdelay $0x3  }
0x33: {  	p0 =	seq.s32 s10, $0x1;
	s10 =	sld [smem:$0x3FB9];
	_ =	sdelay $0x3  }
0x34: {  	[smem:$0x3FB9] =	sst s10  }
0x35: {  	s10 =	sld [smem:$0x3FB8];
	_ =	sdelay $0x3  }
0x36: {  	p1 =	seq.s32 s10, $0x1;
	s10 =	sld [smem:$0x3FB9];
	_ =	sdelay $0x3  }
0x37: {  	[smem:$0x3FB9] =	sst s10  }
0x38: {  	s10 =	sld [smem:$0x3FBA]  }
0x39: {  	_ = 	snop;
	(pc) =	sbr.ind lr, $3  }
0x3a: {  	_ = 	snop  }
0x3b: {  	_ = 	snop  }
0x3c: {  	p2 =	seq.s32 s10, $0x1;
	s10 =	sld [smem:$0x3FB9]  }
0x3d: {  	_ =	shalt  }
0x3e: {  	_ =	shalt  }
0x3f: {  	_ =	shalt  }
0x40: {  	_ =	shalt  }
0x41: {  	_ =	shalt  }
0x42: {  	_ =	shalt  }
0x43: {  	_ =	shalt  }
0x44: {  	_ =	shalt  }
0x45: {  	_ =	shalt  }
0x46: {  	_ =	shalt  }
0x47: {  	_ =	shalt  }
0x48: {  	_ =	shalt  }
0x49: {  	_ =	shalt  }
0x4a: {  	_ =	shalt  }
0x4b: {  	_ =	shalt  }
0x4c: {  	_ =	shalt  }
0x4d: {  	_ =	shalt  }
0x4e: {  	_ =	shalt  }
0x4f: {  	_ =	shalt  }
0x50: {  	_ =	shalt  }
0x51: {  	_ =	shalt  }
0x52: {  	_ =	shalt  }
0x53: {  	_ =	shalt  }
0x54: {  	_ =	shalt  }
0x55: {  	_ =	shalt  }
0x56: {  	_ =	shalt  }
0x57: {  	_ =	shalt  }
0x58: {  	_ =	shalt  }
0x59: {  	_ =	shalt  }
0x5a: {  	_ =	shalt  }
0x5b: {  	_ =	shalt  }
0x5c: {  	_ =	shalt  }
0x5d: {  	_ =	shalt  }
0x5e: {  	_ =	shalt  }
0x5f: {  	_ =	shalt  }
0x60: {  	_ =	shalt  }
0x61: {  	_ =	shalt  }
0x62: {  	_ =	shalt  }
0x63: {  	_ =	shalt  }
0x64: {  	_ =	shalt  }
0x65: {  	_ =	shalt  }
0x66: {  	_ =	shalt  }
0x67: {  	_ =	shalt  }
0x68: {  	_ =	shalt  }
0x69: {  	_ =	shalt  }
0x6a: {  	_ =	shalt  }
0x6b: {  	_ =	shalt  }
0x6c: {  	_ =	shalt  }
0x6d: {  	_ =	shalt  }
0x6e: {  	_ =	shalt  }
0x6f: {  	_ =	shalt  }
0x70: {  	_ =	shalt  }
0x71: {  	_ =	shalt  }
0x72: {  	_ =	shalt  }
0x73: {  	_ =	shalt  }
0x74: {  	_ =	shalt  }
0x75: {  	_ =	shalt  }
0x76: {  	_ =	shalt  }
0x77: {  	_ =	shalt  }
0x78: {  	_ =	shalt  }
0x79: {  	_ =	shalt  }
0x7a: {  	_ =	shalt  }
0x7b: {  	_ =	shalt  }
0x7c: {  	_ =	shalt  }
0x7d: {  	_ =	shalt  }
0x7e: {  	_ =	shalt  }
0x7f: {  	_ =	shalt  }
0x80: {  	_ =	shalt  }
0x81: {  	_ =	shalt  }
0x82: {  	_ =	shalt  }
0x83: {  	_ =	shalt  }
0x84: {  	_ =	shalt  }
0x85: {  	_ =	shalt  }
0x86: {  	_ =	shalt  }
0x87: {  	_ =	shalt  }
.Lfunc_end0:
.L_simem_size_0:
called_computation_lowered:
.L_overlay_start_0:
0x88: {  	s2 =	sld [smem:$0x3FD9]  }
0x89: {  	s3 =	sld [smem:$0x3FFE];
	_ =	sdelay $0x1  }
0x8a: {  	s1 =	srdreg.scid  }
0x8b: {  	s0 =	sand.u32 $0x1, s1  }
0x8c: {  	s16 =	sshll.u32 s0, $0xA;
	s2 =	sadd.s32 s3, s2  }
0x8d: {  	s2 =	sadd.s32 s2, s16  }
0x8e: {  	[smem:$0x3FC5] =	sst s2  }
0x8f: {  	_ = 	snop  }
0x90: {  	(tm) =	ssettm $0x1  }
0x91: {  	s17 =	sld [smem:$0x3FFB];
	_ =	sdelay $0x3  }
0x92: {  	_ =	strace s17  }
0x93: {  	s2 =	sld [smem:$0x3FFC];
	_ =	sdelay $0x3  }
0x94: {  	_ =	strace s2  }
0x95: {  	s2 =	sld [smem:$0x3FFD];
	_ =	sdelay $0x3  }
0x96: {  	_ =	strace s2  }
0x97: {  	_ =	strace $0x8FFFFFFF  }
0x98: {  	s18 =	sld [smem:$0x3FDB];
	_ =	sdelay $0x1  }
0x99: {  	s19 =	simm.s32 $_scs_section_size  }
0x9a: {  	s4 =	simm.s32 $_size__tile_overlayer_lowered;
	s5 =	simm.s32 $_tile_overlayer_lowered  }
0x9b: {  	s22 =	simm.s32 $0x1BFF;
	s21 =	sshll.u32 s5, $0x1;
	s2 =	sadd.s32 s19, s18  }
0x9c: {  	s6 =	simm.s32 $0x0;
	s20 =	sshll.u32 s4, $0x1;
	s4 =	sadd.s32 s21, s2  }
0x9d: {  	[timem:s6], [sflag:s22] =	dma.local [hbm:s4], s20  }
0x9e: {  	_ =	swait.ge [sflag:s22], s20  }
0x9f: {  	s3 =	ssub.s32 $0x0, s20;
	[sflag:s22] =	ssyncset.done $0x0  }
0xa0: {  	[sflag:s22] =	ssyncadd.s32 s3;
	_ =	sdelay $0x1  }
0xa1: {  	s23 =	simm.s32 $0x1B8B  }
0xa2: {  	_ =	swait.ge [sflag:s23], $0x1  }
0xa3: {  	[sflag:s23] =	ssyncset.done $0x0  }
0xa4: {  	s25 =	simm.s32 $0x1B8E;
	s24 =	sld [smem:$0x3FFE];
	[sflag:s23] =	ssyncadd.s32 $0xFFFFFFFF  }
0xa5: {  	s26 =	simm.s32 $execute0_lowered;
	[smem:$0x3FD2] =	sst s25  }
0xa6: {  	s4 =	sshll.u32 s26, $0x1;
	_ =	strace $0x80000046;
	[dreg:$0x1] =	wrdreg $0xFFFFFFFF  }
0xa7: {  	s28 =	simm.s32 $_size_execute0_lowered;
	s2 =	sadd.s32 s2, s4;
	[dreg:$0x0] =	wrdreg $0x0  }
0xa8: {  	s4 =	sshll.u32 s28, $0x1;
	[dreg:$0x2] =	wrdreg s2  }
0xa9: {  	[dreg:$0x3] =	wrdreg s4  }
0xaa: {  	[dreg:$0x4] =	wrdreg $0xC0  }
0xab: {  	_ =	task [dreg:s6], $0x5FFFF  }
0xac: {  	[dreg:$0x1] =	wrdreg $0xFFFFFFFF  }
0xad: {  	[dreg:$0x0] =	wrdreg $0x60  }
0xae: {  	[dreg:$0x2] =	wrdreg s24  }
0xaf: {  	[dreg:$0x3] =	wrdreg $0x9  }
0xb0: {  	_ =	task.clear_ibuf [dreg:s6], $0x4FFFF;
	_ =	strace $0x90000046  }
0xb1: {  	s29 =	simm.s32 $0x9;
	_ =	strace $0x80000048  }
0xb2: {  	_ =	swait.ge [sflag:s29], $0x1  }
0xb3: {  	[sflag:s29] =	ssyncadd.s32 $0xFFFFFFFF  }
0xb4: {  	_ =	strace $0x90000048  }
0xb5: {  	_ =	sfence  }
0xb6: {  	s30 =	sld [smem:$0x0];
	_ =	sdelay $0x2  }
0xb7: {  	s31 =	sshll.u32 s1, $0xD;
	s1 =	sshrl.u32 s1, $0x2  }
0xb8: {  	s3 =	sand.u32 $0x4000, s31;
	s1 =	sadd.s32 s1, s30  }
0xb9: {  	s0 =	sor.u32 s3, s0;
	s1 =	sshll.u32 s1, $0x11  }
0xba: {  	s0 =	sor.u32 s1, s0  }
0xbb: {  	s0 =	sadd.s32 $0x8F2B, s0  }
0xbc: {  	[sflag:s0] =	ssyncadd.remote.s32 $0x1  }
0xbd: {  	_ =	sfence.sel $0xFFFF  }
0xbe: {  	[dreg:$0x0] =	wrdreg $0xFFFFFFFF;
	(pc) =	sbr.abs _section_cstart, $3  }
0xbf: {  	[dreg:$0x1] =	wrdreg $0xFFFFFFFF  }
0xc0: {  	_ =	task.clear_ibuf [dreg:s6], $0x2FFFF;
	_ =	strace $0x9FFFFFFF  }
0xc1: {  	(tm) =	ssettm $0x7FFFFFFF  }
tec
execute0_lowered:
.L_overlay_start_1:
0x0: {  	(tag) =	ssettag $0x1  }
0x1: {  	v1 =	vimm.s32 $0xC3824100  }
0x2: {  	v2 =	vimm.s32 $0x7C7;
	vm13 =	vcmask $0x300;
	vm0 =	vcmask $0xF00  }
0x3: {  	vm14 =	vcmask $0x704;
	vm12 =	vcmask $0xB08;
	v1 =	vunpack.c.0.s8.s32 v1  }
0x4: {  	vm10 =	vcmask $0x1310;
	vm11 =	vcmask $0xF0C;
	v2 =	vsel vm13, $0x400, v2  }
0x5: {  	vm9 =	vcmask $0x1714;
	v2 =	vsel vm14, $0x441, v2;
	v1 =	vand.u32 $0xFF, v1  }
0x6: {  	vm8 =	vcmask $0x1B18;
	v2 =	vsel vm12, $0x482, v2;
	v1 =	vnsel vm0, $0x3C7, v1  }
0x7: {  	vm7 =	vcmask $0x1F1C;
	v2 =	vsel vm11, $0x4C3, v2;
	v1 =	vsel vm10, $0x104, v1  }
0x8: {  	vm6 =	vcmask $0x2320;
	v2 =	vsel vm10, $0x504, v2;
	v1 =	vsel vm9, $0x145, v1  }
0x9: {  	vm5 =	vcmask $0x2724;
	v2 =	vsel vm9, $0x545, v2;
	v1 =	vsel vm8, $0x186, v1  }
0xa: {  	vm4 =	vcmask $0x2B28;
	v2 =	vsel vm8, $0x586, v2;
	v1 =	vsel vm7, $0x1C7, v1  }
0xb: {  	vm2 =	vcmask $0x2F2C;
	v2 =	vsel vm7, $0x5C7, v2;
	v1 =	vsel vm6, $0x200, v1  }
0xc: {  	vm3 =	vcmask $0x3330;
	v2 =	vsel vm6, $0x600, v2;
	v1 =	vsel vm5, $0x241, v1  }
0xd: {  	vm15 =	vcmask $0x3734;
	v2 =	vsel vm5, $0x641, v2;
	v1 =	vsel vm4, $0x282, v1  }
0xe: {  	v3 =	vimm.s32 $0xBC7;
	v2 =	vsel vm4, $0x682, v2;
	v1 =	vsel vm2, $0x2C3, v1  }
0xf: {  	vm1 =	vcmask $0x3B38;
	v2 =	vsel vm2, $0x6C3, v2;
	v1 =	vsel vm3, $0x304, v1  }
0x10: {  	v3 =	vsel vm13, $0x800, v3;
	v2 =	vsel vm3, $0x704, v2;
	v1 =	vsel vm15, $0x345, v1  }
0x11: {  	v2 =	vsel vm15, $0x745, v2;
	v22 =	vsel vm1, $0x386, v1;
	v1 =	vsel vm14, $0x841, v3  }
0x12: {  	v23 =	vsel vm1, $0x786, v2;
	v2 =	vimm.s32 $0xFC7;
	v1 =	vsel vm12, $0x882, v1  }
0x13: {  	v3 =	vimm.s32 $0x13C7;
	v2 =	vsel vm13, $0xC00, v2;
	v1 =	vsel vm11, $0x8C3, v1  }
0x14: {  	v3 =	vsel vm13, $0x1000, v3;
	v2 =	vsel vm14, $0xC41, v2;
	v1 =	vsel vm10, $0x904, v1  }
0x15: {  	v3 =	vsel vm14, $0x1041, v3;
	v2 =	vsel vm12, $0xC82, v2;
	v1 =	vsel vm9, $0x945, v1  }
0x16: {  	v3 =	vsel vm12, $0x1082, v3;
	v2 =	vsel vm11, $0xCC3, v2;
	v1 =	vsel vm8, $0x986, v1  }
0x17: {  	v3 =	vsel vm11, $0x10C3, v3;
	v2 =	vsel vm10, $0xD04, v2;
	v1 =	vsel vm7, $0x9C7, v1  }
0x18: {  	v3 =	vsel vm10, $0x1104, v3;
	v2 =	vsel vm9, $0xD45, v2;
	v1 =	vsel vm6, $0xA00, v1  }
0x19: {  	v3 =	vsel vm9, $0x1145, v3;
	v2 =	vsel vm8, $0xD86, v2;
	v1 =	vsel vm5, $0xA41, v1  }
0x1a: {  	v3 =	vsel vm8, $0x1186, v3;
	v2 =	vsel vm7, $0xDC7, v2;
	v1 =	vsel vm4, $0xA82, v1  }
0x1b: {  	v3 =	vsel vm7, $0x11C7, v3;
	v2 =	vsel vm6, $0xE00, v2;
	v1 =	vsel vm2, $0xAC3, v1  }
0x1c: {  	v3 =	vsel vm6, $0x1200, v3;
	v2 =	vsel vm5, $0xE41, v2;
	v1 =	vsel vm3, $0xB04, v1  }
0x1d: {  	v3 =	vsel vm5, $0x1241, v3;
	v2 =	vsel vm4, $0xE82, v2;
	v1 =	vsel vm15, $0xB45, v1  }
0x1e: {  	v4 =	vsel vm1, $0xB86, v1;
	v1 =	vsel vm2, $0xEC3, v2;
	v2 =	vsel vm4, $0x1282, v3  }
0x1f: {  	v1 =	vsel vm3, $0xF04, v1;
	v2 =	vsel vm2, $0x12C3, v2  }
0x20: {  	v1 =	vsel vm15, $0xF45, v1;
	v2 =	vsel vm3, $0x1304, v2  }
0x21: {  	v31 =	vsel vm1, $0xF86, v1;
	v1 =	vsel vm15, $0x1345, v2  }
0x22: {  	s3 =	simm.s32 $0x0;
	v1 =	vsel vm1, $0x1386, v1  }
0x23: {  	[smem:$0x7FF] =	sst s3;
	[tilespmem:$0x1FE10] =	vst v1  }
0x24: {  	s1 =	rddreg [dreg:$0x0];
	_ =	strace $0x80000047;
	[tilespmem:$0x1FE60] =	vst v22  }
0x25: {  	v32 =	vlaneseq.u32;
	[tilespmem:$0x1FE70] =	vst v23  }
0x26: {  	v0 =	vmul.u32 $0xC8, v32;
	v21 =	vand.u32 $0x7, v32;
	v30 =	vor.u32 $0x50, v32;
	[tilespmem:$0x1FE80] =	vst v4  }
0x27: {  	v24 =	vor.u32 $0x10, v32;
	v26 =	vor.u32 $0x20, v32;
	v48 =	vor.u32 $0x40, v32;
	[tilespmem:$0x1FE90] =	vst v30  }
0x28: {  	v56 =	vmul.u32 $0x40, v32;
	v63 =	vor.u32 $0x60, v32;
	v12 =	vadd.s32 $0xC80, v0;
	[tilespmem:$0x1FEA0] =	vst v0  }
0x29: {  	v60 =	vor.u32 $0x70, v32;
	v14 =	vadd.s32 $0x1900, v0;
	v16 =	vadd.s32 $0x2580, v0;
	[tilespmem:$0x1FEB0] =	vst v12  }
0x2a: {  	v17 =	vadd.s32 $0x3200, v0;
	v18 =	vadd.s32 $0x3E80, v0;
	v3 =	vimm.s32 $0x17C7;
	[tilespmem:$0x1FEC0] =	vst v14  }
0x2b: {  	v19 =	vadd.s32 $0x4B00, v0;
	v20 =	vadd.s32 $0x5780, v0;
	v2 =	vsel vm13, $0x1400, v3;
	[tilespmem:$0x1FED0] =	vst v16  }
0x2c: {  	v61 =	vor.u32 $0x400, v56;
	v33 =	vor.u32 $0x800, v56;
	v1 =	vsel vm14, $0x1441, v2;
	[tilespmem:$0x1FEE0] =	vst v17  }
0x2d: {  	v62 =	vor.u32 $0xC00, v56;
	v2 =	vimm.s32 $0x1BC7;
	v1 =	vsel vm12, $0x1482, v1;
	[tilespmem:$0x1FEF0] =	vst v18  }
0x2e: {  	v3 =	vimm.s32 $0x1FC7;
	v2 =	vsel vm13, $0x1800, v2;
	[tilespmem:$0x1FF00] =	vst v19;
	v1 =	vsel vm11, $0x14C3, v1  }
0x2f: {  	v3 =	vsel vm13, $0x1C00, v3;
	[tilespmem:$0x1FF10] =	vst v20;
	v2 =	vsel vm14, $0x1841, v2;
	v1 =	vsel vm10, $0x1504, v1  }
0x30: {  	v3 =	vsel vm14, $0x1C41, v3;
	[tilespmem:$0x1FF20] =	vst v21;
	v2 =	vsel vm12, $0x1882, v2;
	v1 =	vsel vm9, $0x1545, v1  }
0x31: {  	v3 =	vsel vm12, $0x1C82, v3;
	[tilespmem:$0x1FF30] =	vst v60;
	v2 =	vsel vm11, $0x18C3, v2;
	v1 =	vsel vm8, $0x1586, v1  }
0x32: {  	[tilespmem:$0x1FF40] =	vst v61;
	v3 =	vsel vm11, $0x1CC3, v3;
	v2 =	vsel vm10, $0x1904, v2;
	v1 =	vsel vm7, $0x15C7, v1  }
0x33: {  	[tilespmem:$0x1FF50] =	vst v62;
	v3 =	vsel vm10, $0x1D04, v3;
	v2 =	vsel vm9, $0x1945, v2;
	v1 =	vsel vm6, $0x1600, v1  }
0x34: {  	[tilespmem:$0x1FF70] =	vst v48;
	v3 =	vsel vm9, $0x1D45, v3;
	v2 =	vsel vm8, $0x1986, v2;
	v1 =	vsel vm5, $0x1641, v1  }
0x35: {  	[tilespmem:$0x1FF80] =	vst v63;
	v3 =	vsel vm8, $0x1D86, v3;
	v2 =	vsel vm7, $0x19C7, v2;
	v1 =	vsel vm4, $0x1682, v1  }
0x36: {  	s0 =	srdreg.scid;
	s2 =	stileid.u32;
	s10 =	simm.s32 $0xC800;
	[tilespmem:$0x1FF90] =	vst v24;
	v3 =	vsel vm7, $0x1DC7, v3;
	v2 =	vsel vm6, $0x1A00, v2;
	v1 =	vsel vm2, $0x16C3, v1  }
0x37: {  	s11 =	simm.s32 $0x80;
	s12 =	simm.s32 $0x15A00;
	s14 =	simm.s32 $0xFA00;
	[tilespmem:$0x1FFA0] =	vst v26;
	v3 =	vsel vm6, $0x1E00, v3;
	v2 =	vsel vm5, $0x1A41, v2;
	v1 =	vsel vm3, $0x1704, v1  }
0x38: {  	s13 =	simm.s32 $0x1;
	s15 =	simm.s32 $0x17A00;
	s16 =	simm.s32 $0x1000;
	[tilespmem:$0x1FFB0] =	vst v56;
	v3 =	vsel vm5, $0x1E41, v3;
	v2 =	vsel vm4, $0x1A82, v2;
	v1 =	vsel vm15, $0x1745, v1  }
0x39: {  	s17 =	simm.s32 $0x2;
	s18 =	simm.s32 $0x11A00;
	s19 =	simm.s32 $0x19A00;
	[tilespmem:$0x1FFC0] =	vst v33;
	v25 =	vsel vm1, $0x1786, v1;
	v1 =	vsel vm2, $0x1AC3, v2;
	v2 =	vsel vm4, $0x1E82, v3  }
0x3a: {  	s20 =	simm.s32 $0x3;
	v28 =	vor.u32 $0x30, v32;
	s0 =	sand.u32 $0x1, s0;
	s2 =	sshll.u32 s2, $0x1;
	[tilespmem:$0x1FFE0] =	vst v31;
	v1 =	vsel vm3, $0x1B04, v1;
	v2 =	vsel vm2, $0x1EC3, v2  }
0x3b: {  	s21 =	simm.s32 $0x13A00;
	s22 =	simm.s32 $0x1BA00;
	s2 =	sor.u32 s0, s2;
	[tilespmem:$0x1FFF0] =	vst v28;
	v1 =	vsel vm15, $0x1B45, v1;
	v2 =	vsel vm3, $0x1F04, v2  }
0x3c: {  	s23 =	simm.s32 $0x4;
	s24 =	simm.s32 $0x1DA00;
	s30 =	smul.u32 $0xC80, s2;
	[tilespmem:$0x1FFD0] =	vst v25;
	v59 =	vsel vm1, $0x1B86, v1;
	v1 =	vsel vm15, $0x1F45, v2  }
0x3d: {  	p1 =	por $0x1, $0x1;
	s3 =	sadd.s32 $0x1A400, s1;
	s0 =	ssub.s32 $0x2, s0;
	v1 =	vsel vm1, $0x1F86, v1;
	[tilespmem:$0x1FF60] =	vst v59  }
0x3e: {  	s5 =	sadd.s32 $0x400, s1;
	s6 =	sshrl.u32 s0, $0x1;
	s4 =	sadd.s32 s30, s1;
	[tilespmem:$0x1FE20] =	vst v1;
	v1 =	vor.u32 $0x1000, v56  }
0x3f: {  	s0 =	ssub.s32 s0, s6;
	s31 =	sadd.s32 $0x1400, s4;
	[dreg:$0x2] =	wrdreg s5;
	[tilespmem:$0x1FE30] =	vst v1;
	v1 =	vor.u32 $0x1400, v56  }
0x40: {  	s7 =	sshll.u32 s2, $0x7;
	s0 =	smax.u32 s0, $0x1;
	[dreg:$0x3] =	wrdreg s31;
	[tilespmem:$0x1FE40] =	vst v1;
	v1 =	vor.u32 $0x1C00, v56  }
0x41: {  	v58 =	vor.u32 $0x1800, v56;
	s2 =	simm.s32 $0x0;
	s5 =	sadd.s32 $0xDDA00, s1;
	[dreg:$0x4] =	wrdreg s0;
	[tilespmem:$0x1FE50] =	vst v1  }
.LBB2_1:
0x42: {  	[dreg:$0x5] =	wrdreg s2  }
0x43: {  	s2 =	simm.s32 $0x0;
	s0 =	rddreg [dreg:$0x3]  }
0x44: {  	s9 =	simm.s32 $0x1;
	s26 =	simm.s32 $0x2;
	s1 =	simm.s32 $0x9  }
0x45: {  	[tilespmem:s2], [sflag:$0x9] =	stream.linear.gather [hbm4b:s0+s2], $0x6400, $0x38;
	v1 =	vmov s2;
	v3 =	vadd.s32 s2, v0;
	[tilespmem:$0x1FA00] =	vst v63  }
0x46: {  	v4 =	vmov s9;
	v2 =	vmov s26;
	v5 =	vadd.s32 s26, v0;
	_ =	swait.ge [sflag:s1], $0x6400  }
0x47: {  	v6 =	vadd.s32 s9, v0;
	v5 =	vand.u32 $0x1FF8, v5;
	v2 =	vand.u32 $0x6, v2;
	[sflag:s1] =	ssyncset.done $0x0  }
0x48: {  	v6 =	vand.u32 $0x1FF8, v6;
	v9 =	vand.u32 $0x5, v4;
	v4 =	vor.u32 v2, v5;
	s25 =	rddreg [dreg:$0x2];
	[sflag:s1] =	ssyncadd.s32 $0xFFFF9C00  }
0x49: {  	v3 =	vand.u32 $0x1FF8, v3;
	v1 =	vand.u32 $0x4, v1;
	v5 =	vor.u32 v9, v6;
	[tilespmem:s10], [sflag:$0x9] =	stream.linear.gather [hbm4b:s25+s2], $0x3200, $0x38;
	[tilespmem:$0x1FA00] =	vst v63  }
0x4a: {  	v3 =	vor.u32 v1, v3;
	_ =	swait.ge [sflag:s1], $0x3200  }
0x4b: {  	[sflag:s1] =	ssyncset.done $0x0  }
0x4c: {  	s28 =	simm.s32 $0x3;
	v6 =	vadd.s32 s26, v12;
	[sflag:s1] =	ssyncadd.s32 $0xFFFFCE00  }
0x4d: {  	v7 =	vadd.s32 s28, v0;
	v8 =	vadd.s32 s9, v12;
	v6 =	vand.u32 $0x3FF8, v6;
	v4 =	vld.idx.msk [tilespmem:v4+s2+$0x0], $0xffff  }
0x4e: {  	v10 =	vadd.s32 s2, v12;
	v8 =	vand.u32 $0x3FF8, v8;
	v6 =	vor.u32 v2, v6;
	v5 =	vld.idx.msk [tilespmem:v5+s2+$0x0], $0xffff  }
0x4f: {  	v10 =	vand.u32 $0x3FF8, v10;
	v8 =	vor.u32 v9, v8;
	v3 =	vld.idx.msk [tilespmem:v3+s2+$0x0], $0xffff  }
0x50: {  	v10 =	vor.u32 v1, v10  }
0x51: {  	s8 =	simm.s32 $0x6500  }
0x52: {  	v7 =	vld.idx.msk [tilespmem:v7+s2+$0x0], $0xffff;
	[tilespmem:s8+$0x0] =	vst v4;
	v4 =	vadd.s32 s26, v14  }
0x53: {  	v11 =	vadd.s32 s28, v12;
	[tilespmem:s8+$0xFFFFFF80] =	vst v5;
	v5 =	vld.idx.msk [tilespmem:v6+s2+$0x0], $0xffff;
	v6 =	vadd.s32 s9, v14;
	v4 =	vand.u32 $0x7FF8, v4  }
0x54: {  	[tilespmem:s8+$0xFFFFFF00] =	vst v3;
	v3 =	vld.idx.msk [tilespmem:v8+s2+$0x0], $0xffff;
	v8 =	vadd.s32 s2, v14;
	v6 =	vand.u32 $0x7FF8, v6;
	v4 =	vor.u32 v2, v4  }
0x55: {  	v10 =	vld.idx.msk [tilespmem:v10+s2+$0x0], $0xffff;
	v8 =	vand.u32 $0x7FF8, v8;
	v6 =	vor.u32 v9, v6  }
0x56: {  	v8 =	vor.u32 v1, v8  }
0x57: {  	[tilespmem:s8+$0x80] =	vst v7  }
0x58: {  	v13 =	vadd.s32 s2, v17;
	v7 =	vld.idx.msk [tilespmem:v11+s2+$0x0], $0xffff;
	[tilespmem:s8+$0x10] =	vst v5;
	v5 =	vadd.s32 s26, v16  }
0x59: {  	v11 =	vadd.s32 s28, v14;
	[tilespmem:s8+$0xFFFFFF90] =	vst v3;
	v3 =	vld.idx.msk [tilespmem:v4+s2+$0x0], $0xffff;
	v4 =	vadd.s32 s9, v16;
	v5 =	vand.u32 $0x7FF8, v5  }
0x5a: {  	v42 =	vadd.s32 s26, v17;
	[tilespmem:s8+$0xFFFFFF10] =	vst v10;
	v6 =	vld.idx.msk [tilespmem:v6+s2+$0x0], $0xffff;
	v4 =	vand.u32 $0x7FF8, v4;
	v5 =	vor.u32 v2, v5  }
0x5b: {  	v45 =	vmovc v33;
	s0 =	simm.s32 $0x4;
	v34 =	vadd.s32 s9, v17;
	v33 =	vand.u32 $0x7FF8, v42;
	v8 =	vld.idx.msk [tilespmem:v8+s2+$0x0], $0xffff;
	v4 =	vor.u32 v9, v4  }
0x5c: {  	v15 =	vadd.s32 s0, v0;
	v36 =	vor.u32 v2, v33;
	s25 =	simm.s32 $0x6;
	v10 =	vadd.s32 s2, v16  }
0x5d: {  	v43 =	vmov s25;
	v44 =	vadd.s32 s25, v0;
	[tilespmem:s8+$0x90] =	vst v7;
	v10 =	vand.u32 $0x7FF8, v10  }
0x5e: {  	v38 =	vand.u32 $0x1FF8, v44;
	v7 =	vmov s0;
	v11 =	vld.idx.msk [tilespmem:v11+s2+$0x0], $0xffff;
	v10 =	vor.u32 v1, v10;
	[tilespmem:s8+$0x20] =	vst v3  }
0x5f: {  	s6 =	simm.s32 $0x5;
	v35 =	vand.u32 $0x6, v43;
	v33 =	vand.u32 $0x4, v7;
	v3 =	vadd.s32 s28, v16;
	[tilespmem:s8+$0xFFFFFFA0] =	vst v6;
	v5 =	vld.idx.msk [tilespmem:v5+s2+$0x0], $0xffff  }
0x60: {  	v6 =	vand.u32 $0x7FF8, v13;
	[tilespmem:s8+$0xFFFFFF20] =	vst v8;
	v8 =	vand.u32 $0x1FF8, v15;
	v15 =	vmov s6;
	v4 =	vld.idx.msk [tilespmem:v4+s2+$0x0], $0xffff  }
0x61: {  	v13 =	vand.u32 $0x7FF8, v34;
	v34 =	vand.u32 $0x5, v15;
	v15 =	vor.u32 v35, v38  }
0x62: {  	v8 =	vor.u32 v33, v8  }
0x63: {  	v37 =	vadd.s32 s6, v0;
	[tilespmem:s8+$0xA0] =	vst v11;
	v13 =	vor.u32 v9, v13;
	v10 =	vld.idx.msk [tilespmem:v10+s2+$0x0], $0xffff  }
0x64: {  	v11 =	vand.u32 $0x1FF8, v37;
	v6 =	vor.u32 v1, v6;
	v3 =	vld.idx.msk [tilespmem:v3+s2+$0x0], $0xffff;
	[tilespmem:s8+$0x30] =	vst v5  }
0x65: {  	v7 =	vadd.s32 s26, v18;
	v5 =	vor.u32 v34, v11;
	[tilespmem:s8+$0xFFFFFFB0] =	vst v4;
	v4 =	vld.idx.msk [tilespmem:v36+s2+$0x0], $0xffff  }
0x66: {  	v47 =	vadd.s32 s28, v17;
	v7 =	vand.u32 $0xFFF8, v7;
	v15 =	vld.idx.msk [tilespmem:v15+s2+$0x0], $0xffff  }
0x67: {  	s1 =	simm.s32 $0x7;
	v7 =	vor.u32 v2, v7;
	v8 =	vld.idx.msk [tilespmem:v8+s2+$0x0], $0xffff  }
0x68: {  	v11 =	vadd.s32 s1, v0;
	[tilespmem:s8+$0xFFFFFF30] =	vst v10;
	v10 =	vld.idx.msk [tilespmem:v13+s2+$0x0], $0xffff;
	v13 =	vadd.s32 s9, v18  }
0x69: {  	v46 =	vadd.s32 s25, v12;
	v6 =	vld.idx.msk [tilespmem:v6+s2+$0x0], $0xffff;
	v13 =	vand.u32 $0xFFF8, v13  }
0x6a: {  	v39 =	vadd.s32 s0, v12;
	v36 =	vand.u32 $0x3FF8, v46;
	v13 =	vor.u32 v9, v13;
	[tilespmem:s8+$0xB0] =	vst v3;
	v5 =	vld.idx.msk [tilespmem:v5+s2+$0x0], $0xffff  }
0x6b: {  	s4 =	simm.s32 $0x6700;
	v49 =	vadd.s32 s6, v12;
	v36 =	vor.u32 v35, v36;
	v3 =	vand.u32 $0x3FF8, v39;
	v37 =	vld.idx.msk [tilespmem:v47+s2+$0x0], $0xffff;
	[tilespmem:s8+$0x40] =	vst v4  }
0x6c: {  	v50 =	vadd.s32 s26, v19;
	v38 =	vand.u32 $0x3FF8, v49;
	v3 =	vor.u32 v33, v3;
	[tilespmem:s4+$0x0] =	vst v15;
	v7 =	vld.idx.msk [tilespmem:v7+s2+$0x0], $0xffff  }
0x6d: {  	v4 =	vor.u32 v34, v38;
	[tilespmem:s8+$0xFFFFFFC0] =	vst v10;
	v10 =	vld.idx.msk [tilespmem:v11+s2+$0x0], $0xffff;
	v11 =	vand.u32 $0x7FF8, v50  }
0x6e: {  	[tilespmem:s4+$0xFFFFFF00] =	vst v8;
	v11 =	vor.u32 v2, v11  }
0x6f: {  	v52 =	vadd.s32 s28, v18;
	[tilespmem:s8+$0xFFFFFF40] =	vst v6;
	v6 =	vadd.s32 s2, v18;
	v13 =	vld.idx.msk [tilespmem:v13+s2+$0x0], $0xffff  }
0x70: {  	v51 =	vadd.s32 s25, v14;
	v15 =	vadd.s32 s1, v12;
	v6 =	vand.u32 $0xFFF8, v6;
	[tilespmem:s4+$0xFFFFFF80] =	vst v5;
	v5 =	vld.idx.msk [tilespmem:v36+s2+$0x0], $0xffff  }
0x71: {  	v8 =	vadd.s32 s6, v14;
	v6 =	vor.u32 v1, v6;
	v36 =	vand.u32 $0x7FF8, v51;
	v3 =	vld.idx.msk [tilespmem:v3+s2+$0x0], $0xffff;
	[tilespmem:s8+$0xC0] =	vst v37  }
0x72: {  	v53 =	vadd.s32 s0, v14;
	v8 =	vand.u32 $0x7FF8, v8;
	v4 =	vld.idx.msk [tilespmem:v4+s2+$0x0], $0xffff;
	v36 =	vor.u32 v35, v36;
	[tilespmem:s8+$0x50] =	vst v7  }
0x73: {  	v8 =	vor.u32 v34, v8;
	v7 =	vand.u32 $0x7FF8, v53;
	[tilespmem:s4+$0x80] =	vst v10;
	v10 =	vld.idx.msk [tilespmem:v11+s2+$0x0], $0xffff;
	v11 =	vadd.s32 s26, v20  }
0x74: {  	v37 =	vld.idx.msk [tilespmem:v52+s2+$0x0], $0xffff;
	v7 =	vor.u32 v33, v7;
	v11 =	vand.u32 $0xFFF8, v11  }
0x75: {  	v15 =	vld.idx.msk [tilespmem:v15+s2+$0x0], $0xffff;
	[tilespmem:s8+$0xFFFFFFD0] =	vst v13;
	v13 =	vadd.s32 s9, v19;
	v2 =	vor.u32 v2, v11  }
0x76: {  	v6 =	vld.idx.msk [tilespmem:v6+s2+$0x0], $0xffff;
	[tilespmem:s4+$0x10] =	vst v5;
	v11 =	vadd.s32 s1, v14;
	v5 =	vadd.s32 s2, v19;
	v13 =	vand.u32 $0x7FF8, v13  }
0x77: {  	v54 =	vadd.s32 s25, v16;
	[tilespmem:s4+$0xFFFFFF90] =	vst v4;
	v4 =	vld.idx.msk [tilespmem:v36+s2+$0x0], $0xffff;
	v5 =	vand.u32 $0x7FF8, v5;
	v13 =	vor.u32 v9, v13  }
0x78: {  	[tilespmem:s4+$0xFFFFFF10] =	vst v3;
	v3 =	vadd.s32 s6, v16;
	v36 =	vand.u32 $0x7FF8, v54;
	v8 =	vld.idx.msk [tilespmem:v8+s2+$0x0], $0xffff;
	v55 =	vor.u32 v1, v5  }
0x79: {  	v3 =	vand.u32 $0x7FF8, v3;
	v5 =	vadd.s32 s0, v16;
	v40 =	vor.u32 v35, v36;
	v7 =	vld.idx.msk [tilespmem:v7+s2+$0x0], $0xffff;
	[tilespmem:s8+$0x60] =	vst v10  }
0x7a: {  	v41 =	vadd.s32 s0, v17;
	s26 =	simm.s32 $0x8;
	v42 =	vor.u32 v34, v3;
	v10 =	vand.u32 $0x7FF8, v5;
	[tilespmem:s4+$0x90] =	vst v15;
	v15 =	vld.idx.msk [tilespmem:v2+s2+$0x0], $0xffff  }
0x7b: {  	v38 =	vadd.s32 s1, v16;
	v43 =	vadd.s32 s26, v0;
	[tilespmem:s8+$0xD0] =	vst v37;
	v2 =	vor.u32 v33, v10;
	v10 =	vld.idx.msk [tilespmem:v11+s2+$0x0], $0xffff  }
0x7c: {  	v43 =	vand.u32 $0x1FF8, v43;
	[tilespmem:s8+$0xFFFFFF50] =	vst v6;
	v6 =	vadd.s32 s9, v20;
	v3 =	vld.idx.msk [tilespmem:v13+s2+$0x0], $0xffff;
	v13 =	vadd.s32 s28, v19  }
0x7d: {  	v11 =	vadd.s32 s2, v20;
	v57 =	vand.u32 $0xFFF8, v6;
	[tilespmem:s4+$0x20] =	vst v4;
	v4 =	vadd.s32 s28, v20;
	v36 =	vld.idx.msk [tilespmem:v55+s2+$0x0], $0xffff  }
0x7e: {  	v11 =	vand.u32 $0xFFF8, v11;
	v39 =	vor.u32 v9, v57;
	[tilespmem:s4+$0xFFFFFFA0] =	vst v8;
	v6 =	vld.idx.msk [tilespmem:v40+s2+$0x0], $0xffff;
	v8 =	vadd.s32 s25, v17  }
0x7f: {  	v40 =	vor.u32 v1, v11;
	[tilespmem:s4+$0xFFFFFF20] =	vst v7;
	v9 =	vld.idx.msk [tilespmem:v42+s2+$0x0], $0xffff;
	v7 =	vadd.s32 s6, v17;
	v8 =	vand.u32 $0x7FF8, v8  }
0x80: {  	s29 =	simm.s32 $0xA;
	s28 =	simm.s32 $0x9;
	v7 =	vand.u32 $0x7FF8, v7;
	v37 =	vld.idx.msk [tilespmem:v2+s2+$0x0], $0xffff;
	v2 =	vand.u32 $0x7FF8, v41;
	v41 =	vor.u32 v35, v8;
	[tilespmem:s8+$0x70] =	vst v15  }
0x81: {  	s30 =	simm.s32 $0xC;
	s31 =	simm.s32 $0x0;
	v5 =	vmov s26;
	s9 =	simm.s32 $0x0;
	v1 =	vmov s28;
	v44 =	vor.u32 v34, v7;
	[tilespmem:s4+$0xA0] =	vst v10;
	v42 =	vld.idx.msk [tilespmem:v13+s2+$0x0], $0xffff  }
.LBB2_2:
0x82: {  	p0 =	slt.u32 s30, $0xC4;
	v7 =	vmov s29;
	v8 =	vadd.s32 s29, v0;
	v10 =	vor.u32 v33, v2;
	v11 =	vld.idx.msk [tilespmem:v38+s31+$0x0], $0xffff;
	[tilespmem:s8+$0xFFFFFFE0] =	vst v3  }
0x83: {  	v2 =	vadd.s32 s28, v0;
	v3 =	vand.u32 $0x1FF8, v8;
	v7 =	vand.u32 $0x6, v7;
	[tilespmem:s8+$0xFFFFFF60] =	vst v36;
	v8 =	vld.idx.msk [tilespmem:v39+s9+$0x0], $0xffff  }
0x84: {  	v13 =	vand.u32 $0x1FF8, v2;
	v2 =	vand.u32 $0x5, v1;
	v3 =	vor.u32 v7, v3;
	[tilespmem:s4+$0x30] =	vst v6;
	v6 =	vld.idx.msk [tilespmem:v40+s9+$0x0], $0xffff  }
0x85: {  	v1 =	vand.u32 $0x4, v5;
	v5 =	vor.u32 v2, v13;
	v13 =	vadd.s32 s25, v18;
	[tilespmem:s4+$0xFFFFFFB0] =	vst v9;
	v9 =	vld.idx.msk [tilespmem:v41+s31+$0x0], $0xffff  }
0x86: {  	v15 =	vor.u32 v1, v43;
	v13 =	vand.u32 $0xFFF8, v13;
	[tilespmem:s4+$0xFFFFFF30] =	vst v37;
	v36 =	vld.idx.msk [tilespmem:v44+s31+$0x0], $0xffff  }
0x87: {  	s2 =	sadd.s32 $0x3, s26;
	v13 =	vor.u32 v35, v13;
	v10 =	vld.idx.msk [tilespmem:v10+s31+$0x0], $0xffff;
	[tilespmem:s8+$0xE0] =	vst v42  }
0x88: {  	v38 =	vadd.s32 s6, v18;
	v37 =	vadd.s32 s2, v0;
	[tilespmem:s4+$0xB0] =	vst v11;
	v4 =	vld.idx.msk [tilespmem:v4+s9+$0x0], $0xffff;
	s9 =	smov.u32 s31;
	s31 =	simm.s32 $0x0  }
0x89: {  	v38 =	vand.u32 $0xFFF8, v38;
	v39 =	vadd.s32 s1, v17;
	v11 =	vadd.s32 s29, v12;
	v3 =	vld.idx.msk [tilespmem:v3+s31+$0x0], $0xffff;
	[tilespmem:s8+$0xFFFFFFF0] =	vst v8  }
0x8a: {  	v38 =	vor.u32 v34, v38;
	v8 =	vadd.s32 s28, v12;
	v11 =	vand.u32 $0x3FF8, v11;
	v5 =	vld.idx.msk [tilespmem:v5+s31+$0x0], $0xffff;
	[tilespmem:s8+$0xFFFFFF70] =	vst v6  }
0x8b: {  	v8 =	vand.u32 $0x3FF8, v8;
	v11 =	vor.u32 v7, v11;
	v6 =	vld.idx.msk [tilespmem:v15+s31+$0x0], $0xffff;
	v15 =	vadd.s32 s26, v12;
	[tilespmem:s4+$0x40] =	vst v9  }
0x8c: {  	v8 =	vor.u32 v2, v8;
	v9 =	vand.u32 $0x3FF8, v15;
	[tilespmem:s4+$0xFFFFFFC0] =	vst v36;
	v13 =	vld.idx.msk [tilespmem:v13+s9+$0x0], $0xffff;
	v15 =	vadd.s32 s25, v19  }
0x8d: {  	v9 =	vor.u32 v1, v9;
	v36 =	vld.idx.msk [tilespmem:v37+s31+$0x0], $0xffff;
	[tilespmem:s4+$0xFFFFFF40] =	vst v10;
	v10 =	vand.u32 $0x7FF8, v15  }
0x8e: {  	v15 =	vadd.s32 s0, v18;
	v10 =	vor.u32 v35, v10;
	v37 =	vld.idx.msk [tilespmem:v39+s9+$0x0], $0xffff;
	[tilespmem:s8+$0xF0] =	vst v4;
	s8 =	smov.u32 s4;
	s4 =	sadd.s32 $0x200, s4  }
0x8f: {  	v4 =	vand.u32 $0xFFF8, v15;
	[tilespmem:s4+$0x0] =	vst v3;
	v3 =	vadd.s32 s2, v12;
	v15 =	vld.idx.msk [tilespmem:v38+s9+$0x0], $0xffff  }
0x90: {  	v4 =	vor.u32 v33, v4;
	[tilespmem:s4+$0xFFFFFF80] =	vst v5;
	v5 =	vld.idx.msk [tilespmem:v11+s31+$0x0], $0xffff;
	v11 =	vadd.s32 s29, v14  }
0x91: {  	v38 =	vadd.s32 s1, v18;
	[tilespmem:s4+$0xFFFFFF00] =	vst v6;
	v6 =	vld.idx.msk [tilespmem:v8+s31+$0x0], $0xffff;
	v8 =	vadd.s32 s28, v14;
	v11 =	vand.u32 $0x7FF8, v11  }
0x92: {  	v39 =	vadd.s32 s26, v14;
	v9 =	vld.idx.msk [tilespmem:v9+s31+$0x0], $0xffff;
	v8 =	vand.u32 $0x7FF8, v8;
	v11 =	vor.u32 v7, v11;
	[tilespmem:s8+$0x50] =	vst v13  }
0x93: {  	v13 =	vand.u32 $0x7FF8, v39;
	v8 =	vor.u32 v2, v8;
	[tilespmem:s4+$0x80] =	vst v36;
	v10 =	vld.idx.msk [tilespmem:v10+s9+$0x0], $0xffff;
	v36 =	vadd.s32 s25, v20;
	s25 =	smov.u32 s29  }
0x94: {  	v13 =	vor.u32 v1, v13;
	v3 =	vld.idx.msk [tilespmem:v3+s31+$0x0], $0xffff;
	v36 =	vand.u32 $0xFFF8, v36;
	[tilespmem:s8+$0xC0] =	vst v37  }
0x95: {  	v37 =	vadd.s32 s0, v20;
	v4 =	vld.idx.msk [tilespmem:v4+s9+$0x0], $0xffff;
	[tilespmem:s8+$0xFFFFFFD0] =	vst v15;
	v15 =	vadd.s32 s6, v19;
	v36 =	vor.u32 v35, v36;
	v35 =	vmovc v7  }
0x96: {  	v7 =	vadd.s32 s2, v14;
	[tilespmem:s4+$0x10] =	vst v5;
	v5 =	vadd.s32 s0, v19;
	v15 =	vand.u32 $0x7FF8, v15;
	v38 =	vld.idx.msk [tilespmem:v38+s9+$0x0], $0xffff;
	s0 =	smov.u32 s26;
	s26 =	smov.u32 s30  }
0x97: {  	[tilespmem:s4+$0xFFFFFF90] =	vst v6;
	v6 =	vld.idx.msk [tilespmem:v11+s31+$0x0], $0xffff;
	v11 =	vadd.s32 s25, v16;
	v5 =	vand.u32 $0x7FF8, v5;
	v15 =	vor.u32 v34, v15  }
0x98: {  	[tilespmem:s4+$0xFFFFFF10] =	vst v9;
	v8 =	vld.idx.msk [tilespmem:v8+s31+$0x0], $0xffff;
	v9 =	vadd.s32 s28, v16;
	v11 =	vand.u32 $0x7FF8, v11;
	v39 =	vor.u32 v33, v5  }
0x99: {  	v5 =	vadd.s32 s0, v16;
	v13 =	vld.idx.msk [tilespmem:v13+s31+$0x0], $0xffff;
	v9 =	vand.u32 $0x7FF8, v9;
	v11 =	vor.u32 v35, v11;
	[tilespmem:s8+$0x60] =	vst v10  }
0x9a: {  	v41 =	vadd.s32 s0, v17;
	v10 =	vand.u32 $0x7FF8, v5;
	v9 =	vor.u32 v2, v9;
	[tilespmem:s4+$0x90] =	vst v3;
	v42 =	vld.idx.msk [tilespmem:v36+s9+$0x0], $0xffff  }
0x9b: {  	v43 =	vadd.s32 s30, v0;
	v5 =	vmov s30;
	v10 =	vor.u32 v1, v10;
	v7 =	vld.idx.msk [tilespmem:v7+s31+$0x0], $0xffff;
	[tilespmem:s8+$0xFFFFFF50] =	vst v4  }
0x9c: {  	v4 =	vadd.s32 s6, v20;
	s6 =	smov.u32 s28;
	v3 =	vld.idx.msk [tilespmem:v15+s9+$0x0], $0xffff;
	[tilespmem:s8+$0xD0] =	vst v38;
	v15 =	vadd.s32 s1, v19  }
.Ltmp0:
0x9d: {  	v38 =	vadd.s32 s2, v16;
	[tilespmem:s4+$0x20] =	vst v6;
	v36 =	vld.idx.msk [tilespmem:v39+s9+$0x0], $0xffff;
	v39 =	vand.u32 $0xFFF8, v4;
	v4 =	vadd.s32 s1, v20;
	s1 =	smov.u32 s2;
	(pc) =	sbr.rel @p0 .LBB2_2-.Ltmp0, $4  }
0x9e: {  	[tilespmem:s4+$0xFFFFFFA0] =	vst v8;
	v6 =	vld.idx.msk [tilespmem:v11+s31+$0x0], $0xffff;
	v8 =	vadd.s32 s25, v17;
	v11 =	vand.u32 $0xFFF8, v37;
	v39 =	vor.u32 v34, v39;
	v34 =	vmovc v2  }
0x9f: {  	[tilespmem:s4+$0xFFFFFF20] =	vst v13;
	v9 =	vld.idx.msk [tilespmem:v9+s31+$0x0], $0xffff;
	v13 =	vadd.s32 s6, v17;
	v8 =	vand.u32 $0x7FF8, v8;
	v40 =	vor.u32 v33, v11;
	v33 =	vmovc v1  }
0xa0: {  	s28 =	sadd.s32 $0x1, s30;
	v2 =	vand.u32 $0x7FF8, v41;
	v37 =	vld.idx.msk [tilespmem:v10+s31+$0x0], $0xffff;
	v10 =	vand.u32 $0x7FF8, v13;
	v41 =	vor.u32 v35, v8;
	[tilespmem:s8+$0x70] =	vst v42  }
0xa1: {  	v43 =	vand.u32 $0x1FF8, v43;
	s29 =	sadd.s32 $0x2, s26;
	s30 =	sadd.s32 $0x4, s30;
	v1 =	vmov s28;
	v44 =	vor.u32 v34, v10;
	[tilespmem:s4+$0xA0] =	vst v7;
	v42 =	vld.idx.msk [tilespmem:v15+s9+$0x0], $0xffff  }
0xa2: {  	_ =	sdelay $0x2  }
0xa3: {  	v7 =	vmov s29;
	[tilespmem:s8+$0xFFFFFFE0] =	vst v3  }
0xa4: {  	v8 =	vadd.s32 s29, v0;
	v10 =	vor.u32 v33, v2;
	v11 =	vld.idx.msk [tilespmem:v38+s31+$0x0], $0xffff;
	v54 =	vadd.s32 s28, v0;
	[tilespmem:s8+$0xFFFFFF60] =	vst v36;
	s30 =	sadd.s32 $0x3, s26  }
0xa5: {  	v8 =	vand.u32 $0x1FF8, v8;
	v3 =	vand.u32 $0x6, v7;
	v55 =	vld.idx.msk [tilespmem:v39+s9+$0x0], $0xffff;
	[tilespmem:s4+$0x30] =	vst v6;
	v47 =	vadd.s32 s30, v0  }
0xa6: {  	v1 =	vand.u32 $0x5, v1;
	v13 =	vand.u32 $0x1FF8, v54;
	v57 =	vld.idx.msk [tilespmem:v40+s9+$0x0], $0xffff;
	v8 =	vor.u32 v3, v8;
	[tilespmem:s4+$0xFFFFFFB0] =	vst v9  }
0xa7: {  	v2 =	vand.u32 $0x4, v5;
	v40 =	vor.u32 v1, v13;
	v41 =	vld.idx.msk [tilespmem:v41+s31+$0x0], $0xffff;
	[tilespmem:s4+$0xFFFFFF30] =	vst v37  }
0xa8: {  	v15 =	vadd.s32 s25, v18;
	v43 =	vor.u32 v2, v43;
	v46 =	vld.idx.msk [tilespmem:v44+s31+$0x0], $0xffff;
	[tilespmem:s8+$0xE0] =	vst v42  }
0xa9: {  	v15 =	vand.u32 $0xFFF8, v15;
	v10 =	vld.idx.msk [tilespmem:v10+s31+$0x0], $0xffff;
	[tilespmem:s4+$0xB0] =	vst v11  }
0xaa: {  	v49 =	vadd.s32 s29, v12;
	v15 =	vor.u32 v35, v15;
	[tilespmem:s8+$0xFFFFFFF0] =	vst v55;
	v52 =	vld.idx.msk [tilespmem:v47+s31+$0x0], $0xffff  }
0xab: {  	v50 =	vadd.s32 s28, v12;
	v54 =	vadd.s32 s30, v12;
	v11 =	vand.u32 $0x3FF8, v49;
	[tilespmem:s8+$0xFFFFFF70] =	vst v57;
	v8 =	vld.idx.msk [tilespmem:v8+s31+$0x0], $0xffff  }
0xac: {  	v51 =	vadd.s32 s26, v12;
	v7 =	vand.u32 $0x3FF8, v50;
	v11 =	vor.u32 v3, v11;
	v5 =	vld.idx.msk [tilespmem:v40+s31+$0x0], $0xffff;
	[tilespmem:s4+$0x40] =	vst v41  }
0xad: {  	v53 =	vadd.s32 s6, v18;
	v6 =	vand.u32 $0x3FF8, v51;
	v7 =	vor.u32 v1, v7;
	v13 =	vld.idx.msk [tilespmem:v43+s31+$0x0], $0xffff;
	[tilespmem:s4+$0xFFFFFFC0] =	vst v46  }
0xae: {  	s2 =	sadd.s32 $0x200, s4;
	v36 =	vand.u32 $0xFFF8, v53;
	v6 =	vor.u32 v2, v6;
	v4 =	vld.idx.msk [tilespmem:v4+s9+$0x0], $0xffff;
	[tilespmem:s4+$0xFFFFFF40] =	vst v10  }
0xaf: {  	v36 =	vor.u32 v34, v36;
	v15 =	vld.idx.msk [tilespmem:v15+s31+$0x0], $0xffff;
	[tilespmem:s2+$0x80] =	vst v52  }
0xb0: {  	v55 =	vadd.s32 s1, v17;
	v57 =	vadd.s32 s29, v14;
	[tilespmem:s2+$0x0] =	vst v8;
	v10 =	vld.idx.msk [tilespmem:v54+s31+$0x0], $0xffff  }
0xb1: {  	v40 =	vadd.s32 s28, v14;
	v46 =	vadd.s32 s30, v14;
	[tilespmem:s2+$0xFFFFFF80] =	vst v5;
	v8 =	vand.u32 $0x7FF8, v57;
	v0 =	vld.idx.msk [tilespmem:v11+s31+$0x0], $0xffff  }
0xb2: {  	v41 =	vadd.s32 s26, v14;
	[tilespmem:s2+$0xFFFFFF00] =	vst v13;
	v7 =	vld.idx.msk [tilespmem:v7+s31+$0x0], $0xffff;
	v11 =	vand.u32 $0x7FF8, v40;
	v8 =	vor.u32 v3, v8  }
0xb3: {  	v42 =	vadd.s32 s25, v19;
	[tilespmem:s8+$0xF0] =	vst v4;
	v13 =	vand.u32 $0x7FF8, v41;
	v6 =	vld.idx.msk [tilespmem:v6+s31+$0x0], $0xffff;
	v11 =	vor.u32 v1, v11  }
0xb4: {  	v44 =	vadd.s32 s0, v18;
	v9 =	vand.u32 $0x7FF8, v42;
	v36 =	vld.idx.msk [tilespmem:v36+s31+$0x0], $0xffff;
	v43 =	vor.u32 v2, v13;
	[tilespmem:s4+$0x50] =	vst v15  }
0xb5: {  	v9 =	vor.u32 v35, v9;
	v37 =	vld.idx.msk [tilespmem:v55+s31+$0x0], $0xffff;
	v13 =	vand.u32 $0xFFF8, v44;
	[tilespmem:s2+$0x90] =	vst v10  }
0xb6: {  	v47 =	vadd.s32 s29, v16;
	v13 =	vor.u32 v33, v13;
	[tilespmem:s2+$0x10] =	vst v0;
	v54 =	vld.idx.msk [tilespmem:v46+s31+$0x0], $0xffff  }
0xb7: {  	v50 =	vadd.s32 s28, v16;
	v5 =	vand.u32 $0x7FF8, v47;
	v57 =	vadd.s32 s30, v16;
	[tilespmem:s2+$0xFFFFFF90] =	vst v7;
	v49 =	vld.idx.msk [tilespmem:v8+s31+$0x0], $0xffff  }
0xb8: {  	v52 =	vadd.s32 s26, v16;
	v5 =	vor.u32 v3, v5;
	[tilespmem:s2+$0xFFFFFF10] =	vst v6;
	v51 =	vld.idx.msk [tilespmem:v11+s31+$0x0], $0xffff;
	v8 =	vand.u32 $0x7FF8, v50  }
0xb9: {  	v55 =	vadd.s32 s25, v20;
	[tilespmem:s4+$0xFFFFFFD0] =	vst v36;
	v4 =	vld.idx.msk [tilespmem:v43+s31+$0x0], $0xffff;
	v11 =	vand.u32 $0x7FF8, v52;
	v8 =	vor.u32 v1, v8  }
0xba: {  	v15 =	vand.u32 $0xFFF8, v55;
	v9 =	vld.idx.msk [tilespmem:v9+s31+$0x0], $0xffff;
	[tilespmem:s4+$0xC0] =	vst v37;
	v53 =	vor.u32 v2, v11  }
0xbb: {  	v15 =	vor.u32 v35, v15;
	v13 =	vld.idx.msk [tilespmem:v13+s31+$0x0], $0xffff;
	[tilespmem:s2+$0xA0] =	vst v54  }
0xbc: {  	v38 =	vadd.s32 s29, v17;
	v0 =	vadd.s32 s1, v18;
	[tilespmem:s2+$0x20] =	vst v49;
	v47 =	vld.idx.msk [tilespmem:v57+s31+$0x0], $0xffff  }
0xbd: {  	v39 =	vadd.s32 s28, v17;
	v7 =	vand.u32 $0x7FF8, v38;
	[tilespmem:s2+$0xFFFFFFA0] =	vst v51;
	v51 =	vadd.s32 s30, v17;
	v5 =	vld.idx.msk [tilespmem:v5+s31+$0x0], $0xffff  }
0xbe: {  	v40 =	vadd.s32 s26, v17;
	v6 =	vand.u32 $0x7FF8, v39;
	v7 =	vor.u32 v3, v7;
	[tilespmem:s2+$0xFFFFFF20] =	vst v4;
	v41 =	vld.idx.msk [tilespmem:v8+s31+$0x0], $0xffff  }
0xbf: {  	v44 =	vadd.s32 s6, v19;
	v43 =	vand.u32 $0x7FF8, v40;
	v6 =	vor.u32 v1, v6;
	[tilespmem:s4+$0x60] =	vst v9;
	v42 =	vld.idx.msk [tilespmem:v53+s31+$0x0], $0xffff  }
0xc0: {  	v46 =	vor.u32 v2, v43;
	v11 =	vand.u32 $0x7FF8, v44;
	v15 =	vld.idx.msk [tilespmem:v15+s31+$0x0], $0xffff;
	[tilespmem:s4+$0xFFFFFF50] =	vst v13  }
0xc1: {  	v11 =	vor.u32 v34, v11;
	v50 =	vld.idx.msk [tilespmem:v0+s31+$0x0], $0xffff;
	[tilespmem:s2+$0xB0] =	vst v47  }
0xc2: {  	v52 =	vadd.s32 s29, v18;
	v17 =	vadd.s32 s1, v19;
	[tilespmem:s2+$0x30] =	vst v5;
	v10 =	vld.idx.msk [tilespmem:v51+s31+$0x0], $0xffff  }
0xc3: {  	v54 =	vadd.s32 s28, v18;
	v0 =	vadd.s32 s30, v18;
	[tilespmem:s2+$0xFFFFFFB0] =	vst v41;
	v5 =	vand.u32 $0xFFF8, v52;
	v53 =	vld.idx.msk [tilespmem:v7+s31+$0x0], $0xffff  }
0xc4: {  	v55 =	vadd.s32 s26, v18;
	[tilespmem:s2+$0xFFFFFF30] =	vst v42;
	v6 =	vld.idx.msk [tilespmem:v6+s31+$0x0], $0xffff;
	v5 =	vor.u32 v3, v5;
	v7 =	vand.u32 $0xFFF8, v54  }
0xc5: {  	v49 =	vadd.s32 s0, v19;
	v8 =	vand.u32 $0xFFF8, v55;
	[tilespmem:s4+$0x70] =	vst v15;
	v9 =	vld.idx.msk [tilespmem:v46+s31+$0x0], $0xffff;
	v7 =	vor.u32 v1, v7  }
0xc6: {  	v57 =	vadd.s32 s6, v20;
	v35 =	vand.u32 $0x7FF8, v49;
	v8 =	vor.u32 v2, v8;
	v11 =	vld.idx.msk [tilespmem:v11+s31+$0x0], $0xffff;
	[tilespmem:s4+$0xD0] =	vst v50  }
0xc7: {  	v13 =	vand.u32 $0xFFF8, v57;
	v35 =	vor.u32 v33, v35;
	v40 =	vld.idx.msk [tilespmem:v17+s31+$0x0], $0xffff;
	[tilespmem:s2+$0xC0] =	vst v10  }
0xc8: {  	v18 =	vadd.s32 s29, v19;
	v13 =	vor.u32 v34, v13;
	[tilespmem:s2+$0x40] =	vst v53;
	v39 =	vld.idx.msk [tilespmem:v0+s31+$0x0], $0xffff  }
0xc9: {  	v4 =	vand.u32 $0x7FF8, v18;
	v34 =	vadd.s32 s28, v19;
	v41 =	vadd.s32 s30, v19;
	[tilespmem:s2+$0xFFFFFFC0] =	vst v6;
	v5 =	vld.idx.msk [tilespmem:v5+s31+$0x0], $0xffff  }
0xca: {  	v37 =	vadd.s32 s26, v19;
	v4 =	vor.u32 v3, v4;
	[tilespmem:s2+$0xFFFFFF40] =	vst v9;
	v6 =	vand.u32 $0x7FF8, v34;
	v7 =	vld.idx.msk [tilespmem:v7+s31+$0x0], $0xffff  }
0xcb: {  	[tilespmem:s4+$0xFFFFFFE0] =	vst v11;
	v9 =	vand.u32 $0x7FF8, v37;
	v8 =	vld.idx.msk [tilespmem:v8+s31+$0x0], $0xffff;
	v6 =	vor.u32 v1, v6  }
0xcc: {  	v38 =	vadd.s32 s0, v20;
	v35 =	vld.idx.msk [tilespmem:v35+s31+$0x0], $0xffff;
	[tilespmem:s4+$0xE0] =	vst v40;
	v9 =	vor.u32 v2, v9  }
0xcd: {  	v43 =	vadd.s32 s1, v20;
	v13 =	vld.idx.msk [tilespmem:v13+s31+$0x0], $0xffff;
	v10 =	vand.u32 $0xFFF8, v38;
	[tilespmem:s2+$0xD0] =	vst v39  }
0xce: {  	v42 =	vadd.s32 s29, v20;
	v10 =	vor.u32 v33, v10;
	[tilespmem:s2+$0x50] =	vst v5;
	v52 =	vld.idx.msk [tilespmem:v41+s31+$0x0], $0xffff  }
0xcf: {  	v44 =	vadd.s32 s28, v20;
	v54 =	vadd.s32 s30, v20;
	v5 =	vand.u32 $0xFFF8, v42;
	[tilespmem:s2+$0xFFFFFFD0] =	vst v7;
	v4 =	vld.idx.msk [tilespmem:v4+s31+$0x0], $0xffff  }
0xd0: {  	v49 =	vand.u32 $0xFFF8, v44;
	v46 =	vadd.s32 s26, v20;
	[tilespmem:s2+$0xFFFFFF50] =	vst v8;
	v3 =	vor.u32 v3, v5;
	v47 =	vld.idx.msk [tilespmem:v6+s31+$0x0], $0xffff  }
0xd1: {  	v51 =	vand.u32 $0xFFF8, v46;
	[tilespmem:s4+$0xFFFFFF60] =	vst v35;
	v1 =	vor.u32 v1, v49;
	v50 =	vld.idx.msk [tilespmem:v9+s31+$0x0], $0xffff  }
0xd2: {  	v55 =	vld.idx.msk [tilespmem:v43+s31+$0x0], $0xffff;
	v2 =	vor.u32 v2, v51;
	[tilespmem:s4+$0xFFFFFFF0] =	vst v13  }
0xd3: {  	v53 =	vld.idx.msk [tilespmem:v10+s31+$0x0], $0xffff;
	[tilespmem:s2+$0xE0] =	vst v52  }
0xd4: {  	[tilespmem:s2+$0x60] =	vst v4;
	v57 =	vld.idx.msk [tilespmem:v54+s31+$0x0], $0xffff  }
0xd5: {  	[tilespmem:s2+$0xFFFFFFE0] =	vst v47;
	v3 =	vld.idx.msk [tilespmem:v3+s31+$0x0], $0xffff  }
0xd6: {  	[tilespmem:s2+$0xFFFFFF60] =	vst v50;
	v1 =	vld.idx.msk [tilespmem:v1+s31+$0x0], $0xffff  }
0xd7: {  	[tilespmem:s4+$0xF0] =	vst v55;
	v2 =	vld.idx.msk [tilespmem:v2+s31+$0x0], $0xffff  }
0xd8: {  	[tilespmem:s4+$0xFFFFFF70] =	vst v53  }
0xd9: {  	[tilespmem:s2+$0xF0] =	vst v57  }
0xda: {  	[tilespmem:s2+$0x70] =	vst v3  }
0xdb: {  	[tilespmem:s2+$0xFFFFFFF0] =	vst v1  }
0xdc: {  	s1 =	simm.s32 $0x0;
	v33 =	vmov v45;
	[tilespmem:s2+$0xFFFFFF70] =	vst v2  }
.LBB2_4:
0xdd: {  	p0 =	sne.s32 s1, $0x0  }
0xde: {  	s0 =	simm.s32 @p0 $0x5  }
0xdf: {  	_ =	swait.ge @p0 [sflag:s0], $0x2000  }
0xe0: {  	s2 =	sshll.u32 @p0 s1, $0x9;
	[sflag:s0] =	ssyncset.done @p0 $0x0  }
0xe1: {  	s4 =	sshll.u32 @p0 s1, $0x2;
	[sflag:s0] =	ssyncadd.s32 @p0 $0xFFFFE000;
	s0 =	sand.u32 @p0 $0x3FFFFE00, s2  }
0xe2: {  	s6 =	simm.s32 @p0 $0xFA00;
	s2 =	simm.s32 @p0 $0x80;
	s0 =	sadd.s32 @p0 $0x6400, s0  }
0xe3: {  	[tilespmem:s6], [sflag:$0x1] =	stream.indirect.gather @p0 [hbm4b:s3+s2], $0x40, s0, s2, $0xb8;
	[tilespmem:$0x1FA00] =	vst v63  }
0xe4: {  	s6 =	sor.u32 @p0 $0x1, s4;
	s0 =	simm.s32 @p0 $0x6  }
0xe5: {  	_ =	swait.ge @p0 [sflag:s0], $0x2000;
	s8 =	sshll.u32 @p0 s6, $0x7  }
0xe6: {  	[sflag:s0] =	ssyncset.done @p0 $0x0;
	s8 =	sand.u32 @p0 $0x3FFFFE80, s8  }
0xe7: {  	[sflag:s0] =	ssyncadd.s32 @p0 $0xFFFFE000;
	s0 =	sadd.s32 @p0 $0x6400, s8;
	s8 =	simm.s32 @p0 $0x11A00  }
0xe8: {  	[tilespmem:s8], [sflag:$0x2] =	stream.indirect.gather @p0 [hbm4b:s3+s2], $0x40, s0, s2, $0xb8;
	[tilespmem:$0x1FA00] =	vst v63  }
0xe9: {  	s4 =	sor.u32 @p0 $0x2, s4;
	s0 =	simm.s32 @p0 $0x7  }
0xea: {  	s8 =	sshll.u32 @p0 s4, $0x7;
	_ =	swait.ge @p0 [sflag:s0], $0x2000  }
0xeb: {  	s8 =	sand.u32 @p0 $0x3FFFFF00, s8;
	[sflag:s0] =	ssyncset.done @p0 $0x0  }
0xec: {  	[sflag:s0] =	ssyncadd.s32 @p0 $0xFFFFE000;
	s0 =	sadd.s32 @p0 $0x6400, s8;
	s8 =	simm.s32 @p0 $0x13A00  }
0xed: {  	[tilespmem:s8], [sflag:$0x3] =	stream.indirect.gather @p0 [hbm4b:s3+s2], $0x40, s0, s2, $0xb8;
	[tilespmem:$0x1FA00] =	vst v63  }
0xee: {  	s0 =	simm.s32 @p0 $0x8  }
0xef: {  	_ =	swait.ge @p0 [sflag:s0], $0x2000  }
0xf0: {  	s2 =	simm.s32 @!p0 $0x6400;
	[sflag:s0] =	ssyncset.done @p0 $0x0  }
0xf1: {  	s8 =	simm.s32 @!p0 $0xFA00;
	[sflag:s0] =	ssyncadd.s32 @p0 $0xFFFFE000;
	s0 =	simm.s32 @!p0 $0x80  }
0xf2: {  	[tilespmem:s8], [sflag:$0x1] =	stream.indirect.gather @!p0 [hbm4b:s3+s0], $0x40, s2, s0, $0xb8;
	[tilespmem:$0x1FA00] =	vst v63  }
0xf3: {  	s2 =	simm.s32 @!p0 $0x6480;
	s8 =	simm.s32 @!p0 $0x11A00  }
0xf4: {  	[tilespmem:s8], [sflag:$0x2] =	stream.indirect.gather @!p0 [hbm4b:s3+s0], $0x40, s2, s0, $0xb8;
	[tilespmem:$0x1FA00] =	vst v63  }
0xf5: {  	s2 =	simm.s32 @!p0 $0x6500;
	s8 =	simm.s32 @!p0 $0x13A00  }
0xf6: {  	[tilespmem:s8], [sflag:$0x3] =	stream.indirect.gather @!p0 [hbm4b:s3+s0], $0x40, s2, s0, $0xb8;
	[tilespmem:$0x1FA00] =	vst v63  }
0xf7: {  	s26 =	sshll.u32 s1, $0x8;
	s0 =	sshllo.u32 @p0 s1, $0x2  }
0xf8: {  	s28 =	simm.s32 $0x7;
	v1 =	vadd.s32 s31, v32;
	v14 =	vmov s26;
	s0 =	simm.s32 @!p0 $0x3  }
0xf9: {  	s29 =	simm.s32 $0x4;
	s30 =	simm.s32 $0x1;
	v0 =	vor.u32 s26, v21;
	v2 =	vadd.s32 s28, v32;
	v3 =	vshll.u32 v1, $0x7;
	s9 =	sshll.u32 s0, $0x7  }
0xfa: {  	s25 =	simm.s32 $0x5;
	v4 =	vadd.s32 s29, v32;
	v5 =	vadd.s32 s30, v32;
	v42 =	vand.u32 $0x38, v1;
	s9 =	sand.u32 $0x3FFFFF80, s9  }
0xfb: {  	s28 =	simm.s32 $0x2;
	v1 =	vadd.s32 s25, v32;
	v20 =	vand.u32 $0x3F, v5;
	v6 =	vor.u32 v42, v0;
	[tilespmem:$0x1FDF0] =	vst v0;
	s26 =	sadd.s32 $0x6400, s9  }
0xfc: {  	v29 =	vand.u32 $0x1F80, v3;
	v3 =	vadd.s32 s28, v32;
	v7 =	vor.u32 v14, v20;
	[tilespmem:s12], [sflag:$0x4] =	stream.indirect.gather [hbm4b:s3+s11], $0x40, s26, s11, $0xb8;
	[tilespmem:$0x1FA00] =	vst v63  }
0xfd: {  	v46 =	vand.u32 $0x3F, v1;
	v41 =	vand.u32 $0x3F, v4;
	v8 =	vor.u32 v56, v20;
	_ =	swait.ge [sflag:s13], $0x2000  }
0xfe: {  	v1 =	vshll.u32 v1, $0x7;
	v19 =	vand.u32 $0x3F, v3;
	v10 =	vor.u32 v56, v46;
	[sflag:s13] =	ssyncset.done $0x0  }
0xff: {  	v34 =	vand.u32 $0x1F80, v1;
	v1 =	vshll.u32 v3, $0x7;
	v9 =	vor.u32 v14, v19;
	v3 =	vld [tilespmem:$0x1FE50];
	[sflag:s13] =	ssyncadd.s32 $0xFFFFE000  }
0x100: {  	v5 =	vshll.u32 v5, $0x7;
	v38 =	vor.u32 v14, v41;
	v27 =	vld.idx.msk [tilespmem:v6+s10+$0x0], $0xffff  }
0x101: {  	v40 =	vand.u32 $0x1F80, v5;
	v5 =	vor.u32 v14, v46;
	v37 =	vld.idx.msk [tilespmem:v7+s10+$0x0], $0xffff  }
0x102: {  	s29 =	simm.s32 $0x3;
	s30 =	simm.s32 $0x6;
	v6 =	vld.idx.msk [tilespmem:v8+s14+$0x0], $0xffff;
	v7 =	vor.u32 v22, v42  }
0x103: {  	v13 =	vadd.s32 s29, v32;
	v15 =	vadd.s32 s30, v32;
	v11 =	vor.u32 v56, v19;
	v8 =	vld.idx.msk [tilespmem:v10+s14+$0x0], $0xffff  }
0x104: {  	v4 =	vshll.u32 v4, $0x7;
	v55 =	vand.u32 $0x3F, v2;
	v47 =	vand.u32 $0x3F, v15;
	v39 =	vld.idx.msk [tilespmem:v9+s10+$0x0], $0xffff  }
0x105: {  	v2 =	vshll.u32 v2, $0x7;
	v44 =	vand.u32 $0x1F80, v1;
	v1 =	vor.u32 v14, v47;
	v36 =	vld.idx.msk [tilespmem:v38+s10+$0x0], $0xffff  }
0x106: {  	v35 =	vand.u32 $0x1F80, v4;
	v4 =	vor.u32 v56, v41;
	v38 =	vld.idx.msk [tilespmem:v5+s10+$0x0], $0xffff;
	v5 =	vor.u32 v56, v47;
	[tilespmem:$0x1FE00] =	vst v14  }
0x107: {  	v54 =	vor.u32 v14, v55;
	v52 =	vor.u32 v32, v40;
	v9 =	vor.u32 v56, v55;
	v7 =	vld.idx.msk [tilespmem:v7+s14+$0x0], $0xffff  }
0x108: {  	v53 =	vand.u32 $0x1F80, v2;
	v49 =	vor.u32 v32, v34;
	v0 =	vmovc v61;
	v61 =	vand.u32 $0x3F, v13;
	v11 =	vld.idx.msk [tilespmem:v11+s14+$0x0], $0xffff  }
0x109: {  	v12 =	vmovc v60;
	v2 =	vor.u32 v32, v44;
	v50 =	vor.u32 v56, v61;
	v10 =	vor.u32 v32, v29  }
0x10a: {  	v57 =	vld.idx.msk [tilespmem:v1+s10+$0x0], $0xffff;
	v45 =	vor.u32 v3, v61;
	v3 =	vor.u32 v23, v42;
	v6 =	vadd.f32 v6, v37  }
0x10b: {  	v15 =	vshll.u32 v15, $0x7;
	v60 =	vor.u32 v14, v61;
	v14 =	vmovc v62;
	v62 =	vor.u32 v0, v20;
	v5 =	vld.idx.msk [tilespmem:v5+s14+$0x0], $0xffff  }
0x10c: {  	v56 =	vand.u32 $0x1F80, v15;
	v9 =	vld.idx.msk [tilespmem:v9+s14+$0x0], $0xffff;
	[tilespmem:v52+s15+$0x0] =	vst.idx.msk $0xffff, v6;
	v6 =	vadd.f32 v7, v27  }
0x10d: {  	v52 =	vld.idx.msk [tilespmem:v54+s10+$0x0], $0xffff;
	v7 =	vadd.f32 v8, v38;
	v8 =	vadd.f32 v11, v39;
	v11 =	vor.u32 v32, v56  }
0x10e: {  	v16 =	vor.u32 v59, v42;
	v13 =	vshll.u32 v13, $0x7;
	v4 =	vld.idx.msk [tilespmem:v4+s14+$0x0], $0xffff;
	[tilespmem:v10+s15+$0x0] =	vst.idx.msk $0xffff, v6  }
0x10f: {  	v1 =	vor.u32 v32, v35;
	v6 =	vor.u32 v32, v53;
	v10 =	vor.u32 v0, v47;
	v3 =	vld.idx.msk [tilespmem:v3+s14+$0x0], $0xffff  }
0x110: {  	v15 =	vld.idx.msk [tilespmem:v50+s14+$0x0], $0xffff;
	v5 =	vadd.f32 v5, v57;
	[tilespmem:v49+s15+$0x0] =	vst.idx.msk $0xffff, v7;
	v7 =	vor.u32 v0, v46  }
0x111: {  	v59 =	vor.u32 v0, v55;
	v62 =	vld.idx.msk [tilespmem:v62+s14+$0x0], $0xffff;
	[tilespmem:v2+s15+$0x0] =	vst.idx.msk $0xffff, v8;
	v2 =	vor.u32 v24, v29  }
0x112: {  	v50 =	vand.u32 $0x1F80, v13;
	v54 =	vld.idx.msk [tilespmem:v60+s10+$0x0], $0xffff;
	v9 =	vadd.f32 v9, v52;
	[tilespmem:v11+s15+$0x0] =	vst.idx.msk $0xffff, v5  }
0x113: {  	v4 =	vadd.f32 v4, v36;
	v8 =	vor.u32 v24, v40;
	v11 =	vor.u32 v32, v50;
	v5 =	vld [tilespmem:$0x1FE80]  }
0x114: {  	[tilespmem:v6+s15+$0x0] =	vst.idx.msk $0xffff, v9;
	v6 =	vor.u32 v0, v19;
	v9 =	vld.idx.msk [tilespmem:v10+s14+$0x0], $0xffff;
	v3 =	vadd.f32 v3, v27  }
0x115: {  	[tilespmem:v1+s15+$0x0] =	vst.idx.msk $0xffff, v4;
	v1 =	vor.u32 v0, v61;
	v7 =	vld.idx.msk [tilespmem:v7+s14+$0x0], $0xffff  }
0x116: {  	v4 =	vadd.f32 v62, v37;
	v13 =	vld.idx.msk [tilespmem:v59+s14+$0x0], $0xffff;
	v59 =	vor.u32 v24, v56;
	[tilespmem:v2+s15+$0x0] =	vst.idx.msk $0xffff, v3  }
0x117: {  	v2 =	vor.u32 v24, v34;
	v3 =	vadd.f32 v15, v54;
	v15 =	vor.u32 v33, v20  }
0x118: {  	[tilespmem:v8+s15+$0x0] =	vst.idx.msk $0xffff, v4;
	v4 =	vor.u32 v24, v53;
	v5 =	vor.u32 v5, v42  }
0x119: {  	v8 =	vor.u32 v33, v47;
	v6 =	vld.idx.msk [tilespmem:v6+s14+$0x0], $0xffff;
	[tilespmem:v11+s15+$0x0] =	vst.idx.msk $0xffff, v3;
	v3 =	vadd.f32 v9, v57  }
0x11a: {  	v10 =	vor.u32 v0, v41;
	v7 =	vadd.f32 v7, v38  }
0x11b: {  	v11 =	vor.u32 v24, v44;
	v13 =	vadd.f32 v13, v52;
	v1 =	vld.idx.msk [tilespmem:v1+s14+$0x0], $0xffff;
	[tilespmem:v59+s15+$0x0] =	vst.idx.msk $0xffff, v3  }
0x11c: {  	[tilespmem:v2+s15+$0x0] =	vst.idx.msk $0xffff, v7;
	v7 =	vld.idx.msk [tilespmem:v15+s14+$0x0], $0xffff  }
0x11d: {  	[tilespmem:v4+s15+$0x0] =	vst.idx.msk $0xffff, v13;
	v4 =	vor.u32 v24, v50;
	v5 =	vld.idx.msk [tilespmem:v5+s14+$0x0], $0xffff  }
0x11e: {  	v13 =	vor.u32 v26, v40;
	v8 =	vld.idx.msk [tilespmem:v8+s14+$0x0], $0xffff;
	v6 =	vadd.f32 v6, v39  }
0x11f: {  	v9 =	vor.u32 v26, v29;
	v10 =	vld.idx.msk [tilespmem:v10+s14+$0x0], $0xffff;
	v3 =	vor.u32 v33, v46;
	v15 =	vor.u32 v33, v19  }
0x120: {  	v1 =	vadd.f32 v1, v54;
	[tilespmem:v11+s15+$0x0] =	vst.idx.msk $0xffff, v6;
	v6 =	vor.u32 v26, v56  }
0x121: {  	v49 =	vor.u32 v24, v35;
	v2 =	vor.u32 v31, v42;
	v7 =	vadd.f32 v7, v37  }
0x122: {  	[tilespmem:v4+s15+$0x0] =	vst.idx.msk $0xffff, v1;
	v5 =	vadd.f32 v5, v27  }
0x123: {  	v4 =	vadd.f32 v8, v57;
	[tilespmem:v13+s15+$0x0] =	vst.idx.msk $0xffff, v7  }
0x124: {  	v3 =	vld.idx.msk [tilespmem:v3+s14+$0x0], $0xffff;
	[tilespmem:v9+s15+$0x0] =	vst.idx.msk $0xffff, v5;
	v5 =	vor.u32 v33, v41;
	v9 =	vadd.f32 v10, v36  }
0x125: {  	v15 =	vld.idx.msk [tilespmem:v15+s14+$0x0], $0xffff;
	v10 =	vor.u32 v33, v55;
	[tilespmem:v6+s15+$0x0] =	vst.idx.msk $0xffff, v4  }
0x126: {  	v51 =	vor.u32 v26, v34;
	v2 =	vld.idx.msk [tilespmem:v2+s14+$0x0], $0xffff;
	[tilespmem:v49+s15+$0x0] =	vst.idx.msk $0xffff, v9  }
0x127: {  	v0 =	vld [tilespmem:$0x1FE10]  }
0x128: {  	v11 =	vor.u32 v33, v61;
	v7 =	vor.u32 v26, v44  }
0x129: {  	v1 =	vor.u32 v14, v20;
	v3 =	vadd.f32 v3, v38;
	v9 =	vor.u32 v28, v29;
	v5 =	vld.idx.msk [tilespmem:v5+s14+$0x0], $0xffff  }
0x12a: {  	v8 =	vor.u32 v14, v47;
	v13 =	vor.u32 v14, v46;
	v10 =	vld.idx.msk [tilespmem:v10+s14+$0x0], $0xffff  }
0x12b: {  	v6 =	vor.u32 v26, v35;
	v15 =	vadd.f32 v15, v39;
	[tilespmem:v51+s15+$0x0] =	vst.idx.msk $0xffff, v3  }
0x12c: {  	v3 =	vor.u32 v26, v53;
	v2 =	vadd.f32 v2, v27;
	v4 =	vor.u32 v0, v42  }
0x12d: {  	v11 =	vld.idx.msk [tilespmem:v11+s14+$0x0], $0xffff;
	[tilespmem:v7+s15+$0x0] =	vst.idx.msk $0xffff, v15  }
0x12e: {  	v1 =	vld.idx.msk [tilespmem:v1+s14+$0x0], $0xffff;
	[tilespmem:v9+s15+$0x0] =	vst.idx.msk $0xffff, v2;
	v5 =	vadd.f32 v5, v36  }
0x12f: {  	v8 =	vld.idx.msk [tilespmem:v8+s14+$0x0], $0xffff;
	v2 =	vor.u32 v26, v50;
	v9 =	vor.u32 v14, v41;
	v10 =	vadd.f32 v10, v52  }
0x130: {  	v59 =	vor.u32 v14, v19;
	v15 =	vor.u32 v28, v40;
	v13 =	vld.idx.msk [tilespmem:v13+s14+$0x0], $0xffff;
	[tilespmem:v6+s15+$0x0] =	vst.idx.msk $0xffff, v5  }
0x131: {  	v7 =	vor.u32 v14, v55;
	v5 =	vor.u32 v28, v56;
	[tilespmem:v3+s15+$0x0] =	vst.idx.msk $0xffff, v10;
	v4 =	vld.idx.msk [tilespmem:v4+s14+$0x0], $0xffff  }
0x132: {  	v11 =	vadd.f32 v11, v54;
	v0 =	vld [tilespmem:$0x1FE30]  }
0x133: {  	v1 =	vadd.f32 v1, v37;
	v3 =	vor.u32 v28, v34  }
0x134: {  	v8 =	vadd.f32 v8, v57;
	[tilespmem:v2+s15+$0x0] =	vst.idx.msk $0xffff, v11;
	v2 =	vor.u32 v48, v29;
	v9 =	vld.idx.msk [tilespmem:v9+s14+$0x0], $0xffff  }
0x135: {  	v60 =	vld.idx.msk [tilespmem:v59+s14+$0x0], $0xffff;
	v13 =	vadd.f32 v13, v38;
	v6 =	vor.u32 v14, v61;
	[tilespmem:v15+s15+$0x0] =	vst.idx.msk $0xffff, v1  }
0x136: {  	v7 =	vld.idx.msk [tilespmem:v7+s14+$0x0], $0xffff;
	[tilespmem:v5+s15+$0x0] =	vst.idx.msk $0xffff, v8;
	v5 =	vor.u32 v28, v35;
	v8 =	vor.u32 v25, v42  }
0x137: {  	v1 =	vor.u32 v28, v44;
	v10 =	vor.u32 v0, v20;
	v4 =	vadd.f32 v4, v27  }
0x138: {  	[tilespmem:v3+s15+$0x0] =	vst.idx.msk $0xffff, v13;
	v13 =	vor.u32 v28, v53;
	v11 =	vor.u32 v0, v47  }
0x139: {  	[tilespmem:v2+s15+$0x0] =	vst.idx.msk $0xffff, v4;
	v4 =	vadd.f32 v9, v36  }
0x13a: {  	v60 =	vadd.f32 v60, v39;
	v6 =	vld.idx.msk [tilespmem:v6+s14+$0x0], $0xffff;
	v15 =	vor.u32 v0, v46  }
0x13b: {  	v3 =	vor.u32 v0, v19;
	v7 =	vadd.f32 v7, v52;
	[tilespmem:v5+s15+$0x0] =	vst.idx.msk $0xffff, v4;
	v5 =	vld.idx.msk [tilespmem:v8+s14+$0x0], $0xffff  }
0x13c: {  	[tilespmem:v1+s15+$0x0] =	vst.idx.msk $0xffff, v60;
	v1 =	vor.u32 v0, v41;
	v10 =	vld.idx.msk [tilespmem:v10+s14+$0x0], $0xffff  }
0x13d: {  	v43 =	vor.u32 v58, v41;
	v2 =	vor.u32 v28, v50;
	[tilespmem:v13+s15+$0x0] =	vst.idx.msk $0xffff, v7;
	v11 =	vld.idx.msk [tilespmem:v11+s14+$0x0], $0xffff  }
0x13e: {  	v18 =	vor.u32 v58, v19;
	v33 =	vor.u32 v0, v55;
	v4 =	vor.u32 v0, v61;
	v0 =	vld [tilespmem:$0x1FE40]  }
0x13f: {  	v62 =	vor.u32 v58, v46;
	v24 =	vor.u32 v30, v34;
	v9 =	vor.u32 v48, v40;
	v15 =	vld.idx.msk [tilespmem:v15+s14+$0x0], $0xffff  }
0x140: {  	v49 =	vor.u32 v48, v44;
	v8 =	vor.u32 v48, v56;
	v6 =	vadd.f32 v6, v54;
	v3 =	vld.idx.msk [tilespmem:v3+s14+$0x0], $0xffff  }
0x141: {  	v59 =	vor.u32 v30, v56;
	v14 =	vor.u32 v58, v20;
	v7 =	vor.u32 v48, v34;
	v1 =	vld.idx.msk [tilespmem:v1+s14+$0x0], $0xffff  }
0x142: {  	[tilespmem:v2+s15+$0x0] =	vst.idx.msk $0xffff, v6;
	v2 =	vor.u32 v30, v29;
	v10 =	vadd.f32 v10, v37  }
0x143: {  	v5 =	vadd.f32 v5, v27;
	v6 =	vor.u32 v0, v20;
	v11 =	vadd.f32 v11, v57  }
0x144: {  	v15 =	vadd.f32 v15, v38;
	[tilespmem:v9+s15+$0x0] =	vst.idx.msk $0xffff, v10;
	v9 =	vor.u32 v0, v47;
	v10 =	vld.idx.msk [tilespmem:v33+s14+$0x0], $0xffff  }
0x145: {  	v13 =	vor.u32 v0, v46;
	[tilespmem:v8+s15+$0x0] =	vst.idx.msk $0xffff, v11;
	v8 =	vor.u32 v48, v35  }
0x146: {  	v4 =	vld.idx.msk [tilespmem:v4+s14+$0x0], $0xffff;
	v3 =	vadd.f32 v3, v39;
	v1 =	vadd.f32 v1, v36;
	[tilespmem:v7+s15+$0x0] =	vst.idx.msk $0xffff, v15  }
0x147: {  	v17 =	vmov v63;
	v11 =	vor.u32 v0, v19;
	v7 =	vor.u32 v48, v53;
	[tilespmem:v2+s15+$0x0] =	vst.idx.msk $0xffff, v5  }
0x148: {  	v5 =	vor.u32 v48, v50;
	[tilespmem:v49+s15+$0x0] =	vst.idx.msk $0xffff, v3;
	v3 =	vor.u32 v0, v41;
	v6 =	vld.idx.msk [tilespmem:v6+s14+$0x0], $0xffff  }
0x149: {  	v60 =	vor.u32 v30, v35;
	v51 =	vor.u32 v0, v61;
	v9 =	vld.idx.msk [tilespmem:v9+s14+$0x0], $0xffff;
	v2 =	vadd.f32 v10, v52  }
0x14a: {  	v13 =	vld.idx.msk [tilespmem:v13+s14+$0x0], $0xffff;
	v10 =	vor.u32 v0, v55;
	[tilespmem:v8+s15+$0x0] =	vst.idx.msk $0xffff, v1;
	v8 =	vor.u32 v30, v40  }
0x14b: {  	v15 =	vld.idx.msk [tilespmem:v16+s14+$0x0], $0xffff;
	v16 =	vor.u32 v58, v47;
	v1 =	vadd.f32 v4, v54;
	v4 =	vor.u32 v17, v29  }
0x14c: {  	v0 =	vld.idx.msk [tilespmem:v11+s14+$0x0], $0xffff;
	v11 =	vor.u32 v30, v44;
	[tilespmem:v7+s15+$0x0] =	vst.idx.msk $0xffff, v2;
	v2 =	vor.u32 v58, v61  }
.Ltmp1:
0x14d: {  	[tilespmem:v5+s15+$0x0] =	vst.idx.msk $0xffff, v1;
	v5 =	vor.u32 v30, v50;
	v61 =	vld.idx.msk [tilespmem:v3+s14+$0x0], $0xffff;
	v6 =	vadd.f32 v6, v37;
	(pc) =	sbr.rel @!p1 .LBB2_6-.Ltmp1, $4  }
0x14e: {  	v21 =	vmovc v58;
	v1 =	vor.u32 v12, v29;
	v29 =	vmov v20;
	v7 =	vld.idx.msk [tilespmem:v51+s14+$0x0], $0xffff;
	v3 =	vadd.f32 v9, v57  }
0x14f: {  	v63 =	vld.idx.msk [tilespmem:v10+s14+$0x0], $0xffff;
	[tilespmem:v8+s15+$0x0] =	vst.idx.msk $0xffff, v6;
	v10 =	vadd.f32 v13, v38;
	v9 =	vor.u32 v58, v55  }
0x150: {  	v6 =	vadd.f32 v15, v27;
	v13 =	vor.u32 v30, v53;
	v8 =	vld.idx.msk [tilespmem:v14+s14+$0x0], $0xffff;
	[tilespmem:v59+s15+$0x0] =	vst.idx.msk $0xffff, v3  }
0x151: {  	s6 =	simm.s32 @!p0 $0x1;
	s4 =	simm.s32 @!p0 $0x2;
	s8 =	simm.s32 $0x8;
	v15 =	vadd.f32 v0, v39;
	[tilespmem:v24+s15+$0x0] =	vst.idx.msk $0xffff, v10;
	v3 =	vor.u32 v17, v50;
	v10 =	vld.idx.msk [tilespmem:v16+s14+$0x0], $0xffff  }
.LBB2_5:
0x152: {  	v0 =	vld [tilespmem:$0x1FE20];
	_ =	sdelay $0x4  }
0x153: {  	v49 =	vor.u32 v0, v42;
	v0 =	vld [tilespmem:$0x1FF80]  }
0x154: {  	v12 =	vld [tilespmem:$0x1FE50];
	_ =	sdelay $0x3  }
0x155: {  	[tilespmem:v11+s15+$0x0] =	vst.idx.msk $0xffff, v15;
	v11 =	vadd.f32 v61, v36;
	v61 =	vor.u32 v0, v40  }
0x156: {  	v7 =	vadd.f32 v7, v54;
	v58 =	vor.u32 v12, v29  }
0x157: {  	v62 =	vld.idx.msk [tilespmem:v62+s14+$0x0], $0xffff;
	v15 =	vadd.f32 v63, v52  }
0x158: {  	v51 =	vld.idx.msk [tilespmem:v18+s14+$0x0], $0xffff;
	v8 =	vadd.f32 v8, v37;
	[tilespmem:v5+s15+$0x0] =	vst.idx.msk $0xffff, v7  }
0x159: {  	v2 =	vld.idx.msk [tilespmem:v2+s14+$0x0], $0xffff;
	[tilespmem:v13+s15+$0x0] =	vst.idx.msk $0xffff, v15;
	v17 =	vor.u32 v0, v56  }
0x15a: {  	v59 =	vor.u32 v12, v47;
	v7 =	vld.idx.msk [tilespmem:v9+s14+$0x0], $0xffff;
	[tilespmem:v61+s15+$0x0] =	vst.idx.msk $0xffff, v8  }
0x15b: {  	[tilespmem:v4+s15+$0x0] =	vst.idx.msk $0xffff, v6;
	v48 =	vld.idx.msk [tilespmem:v58+s14+$0x0], $0xffff  }
0x15c: {  	v5 =	vadd.f32 v10, v57;
	[tilespmem:v60+s15+$0x0] =	vst.idx.msk $0xffff, v11;
	v10 =	vor.u32 v0, v44;
	v58 =	vld [tilespmem:$0x1FF30]  }
0x15d: {  	v4 =	vadd.f32 v62, v38;
	v15 =	vld.idx.msk [tilespmem:v43+s14+$0x0], $0xffff;
	v9 =	vor.u32 v0, v53;
	v33 =	vor.u32 v0, v34  }
0x15e: {  	v2 =	vadd.f32 v2, v54;
	[tilespmem:v17+s15+$0x0] =	vst.idx.msk $0xffff, v5;
	v8 =	vor.u32 v12, v46  }
0x15f: {  	v11 =	vor.u32 v12, v55;
	v13 =	vor.u32 v12, v19;
	v51 =	vadd.f32 v51, v39;
	v17 =	vld.idx.msk [tilespmem:v59+s14+$0x0], $0xffff  }
0x160: {  	v55 =	vor.u32 v12, v41;
	[tilespmem:v3+s15+$0x0] =	vst.idx.msk $0xffff, v2;
	v5 =	vor.u32 v0, v35  }
0x161: {  	v6 =	vld.idx.msk [tilespmem:v49+s14+$0x0], $0xffff;
	v7 =	vadd.f32 v7, v52;
	[tilespmem:v10+s15+$0x0] =	vst.idx.msk $0xffff, v51;
	v10 =	vor.u32 v58, v56  }
0x162: {  	[tilespmem:v33+s15+$0x0] =	vst.idx.msk $0xffff, v4;
	v4 =	vadd.f32 v15, v36;
	v15 =	vld.idx.msk [tilespmem:v45+s14+$0x0], $0xffff  }
0x163: {  	[tilespmem:v9+s15+$0x0] =	vst.idx.msk $0xffff, v7;
	v8 =	vld.idx.msk [tilespmem:v8+s14+$0x0], $0xffff  }
0x164: {  	v3 =	vld.idx.msk [tilespmem:v11+s14+$0x0], $0xffff;
	v56 =	vor.u32 v58, v40;
	v2 =	vadd.f32 v17, v57  }
0x165: {  	v13 =	vld.idx.msk [tilespmem:v13+s14+$0x0], $0xffff;
	[tilespmem:v5+s15+$0x0] =	vst.idx.msk $0xffff, v4;
	v5 =	vor.u32 v58, v34  }
0x166: {  	v7 =	vor.u32 v58, v53;
	v4 =	vld.idx.msk [tilespmem:v55+s14+$0x0], $0xffff;
	[tilespmem:v10+s15+$0x0] =	vst.idx.msk $0xffff, v2;
	v2 =	vadd.f32 v6, v27  }
0x167: {  	v9 =	vadd.f32 v48, v37;
	v10 =	vor.u32 v58, v50  }
0x168: {  	v16 =	vld [tilespmem:$0x1FE00];
	v11 =	vor.u32 v58, v44;
	[tilespmem:v1+s15+$0x0] =	vst.idx.msk $0xffff, v2;
	v1 =	vadd.f32 v8, v38  }
0x169: {  	s2 =	smov.u32 s8;
	v14 =	vld [tilespmem:$0x1FFB0];
	[tilespmem:v56+s15+$0x0] =	vst.idx.msk $0xffff, v9;
	v6 =	vor.u32 v58, v35;
	v2 =	vadd.f32 v3, v52  }
0x16a: {  	s25 =	sadd.s32 $0x4, s2;
	v9 =	vadd.f32 v13, v39;
	v3 =	vadd.f32 v15, v54;
	[tilespmem:v5+s15+$0x0] =	vst.idx.msk $0xffff, v1  }
0x16b: {  	s9 =	sadd.s32 $0x7, s2;
	v1 =	vadd.f32 v4, v36;
	[tilespmem:v7+s15+$0x0] =	vst.idx.msk $0xffff, v2;
	v2 =	vadd.s32 s2, v32;
	v5 =	vadd.s32 s25, v32  }
0x16c: {  	v4 =	vadd.s32 s9, v32;
	[tilespmem:v10+s15+$0x0] =	vst.idx.msk $0xffff, v3;
	v3 =	vshll.u32 v2, $0x7;
	v41 =	vand.u32 $0x3F, v5  }
0x16d: {  	s30 =	sadd.s32 $0x1, s2;
	s29 =	sadd.s32 $0x2, s2;
	v55 =	vand.u32 $0x3F, v4;
	v60 =	vand.u32 $0x1F80, v3;
	v15 =	vor.u32 v16, v41  }
0x16e: {  	s26 =	sadd.s32 $0x5, s2;
	[tilespmem:v6+s15+$0x0] =	vst.idx.msk $0xffff, v1;
	v1 =	vadd.s32 s30, v32;
	v3 =	vadd.s32 s29, v32;
	v57 =	vor.u32 v14, v55  }
0x16f: {  	v20 =	vld [tilespmem:$0x1FF90];
	v7 =	vadd.s32 s26, v32;
	v29 =	vand.u32 $0x3F, v1;
	v43 =	vand.u32 $0x3F, v3  }
0x170: {  	v25 =	vld [tilespmem:$0x1FFC0];
	v42 =	vand.u32 $0x38, v2;
	v2 =	vor.u32 v16, v29;
	v0 =	vor.u32 v21, v43  }
0x171: {  	s28 =	sadd.s32 $0x6, s2;
	v46 =	vand.u32 $0x3F, v7;
	v1 =	vshll.u32 v1, $0x7;
	v6 =	vor.u32 v14, v29;
	[tilespmem:$0x1FDE0] =	vst v0;
	v0 =	vld [tilespmem:$0x1FDF0]  }
0x172: {  	v13 =	vadd.s32 s28, v32;
	v40 =	vand.u32 $0x1F80, v1;
	v1 =	vor.u32 v14, v46;
	v62 =	vld.idx.msk [tilespmem:v15+s10+$0x0], $0xffff  }
0x173: {  	v47 =	vand.u32 $0x3F, v13;
	[tilespmem:v11+s15+$0x0] =	vst.idx.msk $0xffff, v9;
	s2 =	sadd.s32 $0x3, s2;
	v9 =	vor.u32 v16, v43;
	v34 =	vld.idx.msk [tilespmem:v57+s14+$0x0], $0xffff  }
0x174: {  	v11 =	vadd.s32 s2, v32;
	v7 =	vshll.u32 v7, $0x7;
	v10 =	vor.u32 v14, v43;
	v57 =	vld [tilespmem:$0x1FE40]  }
0x175: {  	v5 =	vshll.u32 v5, $0x7;
	v4 =	vshll.u32 v4, $0x7;
	v3 =	vshll.u32 v3, $0x7;
	v37 =	vld.idx.msk [tilespmem:v2+s10+$0x0], $0xffff  }
0x176: {  	v61 =	vand.u32 $0x3F, v11;
	v44 =	vand.u32 $0x1F80, v3;
	v3 =	vor.u32 v14, v41;
	v6 =	vld.idx.msk [tilespmem:v6+s14+$0x0], $0xffff  }
0x177: {  	v33 =	vand.u32 $0x1F80, v7;
	v45 =	vand.u32 $0x1F80, v5;
	v2 =	vor.u32 v16, v46;
	v1 =	vld.idx.msk [tilespmem:v1+s14+$0x0], $0xffff  }
0x178: {  	v11 =	vshll.u32 v11, $0x7;
	v17 =	vor.u32 v22, v42;
	v22 =	vor.u32 v14, v47;
	v39 =	vld.idx.msk [tilespmem:v9+s10+$0x0], $0xffff  }
0x179: {  	v53 =	vand.u32 $0x1F80, v4;
	v4 =	vor.u32 v23, v42;
	v10 =	vld.idx.msk [tilespmem:v10+s14+$0x0], $0xffff;
	v8 =	vor.u32 v42, v0  }
0x17a: {  	v7 =	vor.u32 v14, v61;
	v5 =	vor.u32 v32, v60;
	v50 =	vand.u32 $0x1F80, v11;
	v0 =	vld [tilespmem:$0x1FF40]  }
0x17b: {  	v12 =	vor.u32 v12, v61;
	v24 =	vor.u32 v32, v45;
	v18 =	vor.u32 v20, v45;
	v3 =	vld.idx.msk [tilespmem:v3+s14+$0x0], $0xffff  }
0x17c: {  	[tilespmem:$0x1FD80] =	vst v12;
	v12 =	vor.u32 v21, v41;
	v11 =	vor.u32 v32, v40;
	v38 =	vld.idx.msk [tilespmem:v2+s10+$0x0], $0xffff;
	v2 =	vshll.u32 v13, $0x7  }
0x17d: {  	v63 =	vmovc v21;
	v21 =	vor.u32 v20, v60;
	v13 =	vor.u32 v16, v47;
	v49 =	vand.u32 $0x1F80, v2;
	v2 =	vld [tilespmem:$0x1FF60]  }
0x17e: {  	v28 =	vor.u32 v25, v29;
	v30 =	vor.u32 v20, v40;
	v36 =	vld.idx.msk [tilespmem:v8+s10+$0x0], $0xffff;
	v8 =	vor.u32 v16, v61  }
0x17f: {  	v35 =	vld [tilespmem:$0x1FFA0];
	[tilespmem:$0x1FDD0] =	vst v12;
	v15 =	vor.u32 v32, v33;
	v6 =	vadd.f32 v6, v37;
	v19 =	vor.u32 v0, v29  }
0x180: {  	v17 =	vld.idx.msk [tilespmem:v17+s14+$0x0], $0xffff;
	v9 =	vor.u32 v16, v55;
	v10 =	vadd.f32 v10, v39;
	v3 =	vadd.f32 v3, v62  }
0x181: {  	v7 =	vld.idx.msk [tilespmem:v7+s14+$0x0], $0xffff;
	v26 =	vor.u32 v0, v43;
	v12 =	vor.u32 v0, v46;
	[tilespmem:v11+s15+$0x0] =	vst.idx.msk $0xffff, v6  }
0x182: {  	v31 =	vor.u32 v0, v41;
	[tilespmem:v24+s15+$0x0] =	vst.idx.msk $0xffff, v3;
	v51 =	vld.idx.msk [tilespmem:v13+s10+$0x0], $0xffff;
	v2 =	vor.u32 v2, v42  }
0x183: {  	v54 =	vld.idx.msk [tilespmem:v8+s10+$0x0], $0xffff;
	v8 =	vadd.f32 v1, v38;
	v1 =	vor.u32 v57, v43;
	[tilespmem:$0x1FDB0] =	vst v2  }
0x184: {  	v6 =	vor.u32 v32, v44;
	v19 =	vld.idx.msk [tilespmem:v19+s14+$0x0], $0xffff;
	[tilespmem:$0x1FDC0] =	vst v1;
	v1 =	vor.u32 v57, v46  }
0x185: {  	v27 =	vor.u32 v0, v61;
	v59 =	vor.u32 v0, v47;
	v2 =	vld.idx.msk [tilespmem:v9+s10+$0x0], $0xffff;
	[tilespmem:$0x1FDA0] =	vst v1  }
0x186: {  	v9 =	vadd.f32 v17, v36;
	v17 =	vld.idx.msk [tilespmem:v22+s14+$0x0], $0xffff;
	v1 =	vor.u32 v57, v29;
	[tilespmem:v15+s15+$0x0] =	vst.idx.msk $0xffff, v8  }
0x187: {  	v0 =	vor.u32 v0, v55;
	v11 =	vor.u32 v32, v50;
	v56 =	vld.idx.msk [tilespmem:v31+s14+$0x0], $0xffff;
	[tilespmem:$0x1FD90] =	vst v1  }
0x188: {  	v13 =	vor.u32 v20, v33;
	[tilespmem:v5+s15+$0x0] =	vst.idx.msk $0xffff, v9;
	v1 =	vld [tilespmem:$0x1FE80];
	v5 =	vor.u32 v32, v49  }
0x189: {  	[tilespmem:v6+s15+$0x0] =	vst.idx.msk $0xffff, v10;
	v15 =	vor.u32 v32, v53;
	v23 =	vld.idx.msk [tilespmem:v12+s14+$0x0], $0xffff;
	v19 =	vadd.f32 v19, v37  }
0x18a: {  	v10 =	vor.u32 v20, v44;
	v12 =	vor.u32 v20, v50;
	v4 =	vld.idx.msk [tilespmem:v4+s14+$0x0], $0xffff;
	v7 =	vadd.f32 v7, v54  }
0x18b: {  	v24 =	vld.idx.msk [tilespmem:v26+s14+$0x0], $0xffff;
	v34 =	vadd.f32 v34, v2;
	v17 =	vadd.f32 v17, v51;
	[tilespmem:v30+s15+$0x0] =	vst.idx.msk $0xffff, v19  }
0x18c: {  	v19 =	vor.u32 v20, v49;
	[tilespmem:v11+s15+$0x0] =	vst.idx.msk $0xffff, v7;
	v11 =	vor.u32 v20, v53;
	v20 =	vld [tilespmem:$0x1FFE0]  }
0x18d: {  	v8 =	vor.u32 v1, v42;
	[tilespmem:v5+s15+$0x0] =	vst.idx.msk $0xffff, v17;
	v27 =	vld.idx.msk [tilespmem:v27+s14+$0x0], $0xffff  }
0x18e: {  	[tilespmem:v15+s15+$0x0] =	vst.idx.msk $0xffff, v34;
	v17 =	vld.idx.msk [tilespmem:v59+s14+$0x0], $0xffff  }
0x18f: {  	v14 =	vor.u32 v35, v40;
	v6 =	vadd.f32 v4, v36;
	v0 =	vld.idx.msk [tilespmem:v0+s14+$0x0], $0xffff  }
0x190: {  	v16 =	vor.u32 v25, v61;
	v24 =	vadd.f32 v24, v39;
	v15 =	vadd.f32 v23, v38;
	v23 =	vld [tilespmem:$0x1FE10]  }
0x191: {  	v31 =	vor.u32 v25, v55;
	v7 =	vor.u32 v25, v46;
	v28 =	vld.idx.msk [tilespmem:v28+s14+$0x0], $0xffff;
	[tilespmem:v21+s15+$0x0] =	vst.idx.msk $0xffff, v6  }
0x192: {  	v30 =	vor.u32 v25, v47;
	[tilespmem:v10+s15+$0x0] =	vst.idx.msk $0xffff, v24;
	v8 =	vld.idx.msk [tilespmem:v8+s14+$0x0], $0xffff;
	v10 =	vadd.f32 v27, v54  }
0x193: {  	v48 =	vld [tilespmem:$0x1FF50];
	v22 =	vor.u32 v35, v60;
	[tilespmem:v13+s15+$0x0] =	vst.idx.msk $0xffff, v15;
	v17 =	vadd.f32 v17, v51  }
0x194: {  	v52 =	vld [tilespmem:$0x1FE30];
	v20 =	vor.u32 v20, v42;
	v0 =	vadd.f32 v0, v2;
	[tilespmem:v12+s15+$0x0] =	vst.idx.msk $0xffff, v10  }
0x195: {  	v59 =	vld [tilespmem:$0x1FFF0];
	v26 =	vor.u32 v23, v42;
	[tilespmem:v19+s15+$0x0] =	vst.idx.msk $0xffff, v17;
	v19 =	vadd.f32 v56, v62  }
0x196: {  	v7 =	vld.idx.msk [tilespmem:v7+s14+$0x0], $0xffff;
	v23 =	vor.u32 v25, v43;
	[tilespmem:v11+s15+$0x0] =	vst.idx.msk $0xffff, v0;
	v0 =	vadd.f32 v28, v37  }
0x197: {  	v25 =	vor.u32 v25, v41;
	v13 =	vld.idx.msk [tilespmem:v30+s14+$0x0], $0xffff;
	v8 =	vadd.f32 v8, v36;
	[tilespmem:v18+s15+$0x0] =	vst.idx.msk $0xffff, v19  }
0x198: {  	v1 =	vld [tilespmem:$0x1FF70];
	v18 =	vor.u32 v35, v33;
	[tilespmem:v14+s15+$0x0] =	vst.idx.msk $0xffff, v0  }
0x199: {  	v0 =	vld.idx.msk [tilespmem:v16+s14+$0x0], $0xffff;
	[tilespmem:v22+s15+$0x0] =	vst.idx.msk $0xffff, v8;
	v8 =	vor.u32 v48, v29;
	v22 =	vor.u32 v35, v49  }
0x19a: {  	v34 =	vor.u32 v48, v43;
	v24 =	vor.u32 v48, v46;
	v21 =	vor.u32 v52, v29;
	v20 =	vld.idx.msk [tilespmem:v20+s14+$0x0], $0xffff  }
0x19b: {  	v17 =	vor.u32 v35, v50;
	v7 =	vadd.f32 v7, v38;
	v23 =	vld.idx.msk [tilespmem:v23+s14+$0x0], $0xffff;
	v19 =	vor.u32 v48, v47  }
0x19c: {  	v6 =	vor.u32 v52, v46;
	v32 =	vor.u32 v59, v60;
	v10 =	vld.idx.msk [tilespmem:v25+s14+$0x0], $0xffff;
	v13 =	vadd.f32 v13, v51  }
0x19d: {  	v12 =	vor.u32 v35, v45;
	v11 =	vld.idx.msk [tilespmem:v31+s14+$0x0], $0xffff;
	v14 =	vor.u32 v35, v44;
	[tilespmem:v18+s15+$0x0] =	vst.idx.msk $0xffff, v7  }
0x19e: {  	v16 =	vor.u32 v48, v55;
	v0 =	vadd.f32 v0, v54;
	v8 =	vld.idx.msk [tilespmem:v8+s14+$0x0], $0xffff;
	[tilespmem:v22+s15+$0x0] =	vst.idx.msk $0xffff, v13  }
0x19f: {  	v4 =	vld [tilespmem:$0x1FFD0];
	v13 =	vor.u32 v35, v53;
	v22 =	vor.u32 v48, v41;
	v20 =	vadd.f32 v20, v36  }
0x1a0: {  	v18 =	vor.u32 v59, v40;
	[tilespmem:v17+s15+$0x0] =	vst.idx.msk $0xffff, v0;
	v7 =	vld.idx.msk [tilespmem:v19+s14+$0x0], $0xffff;
	v19 =	vadd.f32 v23, v39  }
0x1a1: {  	v27 =	vor.u32 v59, v33;
	v10 =	vadd.f32 v10, v62;
	v24 =	vld.idx.msk [tilespmem:v24+s14+$0x0], $0xffff;
	[tilespmem:v32+s15+$0x0] =	vst.idx.msk $0xffff, v20  }
0x1a2: {  	v11 =	vadd.f32 v11, v2;
	[tilespmem:v14+s15+$0x0] =	vst.idx.msk $0xffff, v19;
	v14 =	vor.u32 v59, v49;
	v26 =	vld.idx.msk [tilespmem:v26+s14+$0x0], $0xffff  }
0x1a3: {  	v25 =	vor.u32 v1, v60;
	[tilespmem:v12+s15+$0x0] =	vst.idx.msk $0xffff, v10;
	v19 =	vld.idx.msk [tilespmem:v34+s14+$0x0], $0xffff;
	v8 =	vadd.f32 v8, v37  }
0x1a4: {  	v35 =	vmov v45;
	v10 =	vor.u32 v52, v47;
	v22 =	vld.idx.msk [tilespmem:v22+s14+$0x0], $0xffff;
	[tilespmem:v13+s15+$0x0] =	vst.idx.msk $0xffff, v11  }
0x1a5: {  	v0 =	vadd.f32 v7, v51;
	v7 =	vld.idx.msk [tilespmem:v16+s14+$0x0], $0xffff;
	[tilespmem:v18+s15+$0x0] =	vst.idx.msk $0xffff, v8;
	v8 =	vor.u32 v59, v44  }
0x1a6: {  	v17 =	vor.u32 v59, v35;
	v11 =	vor.u32 v59, v53;
	v18 =	vadd.f32 v24, v38;
	v16 =	vld.idx.msk [tilespmem:v21+s14+$0x0], $0xffff  }
0x1a7: {  	[tilespmem:v14+s15+$0x0] =	vst.idx.msk $0xffff, v0;
	v21 =	vor.u32 v52, v41;
	v0 =	vadd.f32 v26, v36  }
0x1a8: {  	v14 =	vor.u32 v1, v40;
	v19 =	vadd.f32 v19, v39;
	[tilespmem:v27+s15+$0x0] =	vst.idx.msk $0xffff, v18  }
0x1a9: {  	v5 =	vor.u32 v4, v42;
	v30 =	vld [tilespmem:$0x1FE90];
	v18 =	vadd.f32 v22, v62;
	[tilespmem:v25+s15+$0x0] =	vst.idx.msk $0xffff, v0  }
0x1aa: {  	v9 =	vor.u32 v1, v53;
	v10 =	vld.idx.msk [tilespmem:v10+s14+$0x0], $0xffff;
	v7 =	vadd.f32 v7, v2;
	[tilespmem:v8+s15+$0x0] =	vst.idx.msk $0xffff, v19  }
0x1ab: {  	v24 =	vor.u32 v1, v50;
	v6 =	vld.idx.msk [tilespmem:v6+s14+$0x0], $0xffff;
	[tilespmem:v17+s15+$0x0] =	vst.idx.msk $0xffff, v18;
	v16 =	vadd.f32 v16, v37  }
0x1ac: {  	v8 =	vor.u32 v1, v49;
	v18 =	vld.idx.msk [tilespmem:v21+s14+$0x0], $0xffff;
	v21 =	vor.u32 v1, v33;
	[tilespmem:v11+s15+$0x0] =	vst.idx.msk $0xffff, v7  }
0x1ad: {  	v11 =	vor.u32 v1, v44;
	[tilespmem:v14+s15+$0x0] =	vst.idx.msk $0xffff, v16;
	v16 =	vor.u32 v1, v35;
	v1 =	vld [tilespmem:$0x1FDA0]  }
0x1ae: {  	v15 =	vor.u32 v48, v61;
	v5 =	vld.idx.msk [tilespmem:v5+s14+$0x0], $0xffff;
	_ =	sdelay $0x1  }
0x1af: {  	v12 =	vor.u32 v30, v60  }
0x1b0: {  	v7 =	vadd.f32 v10, v51  }
0x1b1: {  	v27 =	vmov v36;
	v6 =	vadd.f32 v6, v38  }
0x1b2: {  	v4 =	vor.u32 v52, v43;
	v13 =	vld.idx.msk [tilespmem:v15+s14+$0x0], $0xffff;
	[tilespmem:v8+s15+$0x0] =	vst.idx.msk $0xffff, v7;
	v7 =	vadd.f32 v5, v27  }
0x1b3: {  	v20 =	vor.u32 v52, v61;
	v15 =	vor.u32 v52, v55;
	v52 =	vmov v2;
	v2 =	vld [tilespmem:$0x1FD90];
	[tilespmem:v21+s15+$0x0] =	vst.idx.msk $0xffff, v6  }
0x1b4: {  	[tilespmem:v12+s15+$0x0] =	vst.idx.msk $0xffff, v7;
	v12 =	vld.idx.msk [tilespmem:v1+s14+$0x0], $0xffff  }
0x1b5: {  	v1 =	vld [tilespmem:$0x1FDB0];
	_ =	sdelay $0x3  }
0x1b6: {  	v10 =	vld.idx.msk [tilespmem:v15+s14+$0x0], $0xffff  }
0x1b7: {  	v25 =	vld [tilespmem:$0x1FF80]  }
0x1b8: {  	v23 =	vor.u32 v59, v50;
	v19 =	vld.idx.msk [tilespmem:v4+s14+$0x0], $0xffff  }
0x1b9: {  	v15 =	vld.idx.msk [tilespmem:v2+s14+$0x0], $0xffff  }
0x1ba: {  	v7 =	vadd.f32 v18, v62;
	v18 =	vld.idx.msk [tilespmem:v1+s14+$0x0], $0xffff  }
0x1bb: {  	v13 =	vadd.f32 v13, v54;
	v17 =	vor.u32 v57, v47;
	v1 =	vadd.f32 v10, v52;
	v10 =	vld [tilespmem:$0x1FDC0]  }
0x1bc: {  	v45 =	vld [tilespmem:$0x1FD80];
	v8 =	vor.u32 v57, v41;
	v6 =	vor.u32 v30, v40  }
0x1bd: {  	v3 =	vor.u32 v63, v29;
	v22 =	vld [tilespmem:$0x1FE60];
	[tilespmem:v23+s15+$0x0] =	vst.idx.msk $0xffff, v13  }
0x1be: {  	v56 =	vmov v49;
	v13 =	vld.idx.msk [tilespmem:v20+s14+$0x0], $0xffff  }
0x1bf: {  	v34 =	vmov v33;
	v0 =	vor.u32 v57, v61;
	v23 =	vld [tilespmem:$0x1FE70];
	[tilespmem:v16+s15+$0x0] =	vst.idx.msk $0xffff, v7;
	v7 =	vadd.f32 v15, v37  }
0x1c0: {  	v14 =	vor.u32 v57, v55;
	v4 =	vor.u32 v25, v60;
	v17 =	vld.idx.msk [tilespmem:v17+s14+$0x0], $0xffff;
	v19 =	vadd.f32 v19, v39  }
0x1c1: {  	v5 =	vor.u32 v30, v50;
	v2 =	vor.u32 v63, v61;
	v61 =	vld.idx.msk [tilespmem:v8+s14+$0x0], $0xffff;
	[tilespmem:v6+s15+$0x0] =	vst.idx.msk $0xffff, v7  }
0x1c2: {  	v36 =	vmov v62;
	v21 =	vmov v63;
	[tilespmem:v11+s15+$0x0] =	vst.idx.msk $0xffff, v19;
	v19 =	vor.u32 v30, v49;
	v8 =	vld.idx.msk [tilespmem:v3+s14+$0x0], $0xffff  }
0x1c3: {  	p0 =	slt.u32 s8, $0x38;
	v16 =	vor.u32 v30, v33;
	v20 =	vld.idx.msk [tilespmem:v10+s14+$0x0], $0xffff;
	v10 =	vadd.f32 v13, v54;
	v13 =	vor.u32 v63, v47  }
.Ltmp2:
0x1c4: {  	v57 =	vmov v51;
	v62 =	vor.u32 v21, v46;
	[tilespmem:v9+s15+$0x0] =	vst.idx.msk $0xffff, v1;
	v6 =	vadd.f32 v18, v27;
	v18 =	vld [tilespmem:$0x1FDE0];
	(pc) =	sbr.rel @p0 .LBB2_5-.Ltmp2, $4  }
0x1c5: {  	v11 =	vor.u32 v30, v44;
	v63 =	vld.idx.msk [tilespmem:v14+s14+$0x0], $0xffff;
	[tilespmem:v24+s15+$0x0] =	vst.idx.msk $0xffff, v10;
	v10 =	vadd.f32 v17, v51  }
0x1c6: {  	v3 =	vor.u32 v25, v50;
	v1 =	vor.u32 v58, v60;
	v7 =	vld.idx.msk [tilespmem:v0+s14+$0x0], $0xffff;
	v0 =	vadd.f32 v12, v38  }
0x1c7: {  	v9 =	vor.u32 v21, v55;
	v60 =	vor.u32 v30, v35;
	[tilespmem:v19+s15+$0x0] =	vst.idx.msk $0xffff, v10;
	v19 =	vmov v43;
	v43 =	vld [tilespmem:$0x1FDD0]  }
0x1c8: {  	s8 =	sadd.s32 $0x8, s8;
	v32 =	vlaneseq.u32;
	v10 =	vld.idx.msk [tilespmem:v13+s14+$0x0], $0xffff;
	v13 =	vor.u32 v30, v53;
	v15 =	vadd.f32 v20, v39;
	[tilespmem:v16+s15+$0x0] =	vst.idx.msk $0xffff, v0  }
.LBB2_6:
0x1c9: {  	v48 =	vld [tilespmem:$0x1FF80];
	_ =	sdelay $0x2  }
0x1ca: {  	v28 =	vld [tilespmem:$0x1FE20]  }
0x1cb: {  	v59 =	vadd.f32 v61, v36;
	[tilespmem:v11+s15+$0x0] =	vst.idx.msk $0xffff, v15  }
0x1cc: {  	v16 =	vld.idx.msk [tilespmem:v18+s14+$0x0], $0xffff;
	v12 =	vor.u32 v48, v56  }
0x1cd: {  	v14 =	vadd.f32 v63, v52;
	v61 =	vld [tilespmem:$0x1FE50];
	[tilespmem:v60+s15+$0x0] =	vst.idx.msk $0xffff, v59;
	v15 =	vor.u32 v48, v40  }
0x1ce: {  	v7 =	vadd.f32 v7, v54;
	[tilespmem:v4+s15+$0x0] =	vst.idx.msk $0xffff, v6;
	v51 =	vor.u32 v48, v44  }
0x1cf: {  	[tilespmem:v13+s15+$0x0] =	vst.idx.msk $0xffff, v14;
	v0 =	vor.u32 v28, v42;
	v42 =	vadd.f32 v10, v57  }
0x1d0: {  	v8 =	vadd.f32 v8, v37;
	[tilespmem:v5+s15+$0x0] =	vst.idx.msk $0xffff, v7  }
0x1d1: {  	v33 =	vld.idx.msk [tilespmem:v62+s14+$0x0], $0xffff;
	v62 =	vadd.f32 v16, v39;
	[tilespmem:v12+s15+$0x0] =	vst.idx.msk $0xffff, v42  }
0x1d2: {  	v20 =	vld.idx.msk [tilespmem:v43+s14+$0x0], $0xffff;
	v17 =	vor.u32 v61, v47;
	[tilespmem:v15+s15+$0x0] =	vst.idx.msk $0xffff, v8  }
0x1d3: {  	v63 =	vor.u32 v61, v29;
	v47 =	vld.idx.msk [tilespmem:v9+s14+$0x0], $0xffff;
	[tilespmem:v51+s15+$0x0] =	vst.idx.msk $0xffff, v62  }
0x1d4: {  	v60 =	vor.u32 v48, v35;
	v58 =	vor.u32 v61, v19;
	v14 =	vld [tilespmem:$0x1FF30]  }
0x1d5: {  	v2 =	vld.idx.msk [tilespmem:v2+s14+$0x0], $0xffff;
	v18 =	vor.u32 v48, v34;
	v16 =	vor.u32 v61, v41  }
0x1d6: {  	v49 =	vor.u32 v48, v53;
	v59 =	vor.u32 v61, v46;
	v0 =	vld.idx.msk [tilespmem:v0+s14+$0x0], $0xffff  }
0x1d7: {  	v19 =	vor.u32 v61, v55;
	v41 =	vadd.f32 v20, v36;
	v12 =	vld.idx.msk [tilespmem:v17+s14+$0x0], $0xffff  }
0x1d8: {  	v13 =	vld.idx.msk [tilespmem:v63+s14+$0x0], $0xffff;
	v63 =	vadd.f32 v33, v38  }
0x1d9: {  	[tilespmem:v60+s15+$0x0] =	vst.idx.msk $0xffff, v41;
	v7 =	vadd.f32 v47, v52;
	v11 =	vld.idx.msk [tilespmem:v58+s14+$0x0], $0xffff;
	v33 =	vor.u32 v14, v56  }
0x1da: {  	v2 =	vadd.f32 v2, v54;
	v55 =	vld.idx.msk [tilespmem:v16+s14+$0x0], $0xffff;
	[tilespmem:v18+s15+$0x0] =	vst.idx.msk $0xffff, v63;
	v40 =	vor.u32 v14, v40  }
0x1db: {  	[tilespmem:v49+s15+$0x0] =	vst.idx.msk $0xffff, v7;
	v5 =	vld.idx.msk [tilespmem:v59+s14+$0x0], $0xffff;
	v0 =	vadd.f32 v0, v27;
	v46 =	vor.u32 v14, v44  }
0x1dc: {  	[tilespmem:v3+s15+$0x0] =	vst.idx.msk $0xffff, v2;
	v43 =	vld.idx.msk [tilespmem:v19+s14+$0x0], $0xffff;
	v58 =	vor.u32 v14, v35;
	v42 =	vadd.f32 v12, v57  }
0x1dd: {  	v49 =	vld.idx.msk [tilespmem:v45+s14+$0x0], $0xffff;
	v51 =	vor.u32 v14, v34;
	v47 =	vadd.f32 v13, v37;
	[tilespmem:v1+s15+$0x0] =	vst.idx.msk $0xffff, v0  }
0x1de: {  	v53 =	vor.u32 v14, v53;
	v56 =	vadd.f32 v11, v39;
	[tilespmem:v33+s15+$0x0] =	vst.idx.msk $0xffff, v42  }
0x1df: {  	v57 =	vor.u32 v14, v50;
	v63 =	vadd.f32 v55, v36;
	[tilespmem:v40+s15+$0x0] =	vst.idx.msk $0xffff, v47  }
0x1e0: {  	v59 =	vadd.f32 v5, v38;
	[tilespmem:v46+s15+$0x0] =	vst.idx.msk $0xffff, v56  }
0x1e1: {  	s2 =	sshll.u32 s1, $0x14;
	v60 =	vadd.f32 v43, v52;
	[tilespmem:v58+s15+$0x0] =	vst.idx.msk $0xffff, v63  }
0x1e2: {  	s2 =	sor.u32 s7, s2;
	v62 =	vadd.f32 v49, v54;
	[tilespmem:v51+s15+$0x0] =	vst.idx.msk $0xffff, v59  }
0x1e3: {  	s2 =	sshrl.u32 s2, $0x3;
	[tilespmem:v53+s15+$0x0] =	vst.idx.msk $0xffff, v60  }
0x1e4: {  	s2 =	sadd.s32 s5, s2;
	[tilespmem:v57+s15+$0x0] =	vst.idx.msk $0xffff, v62  }
0x1e5: {  	[hbm4b:s2+s11] =	stream.strided.scatter [tilespmem:s15], [sflag:$0x5], $0x2000, s16, s11, $0x38;
	[tilespmem:$0x1FA00] =	vst v63  }
0x1e6: {  	_ =	swait.ge [sflag:s17], $0x2000  }
0x1e7: {  	v33 =	vld [tilespmem:$0x1FF20]  }
0x1e8: {  	v25 =	vmov v21;
	v21 =	vld [tilespmem:$0x1FF90]  }
0x1e9: {  	v24 =	vld [tilespmem:$0x1FFA0]  }
0x1ea: {  	v31 =	vld [tilespmem:$0x1FFE0]  }
0x1eb: {  	v26 =	vld [tilespmem:$0x1FFF0]  }
0x1ec: {  	v20 =	vld [tilespmem:$0x1FF70]  }
0x1ed: {  	v29 =	vld [tilespmem:$0x1FFB0]  }
0x1ee: {  	v62 =	vld [tilespmem:$0x1FF60]  }
0x1ef: {  	v59 =	vld [tilespmem:$0x1FF40]  }
0x1f0: {  	v60 =	vld [tilespmem:$0x1FE30]  }
0x1f1: {  	v58 =	vld [tilespmem:$0x1FE40]  }
0x1f2: {  	s30 =	sshll.u32 s6, $0x6;
	[sflag:s17] =	ssyncset.done $0x0;
	v19 =	vld [tilespmem:$0x1FF50]  }
0x1f3: {  	s8 =	simm.s32 $0x0;
	v27 =	vmov s30;
	v63 =	vmovc v48;
	v56 =	vmovc v28;
	v57 =	vmov v14;
	v18 =	vld [tilespmem:$0x1FFC0];
	[sflag:s17] =	ssyncadd.s32 $0xFFFFE000;
	v34 =	vor.u32 s30, v33  }
.LBB2_7:
0x1f4: {  	v0 =	vadd.s32 s8, v32  }
0x1f5: {  	v39 =	vand.u32 $0x38, v0  }
0x1f6: {  	v1 =	vor.u32 v39, v34  }
0x1f7: {  	v2 =	vor.u32 v22, v39;
	_ =	sdelay $0x3  }
0x1f8: {  	v35 =	vld.idx.msk [tilespmem:v1+s10+$0x0], $0xffff  }
0x1f9: {  	v0 =	vshll.u32 v0, $0x7;
	v53 =	vld.idx.msk [tilespmem:v2+s18+$0x0], $0xffff  }
0x1fa: {  	v37 =	vand.u32 $0x1F80, v0  }
0x1fb: {  	s2 =	sadd.s32 $0x1, s8;
	v0 =	vor.u32 v32, v37  }
0x1fc: {  	v3 =	vadd.s32 s2, v32;
	v54 =	vor.u32 v23, v39  }
0x1fd: {  	v4 =	vor.u32 v27, v3;
	v41 =	vand.u32 $0x3F, v3  }
0x1fe: {  	v5 =	vor.u32 v29, v41;
	v1 =	vadd.f32 v53, v35  }
0x1ff: {  	v8 =	vld [tilespmem:$0x1FE80]  }
0x200: {  	[tilespmem:v0+s19+$0x0] =	vst.idx.msk $0xffff, v1  }
0x201: {  	v0 =	vld.idx.msk [tilespmem:v54+s18+$0x0], $0xffff  }
0x202: {  	v36 =	vld.idx.msk [tilespmem:v4+s10+$0x0], $0xffff  }
0x203: {  	v3 =	vshll.u32 v3, $0x7;
	v55 =	vor.u32 v21, v37;
	v9 =	vld.idx.msk [tilespmem:v5+s18+$0x0], $0xffff  }
0x204: {  	v38 =	vand.u32 $0x1F80, v3;
	v2 =	vor.u32 v8, v39  }
0x205: {  	v3 =	vor.u32 v32, v38  }
0x206: {  	v10 =	vor.u32 v59, v41;
	v0 =	vadd.f32 v0, v35;
	_ =	sdelay $0x1  }
0x207: {  	v11 =	vadd.f32 v9, v36;
	[tilespmem:v55+s19+$0x0] =	vst.idx.msk $0xffff, v0  }
0x208: {  	v0 =	vld.idx.msk [tilespmem:v2+s18+$0x0], $0xffff  }
0x209: {  	[tilespmem:v3+s19+$0x0] =	vst.idx.msk $0xffff, v11  }
0x20a: {  	v12 =	vor.u32 v24, v37;
	v3 =	vld.idx.msk [tilespmem:v10+s18+$0x0], $0xffff  }
0x20b: {  	v13 =	vor.u32 v31, v39  }
0x20c: {  	v14 =	vor.u32 v21, v38  }
0x20d: {  	s9 =	sadd.s32 $0x2, s8;
	v15 =	vor.u32 v18, v41;
	v0 =	vadd.f32 v0, v35  }
0x20e: {  	v46 =	vld [tilespmem:$0x1FE10];
	v6 =	vadd.s32 s9, v32  }
0x20f: {  	v40 =	vor.u32 v27, v6;
	v43 =	vadd.f32 v3, v36;
	[tilespmem:v12+s19+$0x0] =	vst.idx.msk $0xffff, v0  }
0x210: {  	v44 =	vand.u32 $0x3F, v6;
	v1 =	vld.idx.msk [tilespmem:v13+s18+$0x0], $0xffff  }
0x211: {  	v45 =	vor.u32 v29, v44;
	[tilespmem:v14+s19+$0x0] =	vst.idx.msk $0xffff, v43  }
0x212: {  	v7 =	vor.u32 v26, v37;
	v4 =	vld.idx.msk [tilespmem:v15+s18+$0x0], $0xffff  }
0x213: {  	v2 =	vor.u32 v46, v39  }
0x214: {  	v48 =	vor.u32 v24, v38;
	v40 =	vld.idx.msk [tilespmem:v40+s10+$0x0], $0xffff  }
0x215: {  	v50 =	vor.u32 v19, v41;
	v10 =	vld [tilespmem:$0x1FFD0];
	v47 =	vadd.f32 v1, v35  }
0x216: {  	s25 =	sadd.s32 $0x3, s8;
	v49 =	vshll.u32 v6, $0x7;
	v3 =	vld.idx.msk [tilespmem:v45+s18+$0x0], $0xffff  }
0x217: {  	v42 =	vand.u32 $0x1F80, v49;
	v53 =	vadd.s32 s25, v32;
	v4 =	vadd.f32 v4, v36;
	[tilespmem:v7+s19+$0x0] =	vst.idx.msk $0xffff, v47  }
0x218: {  	v51 =	vor.u32 v32, v42;
	v9 =	vor.u32 v27, v53;
	v2 =	vld.idx.msk [tilespmem:v2+s18+$0x0], $0xffff  }
0x219: {  	v52 =	vor.u32 v59, v44;
	v46 =	vand.u32 $0x3F, v53;
	[tilespmem:v48+s19+$0x0] =	vst.idx.msk $0xffff, v4  }
0x21a: {  	v8 =	vor.u32 v20, v37;
	v55 =	vor.u32 v29, v46;
	v6 =	vld.idx.msk [tilespmem:v50+s18+$0x0], $0xffff  }
0x21b: {  	v54 =	vadd.f32 v3, v40;
	v4 =	vor.u32 v10, v39  }
0x21c: {  	v12 =	vor.u32 v26, v38  }
0x21d: {  	v14 =	vor.u32 v60, v41;
	v43 =	vld.idx.msk [tilespmem:v9+s10+$0x0], $0xffff;
	[tilespmem:v51+s19+$0x0] =	vst.idx.msk $0xffff, v54;
	v11 =	vadd.f32 v2, v35  }
0x21e: {  	v13 =	vld.idx.msk [tilespmem:v52+s18+$0x0], $0xffff  }
0x21f: {  	v15 =	vld.idx.msk [tilespmem:v55+s18+$0x0], $0xffff;
	v6 =	vadd.f32 v6, v36;
	v47 =	vshll.u32 v53, $0x7;
	[tilespmem:v8+s19+$0x0] =	vst.idx.msk $0xffff, v11  }
0x220: {  	v48 =	vor.u32 v21, v42;
	v45 =	vand.u32 $0x1F80, v47;
	v4 =	vld.idx.msk [tilespmem:v4+s18+$0x0], $0xffff  }
0x221: {  	v49 =	vor.u32 v18, v44;
	[tilespmem:v12+s19+$0x0] =	vst.idx.msk $0xffff, v6;
	v50 =	vor.u32 v32, v45  }
0x222: {  	s29 =	sadd.s32 $0x6, s8;
	v51 =	vor.u32 v30, v37;
	v52 =	vor.u32 v59, v46;
	v5 =	vld.idx.msk [tilespmem:v14+s18+$0x0], $0xffff  }
0x223: {  	v16 =	vadd.s32 s29, v32;
	v2 =	vadd.f32 v13, v40  }
0x224: {  	v17 =	vor.u32 v27, v16;
	v10 =	vor.u32 v20, v38;
	v0 =	vadd.f32 v15, v43  }
0x225: {  	v55 =	vor.u32 v58, v41;
	[tilespmem:v48+s19+$0x0] =	vst.idx.msk $0xffff, v2;
	v4 =	vadd.f32 v4, v35  }
0x226: {  	s26 =	sadd.s32 $0x4, s8;
	v53 =	vor.u32 v62, v39;
	v12 =	vor.u32 v19, v44;
	[tilespmem:v50+s19+$0x0] =	vst.idx.msk $0xffff, v0;
	v3 =	vld.idx.msk [tilespmem:v49+s18+$0x0], $0xffff  }
0x227: {  	v0 =	vadd.s32 s26, v32;
	v5 =	vadd.f32 v5, v36;
	[tilespmem:v51+s19+$0x0] =	vst.idx.msk $0xffff, v4;
	v4 =	vld.idx.msk [tilespmem:v52+s18+$0x0], $0xffff  }
0x228: {  	s28 =	sadd.s32 $0x5, s8;
	v47 =	vor.u32 v27, v0;
	v1 =	vand.u32 $0x3F, v0;
	v8 =	vor.u32 v24, v42  }
0x229: {  	v14 =	vadd.s32 s28, v32;
	v13 =	vor.u32 v21, v45;
	v54 =	vor.u32 v29, v1;
	[tilespmem:v10+s19+$0x0] =	vst.idx.msk $0xffff, v5  }
0x22a: {  	v11 =	vor.u32 v63, v37;
	v0 =	vshll.u32 v0, $0x7;
	v5 =	vor.u32 v30, v38;
	v15 =	vld.idx.msk [tilespmem:v55+s18+$0x0], $0xffff  }
0x22b: {  	v55 =	vadd.f32 v3, v40;
	v3 =	vor.u32 v27, v14;
	v51 =	vand.u32 $0x3F, v14  }
0x22c: {  	v6 =	vld.idx.msk [tilespmem:v53+s18+$0x0], $0xffff;
	v7 =	vor.u32 v29, v51;
	v53 =	vand.u32 $0x3F, v16;
	v4 =	vadd.f32 v4, v43  }
0x22d: {  	s30 =	sadd.s32 $0x7, s8;
	v48 =	vand.u32 $0x1F80, v0;
	v47 =	vld.idx.msk [tilespmem:v47+s10+$0x0], $0xffff;
	[tilespmem:v8+s19+$0x0] =	vst.idx.msk $0xffff, v55;
	v0 =	vor.u32 v29, v53  }
0x22e: {  	v10 =	vor.u32 v18, v46;
	v8 =	vld.idx.msk [tilespmem:v54+s18+$0x0], $0xffff;
	[tilespmem:v13+s19+$0x0] =	vst.idx.msk $0xffff, v4;
	v4 =	vadd.s32 s30, v32  }
0x22f: {  	v28 =	vmovc v18;
	v49 =	vld.idx.msk [tilespmem:v17+s10+$0x0], $0xffff;
	v15 =	vadd.f32 v15, v36;
	v18 =	vor.u32 v27, v4;
	v2 =	vand.u32 $0x3F, v4  }
0x230: {  	v14 =	vshll.u32 v14, $0x7;
	v9 =	vld.idx.msk [tilespmem:v3+s10+$0x0], $0xffff;
	v13 =	vor.u32 v32, v48;
	v3 =	vor.u32 v29, v2  }
0x231: {  	v54 =	vshll.u32 v16, $0x7;
	v55 =	vmovc v19;
	v19 =	vor.u32 v59, v1;
	v6 =	vadd.f32 v6, v35;
	v7 =	vld.idx.msk [tilespmem:v7+s18+$0x0], $0xffff  }
0x232: {  	v52 =	vand.u32 $0x1F80, v14;
	[tilespmem:v5+s19+$0x0] =	vst.idx.msk $0xffff, v15;
	v54 =	vand.u32 $0x1F80, v54;
	v0 =	vld.idx.msk [tilespmem:v0+s18+$0x0], $0xffff  }
0x233: {  	v5 =	vor.u32 v32, v52;
	v10 =	vld.idx.msk [tilespmem:v10+s18+$0x0], $0xffff;
	[tilespmem:v11+s19+$0x0] =	vst.idx.msk $0xffff, v6;
	v6 =	vadd.f32 v8, v47  }
0x234: {  	v14 =	vor.u32 v59, v53;
	v8 =	vor.u32 v32, v54;
	v50 =	vld.idx.msk [tilespmem:v18+s10+$0x0], $0xffff  }
0x235: {  	v4 =	vshll.u32 v4, $0x7;
	[tilespmem:v13+s19+$0x0] =	vst.idx.msk $0xffff, v6;
	v6 =	vor.u32 v59, v51;
	v3 =	vld.idx.msk [tilespmem:v3+s18+$0x0], $0xffff  }
0x236: {  	v11 =	vor.u32 v24, v45;
	v7 =	vadd.f32 v7, v9;
	v13 =	vld.idx.msk [tilespmem:v19+s18+$0x0], $0xffff;
	v19 =	vmovc v55;
	v55 =	vand.u32 $0x1F80, v4  }
0x237: {  	v12 =	vld.idx.msk [tilespmem:v12+s18+$0x0], $0xffff;
	v15 =	vor.u32 v21, v48;
	v4 =	vor.u32 v19, v46;
	v16 =	vor.u32 v32, v55  }
0x238: {  	v0 =	vadd.f32 v0, v49;
	[tilespmem:v5+s19+$0x0] =	vst.idx.msk $0xffff, v7;
	v5 =	vor.u32 v59, v2  }
0x239: {  	v7 =	vor.u32 v26, v42;
	v10 =	vadd.f32 v10, v43  }
0x23a: {  	v17 =	vor.u32 v28, v1;
	[tilespmem:v8+s19+$0x0] =	vst.idx.msk $0xffff, v0;
	v6 =	vld.idx.msk [tilespmem:v6+s18+$0x0], $0xffff;
	v0 =	vadd.f32 v3, v50  }
0x23b: {  	[tilespmem:v11+s19+$0x0] =	vst.idx.msk $0xffff, v10;
	v10 =	vld.idx.msk [tilespmem:v14+s18+$0x0], $0xffff;
	v11 =	vor.u32 v60, v44;
	v8 =	vadd.f32 v13, v47  }
0x23c: {  	v3 =	vadd.f32 v12, v40;
	v4 =	vld.idx.msk [tilespmem:v4+s18+$0x0], $0xffff;
	v12 =	vor.u32 v21, v52;
	[tilespmem:v16+s19+$0x0] =	vst.idx.msk $0xffff, v0  }
0x23d: {  	[tilespmem:v15+s19+$0x0] =	vst.idx.msk $0xffff, v8;
	v8 =	vor.u32 v21, v54;
	v0 =	vor.u32 v28, v51;
	v5 =	vld.idx.msk [tilespmem:v5+s18+$0x0], $0xffff  }
0x23e: {  	v13 =	vor.u32 v28, v53;
	[tilespmem:v7+s19+$0x0] =	vst.idx.msk $0xffff, v3;
	v3 =	vor.u32 v26, v45  }
0x23f: {  	v15 =	vor.u32 v21, v55;
	v7 =	vld.idx.msk [tilespmem:v17+s18+$0x0], $0xffff;
	v6 =	vadd.f32 v6, v9  }
0x240: {  	v14 =	vor.u32 v60, v46;
	v10 =	vadd.f32 v10, v49;
	v17 =	vor.u32 v28, v2  }
0x241: {  	v16 =	vor.u32 v24, v48;
	v11 =	vld.idx.msk [tilespmem:v11+s18+$0x0], $0xffff;
	v4 =	vadd.f32 v4, v43;
	[tilespmem:v12+s19+$0x0] =	vst.idx.msk $0xffff, v6  }
0x242: {  	v6 =	vor.u32 v19, v1;
	[tilespmem:v8+s19+$0x0] =	vst.idx.msk $0xffff, v10;
	v0 =	vld.idx.msk [tilespmem:v0+s18+$0x0], $0xffff;
	v5 =	vadd.f32 v5, v50  }
0x243: {  	[tilespmem:v3+s19+$0x0] =	vst.idx.msk $0xffff, v4;
	v4 =	vld.idx.msk [tilespmem:v13+s18+$0x0], $0xffff  }
0x244: {  	v8 =	vor.u32 v24, v52;
	v12 =	vadd.f32 v7, v47;
	[tilespmem:v15+s19+$0x0] =	vst.idx.msk $0xffff, v5  }
0x245: {  	v3 =	vor.u32 v19, v51;
	v13 =	vor.u32 v20, v42;
	v5 =	vor.u32 v24, v54;
	v10 =	vld.idx.msk [tilespmem:v17+s18+$0x0], $0xffff  }
0x246: {  	v7 =	vld.idx.msk [tilespmem:v14+s18+$0x0], $0xffff;
	v14 =	vor.u32 v19, v53;
	v11 =	vadd.f32 v11, v40;
	[tilespmem:v16+s19+$0x0] =	vst.idx.msk $0xffff, v12  }
0x247: {  	v12 =	vor.u32 v25, v41;
	v6 =	vld.idx.msk [tilespmem:v6+s18+$0x0], $0xffff;
	v15 =	vor.u32 v24, v55;
	v0 =	vadd.f32 v0, v9  }
0x248: {  	v16 =	vor.u32 v20, v45;
	v17 =	vor.u32 v19, v2;
	v4 =	vadd.f32 v4, v49  }
0x249: {  	[tilespmem:v8+s19+$0x0] =	vst.idx.msk $0xffff, v0;
	v0 =	vor.u32 v58, v44;
	v8 =	vor.u32 v26, v48  }
0x24a: {  	[tilespmem:v5+s19+$0x0] =	vst.idx.msk $0xffff, v4;
	v3 =	vld.idx.msk [tilespmem:v3+s18+$0x0], $0xffff;
	v4 =	vadd.f32 v10, v50  }
0x24b: {  	[tilespmem:v13+s19+$0x0] =	vst.idx.msk $0xffff, v11;
	v11 =	vor.u32 v60, v1;
	v5 =	vadd.f32 v7, v43;
	v7 =	vld.idx.msk [tilespmem:v14+s18+$0x0], $0xffff  }
0x24c: {  	v6 =	vadd.f32 v6, v47;
	v10 =	vld.idx.msk [tilespmem:v12+s18+$0x0], $0xffff;
	v12 =	vor.u32 v26, v52;
	[tilespmem:v15+s19+$0x0] =	vst.idx.msk $0xffff, v4  }
0x24d: {  	[tilespmem:v16+s19+$0x0] =	vst.idx.msk $0xffff, v5;
	v5 =	vor.u32 v26, v54;
	v4 =	vor.u32 v60, v51;
	v13 =	vld.idx.msk [tilespmem:v17+s18+$0x0], $0xffff  }
0x24e: {  	v14 =	vor.u32 v58, v46;
	v0 =	vld.idx.msk [tilespmem:v0+s18+$0x0], $0xffff;
	[tilespmem:v8+s19+$0x0] =	vst.idx.msk $0xffff, v6  }
0x24f: {  	v6 =	vor.u32 v60, v53;
	v8 =	vor.u32 v26, v55;
	v3 =	vadd.f32 v3, v9  }
0x250: {  	v16 =	vor.u32 v60, v2;
	v15 =	vor.u32 v63, v38;
	v7 =	vadd.f32 v7, v49  }
0x251: {  	v11 =	vld.idx.msk [tilespmem:v11+s18+$0x0], $0xffff;
	[tilespmem:v12+s19+$0x0] =	vst.idx.msk $0xffff, v3;
	v3 =	vor.u32 v30, v42  }
0x252: {  	[tilespmem:v5+s19+$0x0] =	vst.idx.msk $0xffff, v7;
	v4 =	vld.idx.msk [tilespmem:v4+s18+$0x0], $0xffff;
	v5 =	vadd.f32 v13, v50  }
0x253: {  	v12 =	vor.u32 v20, v48;
	v7 =	vadd.f32 v10, v36;
	v10 =	vld.idx.msk [tilespmem:v14+s18+$0x0], $0xffff;
	v0 =	vadd.f32 v0, v40  }
0x254: {  	v6 =	vld.idx.msk [tilespmem:v6+s18+$0x0], $0xffff;
	[tilespmem:v8+s19+$0x0] =	vst.idx.msk $0xffff, v5;
	v5 =	vor.u32 v58, v1;
	v8 =	vor.u32 v20, v52  }
0x255: {  	[tilespmem:v15+s19+$0x0] =	vst.idx.msk $0xffff, v7;
	v7 =	vor.u32 v58, v51;
	v13 =	vld.idx.msk [tilespmem:v16+s18+$0x0], $0xffff  }
0x256: {  	[tilespmem:v3+s19+$0x0] =	vst.idx.msk $0xffff, v0;
	v0 =	vadd.f32 v11, v47;
	v3 =	vor.u32 v20, v54  }
0x257: {  	v14 =	vor.u32 v20, v55;
	v11 =	vor.u32 v58, v53;
	v4 =	vadd.f32 v4, v9  }
0x258: {  	[tilespmem:v12+s19+$0x0] =	vst.idx.msk $0xffff, v0;
	v0 =	vor.u32 v30, v45  }
0x259: {  	v12 =	vor.u32 v58, v2;
	v5 =	vld.idx.msk [tilespmem:v5+s18+$0x0], $0xffff;
	[tilespmem:v8+s19+$0x0] =	vst.idx.msk $0xffff, v4;
	v4 =	vadd.f32 v6, v49  }
0x25a: {  	v6 =	vor.u32 v25, v44;
	v8 =	vadd.f32 v10, v43;
	v7 =	vld.idx.msk [tilespmem:v7+s18+$0x0], $0xffff;
	v10 =	vadd.f32 v13, v50  }
0x25b: {  	v13 =	vor.u32 v25, v46;
	[tilespmem:v3+s19+$0x0] =	vst.idx.msk $0xffff, v4;
	v3 =	vor.u32 v30, v48  }
0x25c: {  	v4 =	vor.u32 v30, v52;
	v11 =	vld.idx.msk [tilespmem:v11+s18+$0x0], $0xffff;
	[tilespmem:v14+s19+$0x0] =	vst.idx.msk $0xffff, v10  }
0x25d: {  	[tilespmem:v0+s19+$0x0] =	vst.idx.msk $0xffff, v8  }
0x25e: {  	v8 =	vor.u32 v25, v1;
	v10 =	vor.u32 v30, v54;
	v0 =	vld.idx.msk [tilespmem:v12+s18+$0x0], $0xffff;
	v5 =	vadd.f32 v5, v47  }
0x25f: {  	v14 =	vor.u32 v30, v55;
	v12 =	vor.u32 v25, v51;
	v6 =	vld.idx.msk [tilespmem:v6+s18+$0x0], $0xffff;
	v7 =	vadd.f32 v7, v9  }
0x260: {  	[tilespmem:v3+s19+$0x0] =	vst.idx.msk $0xffff, v5;
	v3 =	vor.u32 v63, v42;
	v5 =	vld.idx.msk [tilespmem:v13+s18+$0x0], $0xffff;
	v13 =	vor.u32 v25, v53  }
0x261: {  	[tilespmem:v4+s19+$0x0] =	vst.idx.msk $0xffff, v7;
	v4 =	vadd.f32 v11, v49;
	v7 =	vor.u32 v25, v2  }
0x262: {  	v17 =	vor.u32 v57, v37;
	v11 =	vor.u32 v56, v39  }
0x263: {  	v8 =	vld.idx.msk [tilespmem:v8+s18+$0x0], $0xffff;
	v0 =	vadd.f32 v0, v50;
	[tilespmem:v10+s19+$0x0] =	vst.idx.msk $0xffff, v4;
	v4 =	vor.u32 v61, v41  }
0x264: {  	v15 =	vor.u32 v63, v45;
	v39 =	vadd.f32 v6, v40;
	v6 =	vor.u32 v61, v44;
	v10 =	vld.idx.msk [tilespmem:v12+s18+$0x0], $0xffff  }
0x265: {  	v12 =	vor.u32 v61, v46;
	v41 =	vor.u32 v63, v48;
	[tilespmem:v14+s19+$0x0] =	vst.idx.msk $0xffff, v0;
	v13 =	vld.idx.msk [tilespmem:v13+s18+$0x0], $0xffff  }
0x266: {  	v0 =	vor.u32 v61, v1;
	v1 =	vor.u32 v63, v52;
	[tilespmem:v3+s19+$0x0] =	vst.idx.msk $0xffff, v39;
	v3 =	vld.idx.msk [tilespmem:v7+s18+$0x0], $0xffff  }
0x267: {  	v46 =	vor.u32 v61, v51;
	v51 =	vor.u32 v63, v54;
	v5 =	vadd.f32 v5, v43;
	v44 =	vld.idx.msk [tilespmem:v11+s18+$0x0], $0xffff  }
0x268: {  	v16 =	vor.u32 v63, v55;
	v39 =	vor.u32 v61, v53;
	v8 =	vadd.f32 v8, v47;
	v4 =	vld.idx.msk [tilespmem:v4+s18+$0x0], $0xffff  }
0x269: {  	v2 =	vor.u32 v61, v2;
	[tilespmem:v15+s19+$0x0] =	vst.idx.msk $0xffff, v5;
	v6 =	vld.idx.msk [tilespmem:v6+s18+$0x0], $0xffff;
	v10 =	vadd.f32 v10, v9  }
0x26a: {  	[tilespmem:v41+s19+$0x0] =	vst.idx.msk $0xffff, v8;
	v41 =	vor.u32 v57, v38;
	v12 =	vld.idx.msk [tilespmem:v12+s18+$0x0], $0xffff;
	v13 =	vadd.f32 v13, v49  }
0x26b: {  	v42 =	vor.u32 v57, v42;
	v0 =	vld.idx.msk [tilespmem:v0+s18+$0x0], $0xffff;
	[tilespmem:v1+s19+$0x0] =	vst.idx.msk $0xffff, v10;
	v3 =	vadd.f32 v3, v50  }
0x26c: {  	v7 =	vadd.f32 v44, v35;
	v44 =	vor.u32 v57, v45;
	v5 =	vld.idx.msk [tilespmem:v46+s18+$0x0], $0xffff;
	[tilespmem:v51+s19+$0x0] =	vst.idx.msk $0xffff, v13  }
0x26d: {  	v46 =	vor.u32 v57, v48;
	[tilespmem:v16+s19+$0x0] =	vst.idx.msk $0xffff, v3;
	v45 =	vadd.f32 v4, v36;
	v11 =	vld.idx.msk [tilespmem:v39+s18+$0x0], $0xffff  }
0x26e: {  	v48 =	vor.u32 v57, v52;
	[tilespmem:v17+s19+$0x0] =	vst.idx.msk $0xffff, v7;
	v6 =	vadd.f32 v6, v40;
	v2 =	vld.idx.msk [tilespmem:v2+s18+$0x0], $0xffff  }
0x26f: {  	v52 =	vor.u32 v57, v54;
	v51 =	vadd.f32 v12, v43;
	[tilespmem:v41+s19+$0x0] =	vst.idx.msk $0xffff, v45  }
0x270: {  	p0 =	slt.u32 s8, $0x38;
	v53 =	vor.u32 v57, v55;
	v0 =	vadd.f32 v0, v47;
	[tilespmem:v42+s19+$0x0] =	vst.idx.msk $0xffff, v6  }
.Ltmp3:
0x271: {  	[tilespmem:v44+s19+$0x0] =	vst.idx.msk $0xffff, v51;
	v54 =	vadd.f32 v5, v9;
	(pc) =	sbr.rel @p0 .LBB2_7-.Ltmp3, $4  }
0x272: {  	[tilespmem:v46+s19+$0x0] =	vst.idx.msk $0xffff, v0;
	v55 =	vadd.f32 v11, v49  }
0x273: {  	[tilespmem:v48+s19+$0x0] =	vst.idx.msk $0xffff, v54;
	v2 =	vadd.f32 v2, v50  }
0x274: {  	[tilespmem:v52+s19+$0x0] =	vst.idx.msk $0xffff, v55  }
0x275: {  	s8 =	sadd.s32 $0x8, s8;
	v18 =	vmov v28;
	[tilespmem:v53+s19+$0x0] =	vst.idx.msk $0xffff, v2  }
0x276: {  	s2 =	sshll.u32 s4, $0x6  }
0x277: {  	s8 =	simm.s32 $0x0;
	s6 =	sshll.u32 s6, $0x12;
	s9 =	simm.s32 $0x7;
	v15 =	vmov s2  }
0x278: {  	v0 =	vadd.s32 s8, v32;
	s6 =	sor.u32 s7, s6;
	v5 =	vor.u32 s2, v33;
	v1 =	vadd.s32 s9, v32;
	s9 =	simm.s32 $0x1  }
0x279: {  	s25 =	simm.s32 $0x5;
	v2 =	vshll.u32 v0, $0x7;
	s6 =	sshrl.u32 s6, $0x3;
	v4 =	vadd.s32 s9, v32;
	v49 =	vand.u32 $0x38, v0  }
0x27a: {  	s28 =	simm.s32 $0x2;
	v0 =	vadd.s32 s25, v32;
	[tilespmem:$0x1FD30] =	vst v5;
	s26 =	sadd.s32 s5, s6;
	v47 =	vand.u32 $0x3F, v4;
	v5 =	vor.u32 v49, v5  }
0x27b: {  	v34 =	vmovc v60;
	v60 =	vand.u32 $0x1F80, v2;
	v2 =	vadd.s32 s28, v32;
	[hbm4b:s26+s11] =	stream.strided.scatter [tilespmem:s19], [sflag:$0x6], $0x2000, s16, s11, $0x38;
	v6 =	vor.u32 v15, v47;
	[tilespmem:$0x1FA00] =	vst v63  }
0x27c: {  	s8 =	simm.s32 $0x4;
	v46 =	vand.u32 $0x3F, v0;
	v42 =	vand.u32 $0x3F, v2;
	v7 =	vor.u32 v29, v47;
	_ =	swait.ge [sflag:s20], $0x2000  }
0x27d: {  	v3 =	vadd.s32 s8, v32;
	v9 =	vor.u32 v29, v46;
	v8 =	vor.u32 v25, v42;
	[sflag:s20] =	ssyncset.done $0x0  }
0x27e: {  	v43 =	vand.u32 $0x3F, v3;
	[tilespmem:$0x1FD40] =	vst v8;
	v8 =	vor.u32 v15, v42;
	[sflag:s20] =	ssyncadd.s32 $0xFFFFE000  }
0x27f: {  	s30 =	simm.s32 $0x6;
	v55 =	vmov v25;
	v4 =	vshll.u32 v4, $0x7;
	v13 =	vor.u32 v15, v43;
	v25 =	vld.idx.msk [tilespmem:v5+s10+$0x0], $0xffff  }
0x280: {  	v12 =	vadd.s32 s30, v32;
	v40 =	vand.u32 $0x1F80, v4;
	v4 =	vor.u32 v15, v46;
	v38 =	vld.idx.msk [tilespmem:v6+s10+$0x0], $0xffff  }
0x281: {  	v33 =	vand.u32 $0x3F, v1;
	v0 =	vshll.u32 v0, $0x7;
	v5 =	vld.idx.msk [tilespmem:v7+s21+$0x0], $0xffff;
	v6 =	vor.u32 v22, v49  }
0x282: {  	s29 =	simm.s32 $0x3;
	v35 =	vand.u32 $0x1F80, v0;
	v0 =	vshll.u32 v2, $0x7;
	v10 =	vor.u32 v29, v42;
	v2 =	vld.idx.msk [tilespmem:v9+s21+$0x0], $0xffff  }
0x283: {  	v28 =	vmovc v57;
	v48 =	vmovc v59;
	v11 =	vadd.s32 s29, v32;
	v59 =	vand.u32 $0x3F, v12;
	v57 =	vld.idx.msk [tilespmem:v8+s10+$0x0], $0xffff;
	v8 =	vor.u32 v29, v33  }
0x284: {  	v17 =	vmovc v61;
	v61 =	vand.u32 $0x3F, v11;
	v44 =	vand.u32 $0x1F80, v0;
	v0 =	vor.u32 v15, v59;
	v37 =	vld.idx.msk [tilespmem:v13+s10+$0x0], $0xffff  }
0x285: {  	v17 =	vor.u32 v17, v61;
	v41 =	vld.idx.msk [tilespmem:v4+s10+$0x0], $0xffff;
	v4 =	vor.u32 v29, v59;
	[tilespmem:$0x1FD50] =	vst v15  }
0x286: {  	v12 =	vshll.u32 v12, $0x7;
	v14 =	vor.u32 v32, v40;
	v6 =	vld.idx.msk [tilespmem:v6+s21+$0x0], $0xffff;
	[tilespmem:$0x1FD60] =	vst v17  }
0x287: {  	v3 =	vshll.u32 v3, $0x7;
	v45 =	vor.u32 v23, v49;
	v50 =	vor.u32 v55, v43;
	v10 =	vld.idx.msk [tilespmem:v10+s21+$0x0], $0xffff  }
0x288: {  	v36 =	vand.u32 $0x1F80, v3;
	v13 =	vor.u32 v15, v61;
	v15 =	vor.u32 v15, v33;
	v8 =	vld.idx.msk [tilespmem:v8+s21+$0x0], $0xffff;
	[tilespmem:$0x1FD70] =	vst v50  }
0x289: {  	v3 =	vor.u32 v29, v43;
	v17 =	vor.u32 v32, v35;
	v5 =	vadd.f32 v5, v38;
	v56 =	vld.idx.msk [tilespmem:v0+s10+$0x0], $0xffff  }
0x28a: {  	v16 =	vor.u32 v48, v47;
	v7 =	vor.u32 v29, v61;
	v9 =	vor.u32 v32, v60;
	v4 =	vld.idx.msk [tilespmem:v4+s21+$0x0], $0xffff  }
0x28b: {  	v54 =	vand.u32 $0x1F80, v12;
	v2 =	vadd.f32 v2, v41;
	v0 =	vor.u32 v32, v44;
	[tilespmem:v14+s22+$0x0] =	vst.idx.msk $0xffff, v5  }
0x28c: {  	v5 =	vadd.f32 v6, v25;
	v6 =	vadd.f32 v10, v57;
	v10 =	vor.u32 v32, v54  }
0x28d: {  	v50 =	vld.idx.msk [tilespmem:v15+s10+$0x0], $0xffff  }
0x28e: {  	v1 =	vshll.u32 v1, $0x7;
	v3 =	vld.idx.msk [tilespmem:v3+s21+$0x0], $0xffff;
	[tilespmem:v17+s22+$0x0] =	vst.idx.msk $0xffff, v2  }
0x28f: {  	v52 =	vand.u32 $0x1F80, v1;
	v7 =	vld.idx.msk [tilespmem:v7+s21+$0x0], $0xffff;
	[tilespmem:v9+s22+$0x0] =	vst.idx.msk $0xffff, v5;
	v4 =	vadd.f32 v4, v56  }
0x290: {  	v15 =	vld.idx.msk [tilespmem:v16+s21+$0x0], $0xffff;
	v5 =	vor.u32 v32, v52;
	[tilespmem:v0+s22+$0x0] =	vst.idx.msk $0xffff, v6  }
0x291: {  	v12 =	vor.u32 v32, v36;
	v16 =	vor.u32 v48, v33;
	v14 =	vld.idx.msk [tilespmem:v45+s21+$0x0], $0xffff;
	[tilespmem:v10+s22+$0x0] =	vst.idx.msk $0xffff, v4  }
0x292: {  	v11 =	vshll.u32 v11, $0x7;
	v9 =	vor.u32 v48, v59;
	v4 =	vld [tilespmem:$0x1FE80]  }
0x293: {  	v53 =	vld.idx.msk [tilespmem:v13+s10+$0x0], $0xffff;
	v2 =	vor.u32 v48, v46;
	v6 =	vor.u32 v21, v40;
	v8 =	vadd.f32 v8, v50  }
0x294: {  	v0 =	vor.u32 v21, v60;
	v45 =	vand.u32 $0x1F80, v11;
	v3 =	vadd.f32 v3, v37  }
0x295: {  	v10 =	vor.u32 v32, v45;
	[tilespmem:v5+s22+$0x0] =	vst.idx.msk $0xffff, v8;
	v5 =	vor.u32 v48, v42  }
0x296: {  	[tilespmem:v12+s22+$0x0] =	vst.idx.msk $0xffff, v3;
	v3 =	vor.u32 v48, v61;
	v12 =	vadd.f32 v15, v38;
	v13 =	vld.idx.msk [tilespmem:v16+s21+$0x0], $0xffff  }
0x297: {  	v8 =	vld.idx.msk [tilespmem:v9+s21+$0x0], $0xffff;
	v11 =	vadd.f32 v14, v25;
	v4 =	vor.u32 v4, v49  }
0x298: {  	v7 =	vadd.f32 v7, v53;
	v2 =	vld.idx.msk [tilespmem:v2+s21+$0x0], $0xffff;
	[tilespmem:v6+s22+$0x0] =	vst.idx.msk $0xffff, v12;
	v6 =	vor.u32 v21, v52  }
0x299: {  	v51 =	vmov v18;
	v14 =	vor.u32 v21, v54;
	[tilespmem:v0+s22+$0x0] =	vst.idx.msk $0xffff, v11  }
0x29a: {  	v0 =	vor.u32 v21, v35;
	v11 =	vor.u32 v51, v47;
	[tilespmem:v10+s22+$0x0] =	vst.idx.msk $0xffff, v7;
	v5 =	vld.idx.msk [tilespmem:v5+s21+$0x0], $0xffff  }
0x29b: {  	v9 =	vor.u32 v48, v43;
	v3 =	vld.idx.msk [tilespmem:v3+s21+$0x0], $0xffff;
	v13 =	vadd.f32 v13, v50  }
0x29c: {  	v12 =	vor.u32 v51, v59;
	v10 =	vor.u32 v21, v44;
	v7 =	vadd.f32 v8, v56;
	v4 =	vld.idx.msk [tilespmem:v4+s21+$0x0], $0xffff  }
0x29d: {  	v2 =	vadd.f32 v2, v41;
	[tilespmem:v6+s22+$0x0] =	vst.idx.msk $0xffff, v13;
	v6 =	vor.u32 v21, v45  }
0x29e: {  	v8 =	vor.u32 v24, v60;
	[tilespmem:v14+s22+$0x0] =	vst.idx.msk $0xffff, v7  }
0x29f: {  	[tilespmem:v0+s22+$0x0] =	vst.idx.msk $0xffff, v2;
	v2 =	vld.idx.msk [tilespmem:v11+s21+$0x0], $0xffff;
	v11 =	vor.u32 v51, v42;
	v5 =	vadd.f32 v5, v57  }
0x2a0: {  	v9 =	vld.idx.msk [tilespmem:v9+s21+$0x0], $0xffff;
	v7 =	vor.u32 v51, v46;
	v0 =	vor.u32 v31, v49;
	v3 =	vadd.f32 v3, v53  }
0x2a1: {  	v13 =	vor.u32 v24, v40;
	[tilespmem:v10+s22+$0x0] =	vst.idx.msk $0xffff, v5;
	v4 =	vadd.f32 v4, v25  }
0x2a2: {  	v14 =	vor.u32 v21, v36;
	v12 =	vld.idx.msk [tilespmem:v12+s21+$0x0], $0xffff;
	[tilespmem:v6+s22+$0x0] =	vst.idx.msk $0xffff, v3;
	v3 =	vor.u32 v19, v47  }
0x2a3: {  	[tilespmem:v8+s22+$0x0] =	vst.idx.msk $0xffff, v4;
	v4 =	vor.u32 v51, v43  }
0x2a4: {  	v5 =	vor.u32 v24, v54;
	v2 =	vadd.f32 v2, v38;
	v11 =	vld.idx.msk [tilespmem:v11+s21+$0x0], $0xffff  }
0x2a5: {  	v7 =	vld.idx.msk [tilespmem:v7+s21+$0x0], $0xffff;
	v8 =	vadd.f32 v9, v37  }
0x2a6: {  	[tilespmem:v13+s22+$0x0] =	vst.idx.msk $0xffff, v2;
	v2 =	vor.u32 v24, v44;
	v9 =	vor.u32 v51, v33;
	v0 =	vld.idx.msk [tilespmem:v0+s21+$0x0], $0xffff  }
0x2a7: {  	v10 =	vor.u32 v51, v61;
	v6 =	vadd.f32 v12, v56;
	v3 =	vld.idx.msk [tilespmem:v3+s21+$0x0], $0xffff;
	[tilespmem:v14+s22+$0x0] =	vst.idx.msk $0xffff, v8  }
0x2a8: {  	v12 =	vor.u32 v19, v59;
	v14 =	vor.u32 v24, v35;
	v4 =	vld.idx.msk [tilespmem:v4+s21+$0x0], $0xffff  }
0x2a9: {  	[tilespmem:v5+s22+$0x0] =	vst.idx.msk $0xffff, v6;
	v11 =	vadd.f32 v11, v57;
	v8 =	vor.u32 v26, v60  }
0x2aa: {  	v6 =	vor.u32 v24, v36;
	v5 =	vld [tilespmem:$0x1FE10]  }
0x2ab: {  	v13 =	vor.u32 v19, v46;
	v7 =	vadd.f32 v7, v41;
	[tilespmem:v2+s22+$0x0] =	vst.idx.msk $0xffff, v11;
	v9 =	vld.idx.msk [tilespmem:v9+s21+$0x0], $0xffff  }
0x2ac: {  	v10 =	vld.idx.msk [tilespmem:v10+s21+$0x0], $0xffff;
	v11 =	vor.u32 v26, v40;
	v0 =	vadd.f32 v0, v25;
	v3 =	vadd.f32 v3, v38  }
0x2ad: {  	v12 =	vld.idx.msk [tilespmem:v12+s21+$0x0], $0xffff;
	[tilespmem:v14+s22+$0x0] =	vst.idx.msk $0xffff, v7;
	v7 =	vor.u32 v24, v52;
	v4 =	vadd.f32 v4, v37  }
0x2ae: {  	v14 =	vor.u32 v19, v42;
	[tilespmem:v8+s22+$0x0] =	vst.idx.msk $0xffff, v0;
	v0 =	vor.u32 v24, v45  }
0x2af: {  	v5 =	vor.u32 v5, v49;
	[tilespmem:v6+s22+$0x0] =	vst.idx.msk $0xffff, v4;
	v4 =	vor.u32 v26, v54  }
0x2b0: {  	v9 =	vadd.f32 v9, v50  }
0x2b1: {  	v10 =	vadd.f32 v10, v53;
	[tilespmem:v11+s22+$0x0] =	vst.idx.msk $0xffff, v3  }
0x2b2: {  	v2 =	vor.u32 v19, v33;
	v12 =	vadd.f32 v12, v56;
	v13 =	vld.idx.msk [tilespmem:v13+s21+$0x0], $0xffff;
	[tilespmem:v7+s22+$0x0] =	vst.idx.msk $0xffff, v9  }
0x2b3: {  	v8 =	vor.u32 v19, v43;
	v14 =	vld.idx.msk [tilespmem:v14+s21+$0x0], $0xffff;
	[tilespmem:v0+s22+$0x0] =	vst.idx.msk $0xffff, v10  }
0x2b4: {  	v6 =	vor.u32 v19, v61;
	v7 =	vor.u32 v26, v35;
	v5 =	vld.idx.msk [tilespmem:v5+s21+$0x0], $0xffff;
	[tilespmem:v4+s22+$0x0] =	vst.idx.msk $0xffff, v12  }
0x2b5: {  	v9 =	vor.u32 v34, v47;
	v12 =	vld [tilespmem:$0x1FFD0]  }
0x2b6: {  	v0 =	vor.u32 v20, v60;
	v10 =	vor.u32 v34, v59  }
0x2b7: {  	v3 =	vor.u32 v26, v44;
	v11 =	vadd.f32 v13, v41;
	v13 =	vor.u32 v34, v46;
	v2 =	vld.idx.msk [tilespmem:v2+s21+$0x0], $0xffff  }
0x2b8: {  	v1 =	vor.u32 v62, v49;
	v17 =	vor.u32 v30, v35;
	v15 =	vor.u32 v58, v61;
	v8 =	vld.idx.msk [tilespmem:v8+s21+$0x0], $0xffff  }
0x2b9: {  	v6 =	vld.idx.msk [tilespmem:v6+s21+$0x0], $0xffff;
	v5 =	vadd.f32 v5, v25;
	[tilespmem:v7+s22+$0x0] =	vst.idx.msk $0xffff, v11;
	v11 =	vor.u32 v26, v52  }
0x2ba: {  	v4 =	vor.u32 v26, v36;
	v9 =	vld.idx.msk [tilespmem:v9+s21+$0x0], $0xffff;
	v14 =	vadd.f32 v14, v57;
	v12 =	vor.u32 v12, v49  }
0x2bb: {  	v7 =	vor.u32 v34, v42;
	v10 =	vld.idx.msk [tilespmem:v10+s21+$0x0], $0xffff;
	[tilespmem:v0+s22+$0x0] =	vst.idx.msk $0xffff, v5;
	v0 =	vor.u32 v26, v45  }
0x2bc: {  	v2 =	vadd.f32 v2, v50;
	[tilespmem:v3+s22+$0x0] =	vst.idx.msk $0xffff, v14;
	v3 =	vor.u32 v34, v43;
	v13 =	vld.idx.msk [tilespmem:v13+s21+$0x0], $0xffff  }
0x2bd: {  	v14 =	vor.u32 v34, v33;
	v5 =	vadd.f32 v8, v37;
	v8 =	vor.u32 v20, v40  }
0x2be: {  	v6 =	vadd.f32 v6, v53;
	[tilespmem:v11+s22+$0x0] =	vst.idx.msk $0xffff, v2;
	v2 =	vor.u32 v20, v35  }
0x2bf: {  	[tilespmem:v4+s22+$0x0] =	vst.idx.msk $0xffff, v5;
	v4 =	vor.u32 v34, v61;
	v5 =	vld.idx.msk [tilespmem:v12+s21+$0x0], $0xffff;
	v12 =	vor.u32 v20, v54  }
0x2c0: {  	v9 =	vadd.f32 v9, v38;
	v10 =	vadd.f32 v10, v56;
	[tilespmem:v0+s22+$0x0] =	vst.idx.msk $0xffff, v6;
	v6 =	vld.idx.msk [tilespmem:v7+s21+$0x0], $0xffff  }
0x2c1: {  	v3 =	vld.idx.msk [tilespmem:v3+s21+$0x0], $0xffff;
	v13 =	vadd.f32 v13, v41;
	v0 =	vor.u32 v30, v60;
	v7 =	vor.u32 v58, v47  }
0x2c2: {  	[tilespmem:v8+s22+$0x0] =	vst.idx.msk $0xffff, v9;
	v8 =	vor.u32 v58, v59;
	v9 =	vld.idx.msk [tilespmem:v14+s21+$0x0], $0xffff;
	v14 =	vor.u32 v20, v44  }
0x2c3: {  	v11 =	vor.u32 v58, v46;
	[tilespmem:v2+s22+$0x0] =	vst.idx.msk $0xffff, v13;
	v2 =	vor.u32 v20, v52  }
0x2c4: {  	v4 =	vld.idx.msk [tilespmem:v4+s21+$0x0], $0xffff;
	[tilespmem:v12+s22+$0x0] =	vst.idx.msk $0xffff, v10;
	v10 =	vor.u32 v20, v36;
	v5 =	vadd.f32 v5, v25  }
0x2c5: {  	v27 =	vmovc v58;
	v13 =	vor.u32 v55, v47;
	v6 =	vadd.f32 v6, v57;
	v12 =	vor.u32 v58, v42  }
0x2c6: {  	v3 =	vadd.f32 v3, v37;
	[tilespmem:v0+s22+$0x0] =	vst.idx.msk $0xffff, v5;
	v0 =	vor.u32 v20, v45;
	v5 =	vld.idx.msk [tilespmem:v7+s21+$0x0], $0xffff  }
0x2c7: {  	[tilespmem:v14+s22+$0x0] =	vst.idx.msk $0xffff, v6;
	v6 =	vor.u32 v58, v43;
	v14 =	vor.u32 v30, v54;
	v7 =	vld.idx.msk [tilespmem:v8+s21+$0x0], $0xffff  }
0x2c8: {  	v48 =	vmovc v20;
	v8 =	vadd.f32 v9, v50;
	v9 =	vor.u32 v58, v33;
	v58 =	vmov v55;
	v16 =	vld.idx.msk [tilespmem:v1+s21+$0x0], $0xffff  }
0x2c9: {  	[tilespmem:v10+s22+$0x0] =	vst.idx.msk $0xffff, v3;
	v3 =	vor.u32 v30, v40;
	v10 =	vld.idx.msk [tilespmem:v11+s21+$0x0], $0xffff;
	v11 =	vadd.f32 v4, v53  }
0x2ca: {  	v1 =	vor.u32 v28, v60;
	[tilespmem:v2+s22+$0x0] =	vst.idx.msk $0xffff, v8;
	v2 =	vor.u32 v55, v61;
	v12 =	vld.idx.msk [tilespmem:v12+s21+$0x0], $0xffff  }
0x2cb: {  	v28 =	vmov v63;
	v4 =	vor.u32 v63, v60;
	[tilespmem:v0+s22+$0x0] =	vst.idx.msk $0xffff, v11;
	v0 =	vor.u32 v55, v59  }
0x2cc: {  	v63 =	vor.u32 v30, v44;
	v60 =	vor.u32 v30, v36;
	v61 =	vld.idx.msk [tilespmem:v6+s21+$0x0], $0xffff;
	v11 =	vadd.f32 v5, v38  }
0x2cd: {  	v5 =	vor.u32 v30, v45;
	v6 =	vadd.f32 v7, v56;
	v8 =	vld.idx.msk [tilespmem:v9+s21+$0x0], $0xffff;
	v9 =	vor.u32 v55, v33  }
0x2ce: {  	v7 =	vor.u32 v55, v46;
	[tilespmem:v3+s22+$0x0] =	vst.idx.msk $0xffff, v11;
	v3 =	vadd.f32 v10, v41;
	v11 =	vld.idx.msk [tilespmem:v15+s21+$0x0], $0xffff  }
0x2cf: {  	[tilespmem:v14+s22+$0x0] =	vst.idx.msk $0xffff, v6;
	v6 =	vadd.f32 v16, v25;
	v15 =	vadd.f32 v12, v57;
	v10 =	vld.idx.msk [tilespmem:v13+s21+$0x0], $0xffff  }
0x2d0: {  	s6 =	simm.s32 $0x8;
	v13 =	vor.u32 v30, v52;
	[tilespmem:v17+s22+$0x0] =	vst.idx.msk $0xffff, v3;
	v62 =	vld.idx.msk [tilespmem:v0+s21+$0x0], $0xffff;
	v3 =	vor.u32 v28, v45  }
.LBB2_9:
0x2d1: {  	v0 =	vld [tilespmem:$0x1FE20]  }
0x2d2: {  	v24 =	vld [tilespmem:$0x1FF80]  }
0x2d3: {  	v16 =	vld [tilespmem:$0x1FD40]  }
0x2d4: {  	v21 =	vld [tilespmem:$0x1FE50]  }
0x2d5: {  	v19 =	vld [tilespmem:$0x1FD70]  }
0x2d6: {  	[tilespmem:v63+s22+$0x0] =	vst.idx.msk $0xffff, v15  }
0x2d7: {  	v11 =	vadd.f32 v11, v53;
	v8 =	vadd.f32 v8, v50;
	v15 =	vor.u32 v24, v40  }
0x2d8: {  	v7 =	vld.idx.msk [tilespmem:v7+s21+$0x0], $0xffff;
	v14 =	vadd.f32 v61, v37;
	v10 =	vadd.f32 v10, v38  }
0x2d9: {  	v51 =	vld [tilespmem:$0x1FF30];
	v0 =	vor.u32 v0, v49;
	v12 =	vor.u32 v24, v54;
	[tilespmem:v13+s22+$0x0] =	vst.idx.msk $0xffff, v8  }
0x2da: {  	[tilespmem:v5+s22+$0x0] =	vst.idx.msk $0xffff, v11;
	v5 =	vadd.f32 v62, v56;
	v17 =	vor.u32 v21, v59;
	v8 =	vld.idx.msk [tilespmem:v9+s21+$0x0], $0xffff  }
0x2db: {  	v18 =	vor.u32 v21, v47;
	v2 =	vld.idx.msk [tilespmem:v2+s21+$0x0], $0xffff;
	v20 =	vor.u32 v24, v35;
	[tilespmem:v60+s22+$0x0] =	vst.idx.msk $0xffff, v14  }
0x2dc: {  	v9 =	vor.u32 v24, v52;
	v16 =	vld.idx.msk [tilespmem:v16+s21+$0x0], $0xffff;
	[tilespmem:v15+s22+$0x0] =	vst.idx.msk $0xffff, v10;
	v10 =	vor.u32 v21, v46  }
0x2dd: {  	[tilespmem:v4+s22+$0x0] =	vst.idx.msk $0xffff, v6;
	v13 =	vor.u32 v21, v33;
	v19 =	vld.idx.msk [tilespmem:v19+s21+$0x0], $0xffff  }
0x2de: {  	v11 =	vor.u32 v24, v44;
	v4 =	vadd.f32 v7, v41;
	[tilespmem:v12+s22+$0x0] =	vst.idx.msk $0xffff, v5;
	v0 =	vld.idx.msk [tilespmem:v0+s21+$0x0], $0xffff  }
0x2df: {  	v14 =	vor.u32 v21, v42;
	v5 =	vor.u32 v24, v36;
	v12 =	vld.idx.msk [tilespmem:v17+s21+$0x0], $0xffff;
	v7 =	vadd.f32 v8, v50  }
0x2e0: {  	v2 =	vadd.f32 v2, v53;
	[tilespmem:v20+s22+$0x0] =	vst.idx.msk $0xffff, v4;
	v15 =	vld.idx.msk [tilespmem:v18+s21+$0x0], $0xffff;
	v17 =	vor.u32 v21, v43  }
0x2e1: {  	v16 =	vadd.f32 v16, v57;
	[tilespmem:v9+s22+$0x0] =	vst.idx.msk $0xffff, v7;
	v10 =	vld.idx.msk [tilespmem:v10+s21+$0x0], $0xffff  }
0x2e2: {  	[tilespmem:v3+s22+$0x0] =	vst.idx.msk $0xffff, v2;
	v4 =	vadd.f32 v19, v37;
	v3 =	vld.idx.msk [tilespmem:v13+s21+$0x0], $0xffff  }
0x2e3: {  	v6 =	vor.u32 v51, v54;
	[tilespmem:v11+s22+$0x0] =	vst.idx.msk $0xffff, v16;
	v13 =	vld [tilespmem:$0x1FD60]  }
0x2e4: {  	v8 =	vor.u32 v51, v40;
	[tilespmem:v5+s22+$0x0] =	vst.idx.msk $0xffff, v4;
	v11 =	vld.idx.msk [tilespmem:v14+s21+$0x0], $0xffff  }
0x2e5: {  	v5 =	vor.u32 v51, v35;
	v0 =	vadd.f32 v0, v25;
	v4 =	vld.idx.msk [tilespmem:v17+s21+$0x0], $0xffff  }
0x2e6: {  	v7 =	vor.u32 v51, v52;
	v2 =	vadd.f32 v12, v56  }
0x2e7: {  	v9 =	vadd.f32 v15, v38;
	v12 =	vor.u32 v51, v44;
	[tilespmem:v1+s22+$0x0] =	vst.idx.msk $0xffff, v0  }
0x2e8: {  	s2 =	smov.u32 s6;
	[tilespmem:v6+s22+$0x0] =	vst.idx.msk $0xffff, v2;
	v2 =	vor.u32 v51, v36;
	v0 =	vadd.f32 v10, v41  }
0x2e9: {  	s8 =	sadd.s32 $0x7, s2;
	v17 =	vld [tilespmem:$0x1FD50];
	[tilespmem:v8+s22+$0x0] =	vst.idx.msk $0xffff, v9;
	v8 =	vor.u32 v51, v45;
	v1 =	vadd.f32 v3, v50  }
0x2ea: {  	s9 =	sadd.s32 $0x4, s2;
	s25 =	sadd.s32 $0x5, s2;
	s26 =	sadd.s32 $0x6, s2;
	v6 =	vadd.f32 v11, v57;
	[tilespmem:v5+s22+$0x0] =	vst.idx.msk $0xffff, v0;
	v0 =	vadd.f32 v4, v37  }
0x2eb: {  	s30 =	sadd.s32 $0x1, s2;
	s28 =	sadd.s32 $0x2, s2;
	v16 =	vld [tilespmem:$0x1FFB0];
	[tilespmem:v7+s22+$0x0] =	vst.idx.msk $0xffff, v1;
	v1 =	vadd.s32 s2, v32;
	v4 =	vadd.s32 s8, v32;
	s2 =	sadd.s32 $0x3, s2;
	v5 =	vadd.s32 s9, v32  }
0x2ec: {  	[tilespmem:v12+s22+$0x0] =	vst.idx.msk $0xffff, v6;
	v6 =	vadd.s32 s25, v32;
	v10 =	vadd.s32 s2, v32;
	v43 =	vand.u32 $0x3F, v5  }
0x2ed: {  	v13 =	vld.idx.msk [tilespmem:v13+s21+$0x0], $0xffff;
	v5 =	vshll.u32 v5, $0x7;
	v28 =	vand.u32 $0x3F, v4;
	[tilespmem:v2+s22+$0x0] =	vst.idx.msk $0xffff, v0;
	v0 =	vadd.s32 s30, v32  }
0x2ee: {  	v2 =	vadd.s32 s28, v32;
	v12 =	vor.u32 v17, v43;
	v46 =	vand.u32 $0x3F, v6  }
0x2ef: {  	v26 =	vld [tilespmem:$0x1FF40];
	v6 =	vshll.u32 v6, $0x7;
	v61 =	vand.u32 $0x3F, v10;
	v55 =	vand.u32 $0x1F80, v5  }
0x2f0: {  	v29 =	vld [tilespmem:$0x1FF50];
	v5 =	vor.u32 v16, v43;
	v14 =	vor.u32 v16, v28;
	v42 =	vand.u32 $0x3F, v2  }
0x2f1: {  	v33 =	vld [tilespmem:$0x1FFF0];
	v47 =	vand.u32 $0x3F, v0;
	v0 =	vshll.u32 v0, $0x7;
	v7 =	vor.u32 v58, v42  }
0x2f2: {  	v35 =	vld [tilespmem:$0x1FFA0];
	v40 =	vand.u32 $0x1F80, v0;
	v0 =	vor.u32 v16, v46;
	v3 =	vadd.f32 v13, v53  }
0x2f3: {  	v37 =	vand.u32 $0x1F80, v6;
	v6 =	vor.u32 v16, v61;
	[tilespmem:$0x1FD40] =	vst v7;
	v7 =	vld [tilespmem:$0x1FD30]  }
0x2f4: {  	v49 =	vand.u32 $0x38, v1;
	v39 =	vld.idx.msk [tilespmem:v12+s10+$0x0], $0xffff;
	[tilespmem:v8+s22+$0x0] =	vst.idx.msk $0xffff, v3;
	v3 =	vshll.u32 v1, $0x7;
	v1 =	vor.u32 v17, v47  }
0x2f5: {  	v9 =	vor.u32 v16, v42;
	v14 =	vld.idx.msk [tilespmem:v14+s21+$0x0], $0xffff  }
0x2f6: {  	v13 =	vor.u32 v22, v49;
	v5 =	vld.idx.msk [tilespmem:v5+s21+$0x0], $0xffff  }
0x2f7: {  	v11 =	vadd.s32 s26, v32;
	v4 =	vshll.u32 v4, $0x7;
	v8 =	vor.u32 v17, v42;
	v0 =	vld.idx.msk [tilespmem:v0+s21+$0x0], $0xffff  }
0x2f8: {  	v10 =	vshll.u32 v10, $0x7;
	v60 =	vand.u32 $0x1F80, v3;
	v3 =	vor.u32 v16, v47;
	v6 =	vld.idx.msk [tilespmem:v6+s21+$0x0], $0xffff  }
0x2f9: {  	v52 =	vand.u32 $0x1F80, v4;
	v4 =	vor.u32 v23, v49;
	v38 =	vld.idx.msk [tilespmem:v1+s10+$0x0], $0xffff;
	v1 =	vor.u32 v17, v46  }
0x2fa: {  	v2 =	vshll.u32 v2, $0x7;
	v45 =	vand.u32 $0x1F80, v10;
	v59 =	vor.u32 v21, v61;
	v9 =	vld.idx.msk [tilespmem:v9+s21+$0x0], $0xffff  }
0x2fb: {  	v21 =	vor.u32 v26, v61;
	[tilespmem:$0x1FD60] =	vst v59;
	v59 =	vand.u32 $0x3F, v11;
	v7 =	vor.u32 v49, v7;
	v13 =	vld.idx.msk [tilespmem:v13+s21+$0x0], $0xffff  }
0x2fc: {  	v24 =	vor.u32 v27, v46;
	v44 =	vand.u32 $0x1F80, v2;
	v16 =	vor.u32 v16, v59;
	v57 =	vld.idx.msk [tilespmem:v8+s10+$0x0], $0xffff  }
0x2fd: {  	v15 =	vor.u32 v26, v47;
	v18 =	vor.u32 v32, v45;
	v8 =	vor.u32 v17, v28;
	v2 =	vld.idx.msk [tilespmem:v3+s21+$0x0], $0xffff  }
0x2fe: {  	v3 =	vor.u32 v17, v61;
	v41 =	vld.idx.msk [tilespmem:v1+s10+$0x0], $0xffff;
	v1 =	vshll.u32 v11, $0x7;
	v11 =	vor.u32 v58, v43  }
0x2ff: {  	v10 =	vor.u32 v32, v40;
	[tilespmem:$0x1FD70] =	vst v11;
	v11 =	vor.u32 v17, v59;
	v54 =	vand.u32 $0x1F80, v1;
	v1 =	vld [tilespmem:$0x1FF60]  }
0x300: {  	v20 =	vor.u32 v26, v42;
	v23 =	vor.u32 v27, v42;
	[tilespmem:$0x1FCF0] =	vst v24;
	v36 =	vld.idx.msk [tilespmem:v7+s10+$0x0], $0xffff  }
0x301: {  	v24 =	vor.u32 v27, v47;
	[tilespmem:$0x1FD10] =	vst v23;
	v12 =	vor.u32 v32, v37;
	v16 =	vld.idx.msk [tilespmem:v16+s21+$0x0], $0xffff  }
0x302: {  	v23 =	vor.u32 v26, v43;
	v7 =	vor.u32 v32, v60;
	v50 =	vld.idx.msk [tilespmem:v8+s10+$0x0], $0xffff;
	v2 =	vadd.f32 v2, v38  }
0x303: {  	[tilespmem:$0x1FCE0] =	vst v24;
	v30 =	vadd.f32 v5, v39;
	v17 =	vor.u32 v32, v55;
	v53 =	vld.idx.msk [tilespmem:v3+s10+$0x0], $0xffff  }
0x304: {  	[tilespmem:v10+s22+$0x0] =	vst.idx.msk $0xffff, v2;
	v0 =	vadd.f32 v0, v41;
	v1 =	vor.u32 v1, v49;
	v56 =	vld.idx.msk [tilespmem:v11+s10+$0x0], $0xffff  }
0x305: {  	v25 =	vor.u32 v26, v59;
	v24 =	vadd.f32 v9, v57;
	v11 =	vadd.f32 v13, v36;
	[tilespmem:$0x1FD00] =	vst v1;
	v1 =	vld [tilespmem:$0x1FF90]  }
0x306: {  	v3 =	vor.u32 v26, v46;
	v26 =	vor.u32 v26, v28;
	[tilespmem:v12+s22+$0x0] =	vst.idx.msk $0xffff, v0;
	v0 =	vld [tilespmem:$0x1FE80]  }
0x307: {  	v2 =	vmov v34;
	v34 =	vld [tilespmem:$0x1FFC0];
	[tilespmem:v7+s22+$0x0] =	vst.idx.msk $0xffff, v11;
	v7 =	vor.u32 v48, v52;
	v11 =	vor.u32 v32, v52  }
0x308: {  	v63 =	vmov v27;
	v27 =	vadd.f32 v6, v53;
	[tilespmem:$0x1FD20] =	vst v7;
	v4 =	vld.idx.msk [tilespmem:v4+s21+$0x0], $0xffff;
	v7 =	vor.u32 v32, v54  }
0x309: {  	v10 =	vor.u32 v32, v44;
	v15 =	vld.idx.msk [tilespmem:v15+s21+$0x0], $0xffff;
	v6 =	vadd.f32 v14, v50;
	[tilespmem:v17+s22+$0x0] =	vst.idx.msk $0xffff, v30  }
0x30a: {  	v14 =	vor.u32 v35, v40;
	[tilespmem:v18+s22+$0x0] =	vst.idx.msk $0xffff, v27;
	v19 =	vor.u32 v1, v60  }
0x30b: {  	v3 =	vld.idx.msk [tilespmem:v3+s21+$0x0], $0xffff;
	v16 =	vadd.f32 v16, v56;
	v22 =	vor.u32 v1, v40;
	v0 =	vor.u32 v0, v49  }
0x30c: {  	v30 =	vor.u32 v29, v42;
	v12 =	vor.u32 v35, v60;
	v21 =	vld.idx.msk [tilespmem:v21+s21+$0x0], $0xffff;
	[tilespmem:v11+s22+$0x0] =	vst.idx.msk $0xffff, v6  }
0x30d: {  	v8 =	vor.u32 v34, v47;
	[tilespmem:v7+s22+$0x0] =	vst.idx.msk $0xffff, v16;
	v7 =	vadd.f32 v4, v36;
	v17 =	vld.idx.msk [tilespmem:v26+s21+$0x0], $0xffff  }
0x30e: {  	[tilespmem:v10+s22+$0x0] =	vst.idx.msk $0xffff, v24;
	v27 =	vor.u32 v33, v60;
	v15 =	vadd.f32 v15, v38;
	v16 =	vld.idx.msk [tilespmem:v25+s21+$0x0], $0xffff  }
0x30f: {  	v62 =	vor.u32 v34, v61;
	v13 =	vor.u32 v1, v37;
	[tilespmem:v19+s22+$0x0] =	vst.idx.msk $0xffff, v7;
	v19 =	vld.idx.msk [tilespmem:v20+s21+$0x0], $0xffff  }
0x310: {  	v18 =	vor.u32 v34, v46;
	[tilespmem:v22+s22+$0x0] =	vst.idx.msk $0xffff, v15;
	v15 =	vor.u32 v1, v54;
	v0 =	vld.idx.msk [tilespmem:v0+s21+$0x0], $0xffff  }
0x311: {  	v32 =	vor.u32 v34, v42;
	v26 =	vor.u32 v1, v52;
	v22 =	vld.idx.msk [tilespmem:v23+s21+$0x0], $0xffff;
	v23 =	vor.u32 v34, v59  }
0x312: {  	v9 =	vor.u32 v1, v45;
	v10 =	vor.u32 v1, v44;
	v11 =	vadd.f32 v3, v41;
	v8 =	vld.idx.msk [tilespmem:v8+s21+$0x0], $0xffff  }
0x313: {  	v24 =	vor.u32 v1, v55;
	v1 =	vmovc v48;
	v48 =	vor.u32 v31, v49;
	v16 =	vadd.f32 v16, v56  }
0x314: {  	v25 =	vor.u32 v34, v28;
	[tilespmem:v13+s22+$0x0] =	vst.idx.msk $0xffff, v11;
	v17 =	vadd.f32 v17, v50  }
0x315: {  	v20 =	vld [tilespmem:$0x1FE10];
	v34 =	vor.u32 v34, v43;
	[tilespmem:v15+s22+$0x0] =	vst.idx.msk $0xffff, v16;
	v0 =	vadd.f32 v0, v36  }
0x316: {  	[tilespmem:v26+s22+$0x0] =	vst.idx.msk $0xffff, v17;
	v19 =	vadd.f32 v19, v57;
	v16 =	vadd.f32 v22, v39;
	v11 =	vld.idx.msk [tilespmem:v23+s21+$0x0], $0xffff  }
0x317: {  	v18 =	vld.idx.msk [tilespmem:v18+s21+$0x0], $0xffff;
	[tilespmem:v12+s22+$0x0] =	vst.idx.msk $0xffff, v0;
	v0 =	vadd.f32 v8, v38;
	v8 =	vor.u32 v29, v47  }
0x318: {  	[tilespmem:v10+s22+$0x0] =	vst.idx.msk $0xffff, v19;
	v10 =	vadd.f32 v21, v53;
	v19 =	vor.u32 v35, v54;
	v17 =	vld.idx.msk [tilespmem:v48+s21+$0x0], $0xffff  }
0x319: {  	v22 =	vor.u32 v29, v59;
	[tilespmem:v24+s22+$0x0] =	vst.idx.msk $0xffff, v16;
	v16 =	vor.u32 v35, v37;
	v21 =	vld.idx.msk [tilespmem:v32+s21+$0x0], $0xffff  }
0x31a: {  	v20 =	vor.u32 v20, v49;
	v15 =	vor.u32 v35, v45;
	[tilespmem:v9+s22+$0x0] =	vst.idx.msk $0xffff, v10;
	v10 =	vld.idx.msk [tilespmem:v34+s21+$0x0], $0xffff  }
0x31b: {  	[tilespmem:v14+s22+$0x0] =	vst.idx.msk $0xffff, v0;
	v0 =	vld.idx.msk [tilespmem:v62+s21+$0x0], $0xffff;
	v14 =	vor.u32 v35, v44;
	v11 =	vadd.f32 v11, v56  }
0x31c: {  	v23 =	vor.u32 v35, v55;
	v18 =	vadd.f32 v18, v41;
	v24 =	vor.u32 v29, v46;
	v8 =	vld.idx.msk [tilespmem:v8+s21+$0x0], $0xffff  }
0x31d: {  	[tilespmem:v19+s22+$0x0] =	vst.idx.msk $0xffff, v11;
	v19 =	vor.u32 v29, v43;
	v17 =	vadd.f32 v17, v36  }
0x31e: {  	v62 =	vor.u32 v33, v40;
	[tilespmem:v16+s22+$0x0] =	vst.idx.msk $0xffff, v18;
	v21 =	vadd.f32 v21, v57;
	v16 =	vld.idx.msk [tilespmem:v22+s21+$0x0], $0xffff  }
0x31f: {  	v7 =	vor.u32 v2, v47;
	v12 =	vld.idx.msk [tilespmem:v25+s21+$0x0], $0xffff;
	v10 =	vadd.f32 v10, v39;
	[tilespmem:v27+s22+$0x0] =	vst.idx.msk $0xffff, v17  }
0x320: {  	[tilespmem:v14+s22+$0x0] =	vst.idx.msk $0xffff, v21;
	v0 =	vadd.f32 v0, v53;
	v14 =	vor.u32 v33, v54;
	v20 =	vld.idx.msk [tilespmem:v20+s21+$0x0], $0xffff  }
0x321: {  	v24 =	vld.idx.msk [tilespmem:v24+s21+$0x0], $0xffff;
	[tilespmem:v23+s22+$0x0] =	vst.idx.msk $0xffff, v10;
	v8 =	vadd.f32 v8, v38  }
0x322: {  	[tilespmem:v15+s22+$0x0] =	vst.idx.msk $0xffff, v0;
	v19 =	vld.idx.msk [tilespmem:v19+s21+$0x0], $0xffff  }
0x323: {  	v21 =	vld.idx.msk [tilespmem:v30+s21+$0x0], $0xffff;
	v0 =	vadd.f32 v16, v56;
	[tilespmem:v62+s22+$0x0] =	vst.idx.msk $0xffff, v8  }
0x324: {  	v13 =	vor.u32 v29, v61;
	v16 =	vor.u32 v33, v55;
	v8 =	vor.u32 v33, v44;
	v7 =	vld.idx.msk [tilespmem:v7+s21+$0x0], $0xffff  }
0x325: {  	[tilespmem:v14+s22+$0x0] =	vst.idx.msk $0xffff, v0;
	v0 =	vadd.f32 v20, v36;
	v20 =	vor.u32 v2, v43  }
0x326: {  	v26 =	vor.u32 v29, v28;
	v25 =	vor.u32 v1, v60;
	v14 =	vor.u32 v1, v40  }
0x327: {  	v11 =	vadd.f32 v12, v50;
	v12 =	vor.u32 v35, v52;
	v35 =	vmovc v37;
	v18 =	vadd.f32 v19, v39  }
0x328: {  	v4 =	vld [tilespmem:$0x1FFD0];
	v10 =	vor.u32 v2, v59;
	v27 =	vor.u32 v33, v35;
	v21 =	vadd.f32 v21, v57  }
0x329: {  	v32 =	vadd.f32 v24, v41;
	[tilespmem:v16+s22+$0x0] =	vst.idx.msk $0xffff, v18;
	v7 =	vadd.f32 v7, v38  }
0x32a: {  	v24 =	vor.u32 v1, v45;
	[tilespmem:v8+s22+$0x0] =	vst.idx.msk $0xffff, v21;
	v8 =	vor.u32 v1, v54;
	v18 =	vld.idx.msk [tilespmem:v20+s21+$0x0], $0xffff  }
0x32b: {  	v48 =	vmov v1;
	v20 =	vor.u32 v1, v35;
	[tilespmem:v14+s22+$0x0] =	vst.idx.msk $0xffff, v7;
	v7 =	vor.u32 v1, v44;
	v1 =	vld [tilespmem:$0x1FCE0]  }
0x32c: {  	v6 =	vor.u32 v2, v46  }
0x32d: {  	v5 =	vor.u32 v4, v49;
	v4 =	vor.u32 v2, v42;
	v30 =	vld [tilespmem:$0x1FE90]  }
0x32e: {  	[tilespmem:v12+s22+$0x0] =	vst.idx.msk $0xffff, v11;
	v13 =	vld.idx.msk [tilespmem:v13+s21+$0x0], $0xffff  }
0x32f: {  	v11 =	vld.idx.msk [tilespmem:v26+s21+$0x0], $0xffff  }
0x330: {  	[tilespmem:v27+s22+$0x0] =	vst.idx.msk $0xffff, v32;
	v10 =	vld.idx.msk [tilespmem:v10+s21+$0x0], $0xffff  }
0x331: {  	v6 =	vld.idx.msk [tilespmem:v6+s21+$0x0], $0xffff  }
0x332: {  	v22 =	vor.u32 v33, v45;
	v62 =	vld.idx.msk [tilespmem:v4+s21+$0x0], $0xffff  }
0x333: {  	v17 =	vor.u32 v2, v61;
	v12 =	vor.u32 v33, v52;
	v14 =	vld.idx.msk [tilespmem:v1+s21+$0x0], $0xffff  }
0x334: {  	v15 =	vor.u32 v2, v28;
	[tilespmem:v25+s22+$0x0] =	vst.idx.msk $0xffff, v0;
	v1 =	vld [tilespmem:$0x1FCF0]  }
0x335: {  	v13 =	vadd.f32 v13, v53;
	v5 =	vld.idx.msk [tilespmem:v5+s21+$0x0], $0xffff  }
0x336: {  	v11 =	vadd.f32 v11, v50;
	v16 =	vor.u32 v63, v59  }
0x337: {  	v23 =	vor.u32 v30, v60;
	[tilespmem:v22+s22+$0x0] =	vst.idx.msk $0xffff, v13;
	v10 =	vadd.f32 v10, v56  }
0x338: {  	[tilespmem:v12+s22+$0x0] =	vst.idx.msk $0xffff, v11;
	v12 =	vld.idx.msk [tilespmem:v17+s21+$0x0], $0xffff;
	v17 =	vadd.f32 v62, v57  }
0x339: {  	v25 =	vmov v36;
	v11 =	vld.idx.msk [tilespmem:v15+s21+$0x0], $0xffff;
	v6 =	vadd.f32 v6, v41;
	[tilespmem:v8+s22+$0x0] =	vst.idx.msk $0xffff, v10  }
0x33a: {  	v15 =	vor.u32 v48, v55;
	v8 =	vadd.f32 v5, v25;
	[tilespmem:v7+s22+$0x0] =	vst.idx.msk $0xffff, v17;
	v7 =	vld [tilespmem:$0x1FD10]  }
0x33b: {  	v16 =	vld.idx.msk [tilespmem:v16+s21+$0x0], $0xffff;
	[tilespmem:v20+s22+$0x0] =	vst.idx.msk $0xffff, v6  }
0x33c: {  	[tilespmem:v23+s22+$0x0] =	vst.idx.msk $0xffff, v8;
	v8 =	vadd.f32 v18, v39;
	v18 =	vld.idx.msk [tilespmem:v1+s21+$0x0], $0xffff  }
0x33d: {  	v1 =	vld [tilespmem:$0x1FD00];
	_ =	sdelay $0x1  }
0x33e: {  	v17 =	vor.u32 v30, v54;
	[tilespmem:v15+s22+$0x0] =	vst.idx.msk $0xffff, v8;
	v8 =	vld [tilespmem:$0x1FD20];
	_ =	sdelay $0x1  }
0x33f: {  	v3 =	vor.u32 v58, v47;
	v34 =	vmovc v2;
	v9 =	vor.u32 v58, v28;
	v21 =	vld [tilespmem:$0x1FF80];
	v10 =	vor.u32 v63, v43  }
0x340: {  	v15 =	vadd.f32 v16, v56;
	v20 =	vld.idx.msk [tilespmem:v7+s21+$0x0], $0xffff;
	v7 =	vadd.f32 v12, v53;
	v12 =	vor.u32 v58, v59  }
0x341: {  	v37 =	vmovc v39;
	v33 =	vmovc v28;
	v27 =	vmov v63;
	v0 =	vor.u32 v63, v61;
	v22 =	vld [tilespmem:$0x1FE60];
	v6 =	vor.u32 v30, v40  }
0x342: {  	v2 =	vor.u32 v58, v61;
	v36 =	vmov v55;
	v13 =	vor.u32 v63, v28;
	v23 =	vld [tilespmem:$0x1FE70];
	[tilespmem:v17+s22+$0x0] =	vst.idx.msk $0xffff, v15  }
0x343: {  	p0 =	slt.u32 s6, $0x38;
	v39 =	vld.idx.msk [tilespmem:v1+s21+$0x0], $0xffff;
	v1 =	vadd.f32 v11, v50;
	v11 =	vadd.f32 v14, v38;
	v14 =	vor.u32 v30, v35  }
.Ltmp4:
0x344: {  	v4 =	vor.u32 v21, v60;
	v5 =	vor.u32 v30, v45;
	v61 =	vld.idx.msk [tilespmem:v10+s21+$0x0], $0xffff;
	[tilespmem:v24+s22+$0x0] =	vst.idx.msk $0xffff, v7;
	(pc) =	sbr.rel @p0 .LBB2_9-.Ltmp4, $4  }
0x345: {  	v63 =	vor.u32 v30, v44;
	v7 =	vor.u32 v58, v46;
	v62 =	vld.idx.msk [tilespmem:v12+s21+$0x0], $0xffff;
	[tilespmem:v8+s22+$0x0] =	vst.idx.msk $0xffff, v1  }
0x346: {  	v15 =	vadd.f32 v20, v57;
	[tilespmem:v6+s22+$0x0] =	vst.idx.msk $0xffff, v11;
	v11 =	vld.idx.msk [tilespmem:v0+s21+$0x0], $0xffff;
	v0 =	vadd.f32 v18, v41  }
0x347: {  	v1 =	vor.u32 v51, v60;
	v60 =	vor.u32 v30, v55;
	v8 =	vld.idx.msk [tilespmem:v13+s21+$0x0], $0xffff;
	v13 =	vor.u32 v30, v52  }
0x348: {  	s6 =	sadd.s32 $0x8, s6;
	v32 =	vlaneseq.u32;
	v10 =	vld.idx.msk [tilespmem:v3+s21+$0x0], $0xffff;
	v3 =	vor.u32 v21, v45;
	v6 =	vadd.f32 v39, v25;
	[tilespmem:v14+s22+$0x0] =	vst.idx.msk $0xffff, v0  }
0x349: {  	v51 =	vld [tilespmem:$0x1FE20];
	_ =	sdelay $0x4  }
0x34a: {  	v0 =	vor.u32 v51, v49;
	v49 =	vld [tilespmem:$0x1FF80];
	[tilespmem:v63+s22+$0x0] =	vst.idx.msk $0xffff, v15  }
0x34b: {  	v16 =	vld [tilespmem:$0x1FD40];
	_ =	sdelay $0x4  }
0x34c: {  	v8 =	vadd.f32 v8, v50  }
0x34d: {  	v7 =	vld.idx.msk [tilespmem:v7+s21+$0x0], $0xffff;
	v11 =	vadd.f32 v11, v53  }
0x34e: {  	v14 =	vadd.f32 v61, v37;
	v21 =	vld [tilespmem:$0x1FE50];
	[tilespmem:v13+s22+$0x0] =	vst.idx.msk $0xffff, v8  }
0x34f: {  	[tilespmem:v5+s22+$0x0] =	vst.idx.msk $0xffff, v11;
	v12 =	vor.u32 v49, v54;
	v16 =	vld.idx.msk [tilespmem:v16+s21+$0x0], $0xffff  }
0x350: {  	[tilespmem:v60+s22+$0x0] =	vst.idx.msk $0xffff, v14;
	v9 =	vld.idx.msk [tilespmem:v9+s21+$0x0], $0xffff;
	v55 =	vor.u32 v49, v40  }
0x351: {  	v20 =	vld [tilespmem:$0x1FD70];
	v39 =	vor.u32 v49, v44  }
0x352: {  	v63 =	vadd.f32 v62, v56;
	v2 =	vld.idx.msk [tilespmem:v2+s21+$0x0], $0xffff;
	[tilespmem:v4+s22+$0x0] =	vst.idx.msk $0xffff, v6;
	v18 =	vor.u32 v49, v35  }
0x353: {  	v11 =	vor.u32 v49, v52;
	v17 =	vor.u32 v21, v59;
	v59 =	vadd.f32 v10, v38  }
0x354: {  	[tilespmem:v12+s22+$0x0] =	vst.idx.msk $0xffff, v63;
	v51 =	vadd.f32 v16, v57  }
0x355: {  	[tilespmem:v55+s22+$0x0] =	vst.idx.msk $0xffff, v59;
	v59 =	vadd.f32 v7, v41  }
0x356: {  	v19 =	vor.u32 v21, v33;
	v33 =	vadd.f32 v9, v50;
	[tilespmem:v39+s22+$0x0] =	vst.idx.msk $0xffff, v51  }
0x357: {  	v2 =	vadd.f32 v2, v53;
	v60 =	vld [tilespmem:$0x1FF30];
	[tilespmem:v18+s22+$0x0] =	vst.idx.msk $0xffff, v59  }
0x358: {  	v61 =	vor.u32 v21, v47;
	[tilespmem:v11+s22+$0x0] =	vst.idx.msk $0xffff, v33  }
0x359: {  	v42 =	vor.u32 v21, v42;
	v20 =	vld.idx.msk [tilespmem:v20+s21+$0x0], $0xffff;
	[tilespmem:v3+s22+$0x0] =	vst.idx.msk $0xffff, v2  }
0x35a: {  	v11 =	vld [tilespmem:$0x1FD60]  }
0x35b: {  	v0 =	vld.idx.msk [tilespmem:v0+s21+$0x0], $0xffff;
	v46 =	vor.u32 v21, v46;
	v47 =	vor.u32 v49, v36  }
0x35c: {  	v55 =	vor.u32 v21, v43;
	v12 =	vld.idx.msk [tilespmem:v17+s21+$0x0], $0xffff  }
0x35d: {  	v10 =	vld.idx.msk [tilespmem:v61+s21+$0x0], $0xffff  }
0x35e: {  	v13 =	vld.idx.msk [tilespmem:v42+s21+$0x0], $0xffff;
	v17 =	vor.u32 v60, v54;
	v39 =	vor.u32 v60, v40;
	v40 =	vadd.f32 v20, v37  }
0x35f: {  	v43 =	vld.idx.msk [tilespmem:v19+s21+$0x0], $0xffff  }
0x360: {  	v0 =	vadd.f32 v0, v25;
	v5 =	vld.idx.msk [tilespmem:v46+s21+$0x0], $0xffff;
	v46 =	vor.u32 v60, v44;
	[tilespmem:v47+s22+$0x0] =	vst.idx.msk $0xffff, v40  }
0x361: {  	v42 =	vadd.f32 v12, v56;
	v51 =	vor.u32 v60, v52;
	v52 =	vld.idx.msk [tilespmem:v55+s21+$0x0], $0xffff  }
0x362: {  	v10 =	vadd.f32 v10, v38;
	[tilespmem:v1+s22+$0x0] =	vst.idx.msk $0xffff, v0;
	v47 =	vor.u32 v60, v35;
	v11 =	vld.idx.msk [tilespmem:v11+s21+$0x0], $0xffff  }
0x363: {  	v54 =	vadd.f32 v13, v57;
	v56 =	vor.u32 v60, v36;
	[tilespmem:v17+s22+$0x0] =	vst.idx.msk $0xffff, v42  }
0x364: {  	v59 =	vadd.f32 v43, v50;
	v55 =	vor.u32 v60, v45;
	[tilespmem:v39+s22+$0x0] =	vst.idx.msk $0xffff, v10  }
0x365: {  	v57 =	vadd.f32 v5, v41;
	[tilespmem:v46+s22+$0x0] =	vst.idx.msk $0xffff, v54  }
0x366: {  	s2 =	sshll.u32 s4, $0x12;
	[tilespmem:v51+s22+$0x0] =	vst.idx.msk $0xffff, v59;
	v62 =	vadd.f32 v52, v37  }
0x367: {  	s2 =	sor.u32 s7, s2;
	[tilespmem:v47+s22+$0x0] =	vst.idx.msk $0xffff, v57;
	v61 =	vadd.f32 v11, v53  }
0x368: {  	s2 =	sshrl.u32 s2, $0x3;
	[tilespmem:v56+s22+$0x0] =	vst.idx.msk $0xffff, v62  }
0x369: {  	s2 =	sadd.s32 s5, s2;
	[tilespmem:v55+s22+$0x0] =	vst.idx.msk $0xffff, v61  }
0x36a: {  	[hbm4b:s2+s11] =	stream.strided.scatter [tilespmem:s22], [sflag:$0x7], $0x2000, s16, s11, $0x38;
	[tilespmem:$0x1FA00] =	vst v63  }
0x36b: {  	_ =	swait.ge [sflag:s23], $0x2000  }
0x36c: {  	v63 =	vld [tilespmem:$0x1FF20]  }
0x36d: {  	v24 =	vld [tilespmem:$0x1FF90]  }
0x36e: {  	v26 =	vld [tilespmem:$0x1FFA0]  }
0x36f: {  	v28 =	vld [tilespmem:$0x1FFF0]  }
0x370: {  	v25 =	vld [tilespmem:$0x1FFD0]  }
0x371: {  	v56 =	vld [tilespmem:$0x1FFB0]  }
0x372: {  	v59 =	vld [tilespmem:$0x1FF60]  }
0x373: {  	v61 =	vld [tilespmem:$0x1FF40]  }
0x374: {  	s30 =	sshll.u32 s0, $0x6;
	[sflag:s23] =	ssyncset.done $0x0;
	v33 =	vld [tilespmem:$0x1FFC0]  }
0x375: {  	s4 =	simm.s32 $0x0;
	v20 =	vmov s30;
	v62 =	vld [tilespmem:$0x1FF50];
	[sflag:s23] =	ssyncadd.s32 $0xFFFFE000;
	v29 =	vor.u32 s30, v63;
	v63 =	vmov v49  }
.LBB2_11:
0x376: {  	v0 =	vadd.s32 s4, v32  }
0x377: {  	v39 =	vand.u32 $0x38, v0  }
0x378: {  	v1 =	vor.u32 v39, v29  }
0x379: {  	v2 =	vor.u32 v22, v39;
	_ =	sdelay $0x3  }
0x37a: {  	v35 =	vld.idx.msk [tilespmem:v1+s10+$0x0], $0xffff  }
0x37b: {  	v0 =	vshll.u32 v0, $0x7;
	v43 =	vld.idx.msk [tilespmem:v2+s12+$0x0], $0xffff  }
0x37c: {  	v37 =	vand.u32 $0x1F80, v0  }
0x37d: {  	v0 =	vor.u32 v32, v37  }
0x37e: {  	v44 =	vor.u32 v23, v39  }
0x37f: {  	s2 =	sadd.s32 $0x1, s4  }
0x380: {  	v3 =	vadd.s32 s2, v32;
	v1 =	vadd.f32 v43, v35  }
0x381: {  	v46 =	vld [tilespmem:$0x1FE80];
	v4 =	vor.u32 v20, v3;
	v41 =	vand.u32 $0x3F, v3  }
0x382: {  	v5 =	vor.u32 v56, v41;
	[tilespmem:v0+s24+$0x0] =	vst.idx.msk $0xffff, v1  }
0x383: {  	v0 =	vld.idx.msk [tilespmem:v44+s12+$0x0], $0xffff;
	_ =	sdelay $0x1  }
0x384: {  	v45 =	vor.u32 v24, v37  }
0x385: {  	v36 =	vld.idx.msk [tilespmem:v4+s10+$0x0], $0xffff;
	v2 =	vor.u32 v46, v39  }
0x386: {  	v3 =	vshll.u32 v3, $0x7;
	v47 =	vld.idx.msk [tilespmem:v5+s12+$0x0], $0xffff  }
0x387: {  	v38 =	vand.u32 $0x1F80, v3;
	v0 =	vadd.f32 v0, v35  }
0x388: {  	v3 =	vor.u32 v32, v38  }
0x389: {  	v49 =	vor.u32 v61, v41;
	[tilespmem:v45+s24+$0x0] =	vst.idx.msk $0xffff, v0  }
0x38a: {  	v0 =	vld.idx.msk [tilespmem:v2+s12+$0x0], $0xffff  }
0x38b: {  	v50 =	vadd.f32 v47, v36  }
0x38c: {  	v51 =	vor.u32 v26, v37  }
0x38d: {  	v52 =	vor.u32 v31, v39;
	[tilespmem:v3+s24+$0x0] =	vst.idx.msk $0xffff, v50  }
0x38e: {  	s9 =	sadd.s32 $0x2, s4;
	v3 =	vld.idx.msk [tilespmem:v49+s12+$0x0], $0xffff  }
0x38f: {  	v6 =	vadd.s32 s9, v32;
	v0 =	vadd.f32 v0, v35  }
0x390: {  	v10 =	vld [tilespmem:$0x1FE10];
	v55 =	vor.u32 v20, v6;
	v53 =	vor.u32 v24, v38  }
0x391: {  	v54 =	vor.u32 v33, v41;
	v44 =	vand.u32 $0x3F, v6;
	[tilespmem:v51+s24+$0x0] =	vst.idx.msk $0xffff, v0  }
0x392: {  	v9 =	vor.u32 v56, v44;
	v1 =	vld.idx.msk [tilespmem:v52+s12+$0x0], $0xffff  }
0x393: {  	v57 =	vadd.f32 v3, v36  }
0x394: {  	s25 =	sadd.s32 $0x3, s4;
	v7 =	vor.u32 v28, v37  }
0x395: {  	v17 =	vadd.s32 s25, v32;
	v40 =	vld.idx.msk [tilespmem:v55+s10+$0x0], $0xffff;
	[tilespmem:v53+s24+$0x0] =	vst.idx.msk $0xffff, v57;
	v2 =	vor.u32 v10, v39  }
0x396: {  	v46 =	vand.u32 $0x3F, v17;
	v4 =	vld.idx.msk [tilespmem:v54+s12+$0x0], $0xffff  }
0x397: {  	v13 =	vshll.u32 v6, $0x7;
	v47 =	vor.u32 v56, v46;
	v3 =	vld.idx.msk [tilespmem:v9+s12+$0x0], $0xffff;
	v11 =	vadd.f32 v1, v35  }
0x398: {  	v42 =	vand.u32 $0x1F80, v13;
	v12 =	vor.u32 v26, v38;
	v9 =	vor.u32 v20, v17  }
0x399: {  	v14 =	vor.u32 v62, v41;
	v15 =	vor.u32 v32, v42;
	[tilespmem:v7+s24+$0x0] =	vst.idx.msk $0xffff, v11  }
0x39a: {  	v16 =	vor.u32 v61, v44;
	v2 =	vld.idx.msk [tilespmem:v2+s12+$0x0], $0xffff  }
0x39b: {  	v4 =	vadd.f32 v4, v36  }
0x39c: {  	v8 =	vor.u32 v48, v37;
	v54 =	vld.idx.msk [tilespmem:v47+s12+$0x0], $0xffff;
	v45 =	vadd.f32 v3, v40  }
0x39d: {  	v55 =	vshll.u32 v17, $0x7;
	v49 =	vor.u32 v25, v39;
	v43 =	vld.idx.msk [tilespmem:v9+s10+$0x0], $0xffff;
	[tilespmem:v12+s24+$0x0] =	vst.idx.msk $0xffff, v4  }
0x39e: {  	[tilespmem:v15+s24+$0x0] =	vst.idx.msk $0xffff, v45;
	v45 =	vand.u32 $0x1F80, v55;
	v6 =	vld.idx.msk [tilespmem:v14+s12+$0x0], $0xffff  }
0x39f: {  	v13 =	vor.u32 v32, v45;
	v52 =	vld.idx.msk [tilespmem:v16+s12+$0x0], $0xffff;
	v50 =	vadd.f32 v2, v35  }
0x3a0: {  	v51 =	vor.u32 v28, v38  }
0x3a1: {  	v53 =	vor.u32 v34, v41;
	v57 =	vor.u32 v24, v42;
	[tilespmem:v8+s24+$0x0] =	vst.idx.msk $0xffff, v50  }
0x3a2: {  	v12 =	vor.u32 v33, v44;
	v0 =	vadd.f32 v54, v43;
	v4 =	vld.idx.msk [tilespmem:v49+s12+$0x0], $0xffff  }
0x3a3: {  	v15 =	vor.u32 v61, v46;
	v6 =	vadd.f32 v6, v36  }
0x3a4: {  	v14 =	vor.u32 v30, v37;
	[tilespmem:v13+s24+$0x0] =	vst.idx.msk $0xffff, v0;
	v2 =	vadd.f32 v52, v40  }
0x3a5: {  	s26 =	sadd.s32 $0x4, s4;
	[tilespmem:v51+s24+$0x0] =	vst.idx.msk $0xffff, v6  }
0x3a6: {  	v0 =	vadd.s32 s26, v32;
	v5 =	vld.idx.msk [tilespmem:v53+s12+$0x0], $0xffff;
	[tilespmem:v57+s24+$0x0] =	vst.idx.msk $0xffff, v2  }
0x3a7: {  	v47 =	vor.u32 v20, v0;
	v3 =	vld.idx.msk [tilespmem:v12+s12+$0x0], $0xffff;
	v4 =	vadd.f32 v4, v35  }
0x3a8: {  	v10 =	vor.u32 v48, v38;
	v16 =	vor.u32 v59, v39  }
0x3a9: {  	v17 =	vor.u32 v27, v41;
	[tilespmem:v14+s24+$0x0] =	vst.idx.msk $0xffff, v4;
	v4 =	vld.idx.msk [tilespmem:v15+s12+$0x0], $0xffff  }
0x3aa: {  	s28 =	sadd.s32 $0x5, s4;
	v13 =	vor.u32 v24, v45;
	v1 =	vand.u32 $0x3F, v0;
	v57 =	vor.u32 v26, v42  }
0x3ab: {  	v54 =	vor.u32 v56, v1;
	v5 =	vadd.f32 v5, v36;
	v14 =	vadd.s32 s28, v32  }
0x3ac: {  	s29 =	sadd.s32 $0x6, s4;
	v21 =	vmovc v48;
	v47 =	vld.idx.msk [tilespmem:v47+s10+$0x0], $0xffff;
	v55 =	vadd.f32 v3, v40;
	v3 =	vor.u32 v20, v14;
	v51 =	vand.u32 $0x3F, v14  }
0x3ad: {  	v0 =	vshll.u32 v0, $0x7;
	[tilespmem:v10+s24+$0x0] =	vst.idx.msk $0xffff, v5;
	v6 =	vld.idx.msk [tilespmem:v16+s12+$0x0], $0xffff;
	v16 =	vadd.s32 s29, v32;
	v7 =	vor.u32 v56, v51  }
0x3ae: {  	v19 =	vor.u32 v61, v1;
	v15 =	vld.idx.msk [tilespmem:v17+s12+$0x0], $0xffff;
	v17 =	vor.u32 v20, v16;
	v4 =	vadd.f32 v4, v43  }
0x3af: {  	s30 =	sadd.s32 $0x7, s4;
	v5 =	vor.u32 v30, v38;
	v10 =	vor.u32 v33, v46;
	[tilespmem:v57+s24+$0x0] =	vst.idx.msk $0xffff, v55;
	v53 =	vand.u32 $0x3F, v16  }
0x3b0: {  	v48 =	vand.u32 $0x1F80, v0;
	v57 =	vld.idx.msk [tilespmem:v54+s12+$0x0], $0xffff;
	v0 =	vor.u32 v56, v53;
	[tilespmem:v13+s24+$0x0] =	vst.idx.msk $0xffff, v4;
	v4 =	vadd.s32 s30, v32  }
0x3b1: {  	v11 =	vor.u32 v63, v37;
	v9 =	vld.idx.msk [tilespmem:v3+s10+$0x0], $0xffff;
	v18 =	vor.u32 v20, v4;
	v2 =	vand.u32 $0x3F, v4  }
0x3b2: {  	v12 =	vor.u32 v62, v44;
	v13 =	vor.u32 v32, v48;
	v7 =	vld.idx.msk [tilespmem:v7+s12+$0x0], $0xffff;
	v3 =	vor.u32 v56, v2  }
0x3b3: {  	v14 =	vshll.u32 v14, $0x7;
	v55 =	vshll.u32 v16, $0x7;
	v15 =	vadd.f32 v15, v36;
	v49 =	vld.idx.msk [tilespmem:v17+s10+$0x0], $0xffff  }
0x3b4: {  	v52 =	vand.u32 $0x1F80, v14;
	v54 =	vand.u32 $0x1F80, v55;
	v6 =	vadd.f32 v6, v35;
	v10 =	vld.idx.msk [tilespmem:v10+s12+$0x0], $0xffff  }
0x3b5: {  	v57 =	vadd.f32 v57, v47;
	[tilespmem:v5+s24+$0x0] =	vst.idx.msk $0xffff, v15;
	v5 =	vor.u32 v32, v52;
	v0 =	vld.idx.msk [tilespmem:v0+s12+$0x0], $0xffff  }
0x3b6: {  	v8 =	vor.u32 v32, v54;
	[tilespmem:v11+s24+$0x0] =	vst.idx.msk $0xffff, v6;
	v11 =	vor.u32 v26, v45;
	v50 =	vld.idx.msk [tilespmem:v18+s10+$0x0], $0xffff  }
0x3b7: {  	v6 =	vor.u32 v61, v51;
	v4 =	vshll.u32 v4, $0x7;
	[tilespmem:v13+s24+$0x0] =	vst.idx.msk $0xffff, v57;
	v3 =	vld.idx.msk [tilespmem:v3+s12+$0x0], $0xffff  }
0x3b8: {  	v55 =	vand.u32 $0x1F80, v4;
	v7 =	vadd.f32 v7, v9;
	v57 =	vor.u32 v61, v53;
	v13 =	vld.idx.msk [tilespmem:v19+s12+$0x0], $0xffff  }
0x3b9: {  	v12 =	vld.idx.msk [tilespmem:v12+s12+$0x0], $0xffff;
	v15 =	vor.u32 v24, v48;
	v4 =	vor.u32 v62, v46;
	v16 =	vor.u32 v32, v55  }
0x3ba: {  	v0 =	vadd.f32 v0, v49;
	[tilespmem:v5+s24+$0x0] =	vst.idx.msk $0xffff, v7;
	v5 =	vor.u32 v61, v2  }
0x3bb: {  	v17 =	vor.u32 v33, v1;
	v10 =	vadd.f32 v10, v43;
	v7 =	vor.u32 v28, v42  }
0x3bc: {  	v6 =	vld.idx.msk [tilespmem:v6+s12+$0x0], $0xffff;
	[tilespmem:v8+s24+$0x0] =	vst.idx.msk $0xffff, v0;
	v0 =	vadd.f32 v3, v50  }
0x3bd: {  	[tilespmem:v11+s24+$0x0] =	vst.idx.msk $0xffff, v10;
	v11 =	vor.u32 v34, v44;
	v57 =	vld.idx.msk [tilespmem:v57+s12+$0x0], $0xffff;
	v8 =	vadd.f32 v13, v47  }
0x3be: {  	v4 =	vld.idx.msk [tilespmem:v4+s12+$0x0], $0xffff;
	v3 =	vadd.f32 v12, v40;
	v12 =	vor.u32 v24, v52;
	[tilespmem:v16+s24+$0x0] =	vst.idx.msk $0xffff, v0  }
0x3bf: {  	[tilespmem:v15+s24+$0x0] =	vst.idx.msk $0xffff, v8;
	v8 =	vor.u32 v24, v54;
	v0 =	vor.u32 v33, v51;
	v5 =	vld.idx.msk [tilespmem:v5+s12+$0x0], $0xffff  }
0x3c0: {  	v13 =	vor.u32 v33, v53;
	[tilespmem:v7+s24+$0x0] =	vst.idx.msk $0xffff, v3;
	v3 =	vor.u32 v28, v45;
	v7 =	vld.idx.msk [tilespmem:v17+s12+$0x0], $0xffff  }
0x3c1: {  	v14 =	vor.u32 v34, v46;
	v6 =	vadd.f32 v6, v9;
	v15 =	vor.u32 v24, v55  }
0x3c2: {  	v16 =	vor.u32 v26, v48;
	v10 =	vadd.f32 v57, v49;
	v57 =	vor.u32 v33, v2  }
0x3c3: {  	v4 =	vadd.f32 v4, v43;
	v11 =	vld.idx.msk [tilespmem:v11+s12+$0x0], $0xffff;
	[tilespmem:v12+s24+$0x0] =	vst.idx.msk $0xffff, v6;
	v6 =	vor.u32 v62, v1  }
0x3c4: {  	[tilespmem:v8+s24+$0x0] =	vst.idx.msk $0xffff, v10;
	v0 =	vld.idx.msk [tilespmem:v0+s12+$0x0], $0xffff;
	v5 =	vadd.f32 v5, v50  }
0x3c5: {  	[tilespmem:v3+s24+$0x0] =	vst.idx.msk $0xffff, v4;
	v12 =	vadd.f32 v7, v47;
	v4 =	vld.idx.msk [tilespmem:v13+s12+$0x0], $0xffff  }
0x3c6: {  	v8 =	vor.u32 v26, v52;
	v7 =	vld.idx.msk [tilespmem:v14+s12+$0x0], $0xffff;
	[tilespmem:v15+s24+$0x0] =	vst.idx.msk $0xffff, v5  }
0x3c7: {  	v3 =	vor.u32 v62, v51;
	[tilespmem:v16+s24+$0x0] =	vst.idx.msk $0xffff, v12;
	v5 =	vor.u32 v26, v54;
	v10 =	vld.idx.msk [tilespmem:v57+s12+$0x0], $0xffff  }
0x3c8: {  	v14 =	vor.u32 v62, v53;
	v6 =	vld.idx.msk [tilespmem:v6+s12+$0x0], $0xffff;
	v57 =	vor.u32 v21, v42  }
0x3c9: {  	v12 =	vor.u32 v58, v41;
	v15 =	vor.u32 v26, v55;
	v0 =	vadd.f32 v0, v9  }
0x3ca: {  	v17 =	vor.u32 v62, v2;
	v16 =	vor.u32 v21, v45;
	v4 =	vadd.f32 v4, v49  }
0x3cb: {  	v11 =	vadd.f32 v11, v40;
	[tilespmem:v8+s24+$0x0] =	vst.idx.msk $0xffff, v0;
	v8 =	vor.u32 v28, v48  }
0x3cc: {  	v0 =	vor.u32 v27, v44;
	[tilespmem:v5+s24+$0x0] =	vst.idx.msk $0xffff, v4;
	v3 =	vld.idx.msk [tilespmem:v3+s12+$0x0], $0xffff;
	v4 =	vadd.f32 v10, v50  }
0x3cd: {  	v6 =	vadd.f32 v6, v47;
	[tilespmem:v57+s24+$0x0] =	vst.idx.msk $0xffff, v11;
	v57 =	vadd.f32 v7, v43;
	v7 =	vld.idx.msk [tilespmem:v14+s12+$0x0], $0xffff  }
0x3ce: {  	v10 =	vld.idx.msk [tilespmem:v12+s12+$0x0], $0xffff;
	v11 =	vor.u32 v34, v1;
	v12 =	vor.u32 v28, v52;
	[tilespmem:v15+s24+$0x0] =	vst.idx.msk $0xffff, v4  }
0x3cf: {  	[tilespmem:v16+s24+$0x0] =	vst.idx.msk $0xffff, v57;
	v4 =	vor.u32 v34, v51;
	v57 =	vld.idx.msk [tilespmem:v17+s12+$0x0], $0xffff  }
0x3d0: {  	v5 =	vor.u32 v28, v54;
	[tilespmem:v8+s24+$0x0] =	vst.idx.msk $0xffff, v6  }
0x3d1: {  	v6 =	vor.u32 v34, v53;
	v8 =	vor.u32 v28, v55;
	v3 =	vadd.f32 v3, v9  }
0x3d2: {  	v14 =	vor.u32 v27, v46;
	v15 =	vor.u32 v63, v38;
	v0 =	vld.idx.msk [tilespmem:v0+s12+$0x0], $0xffff  }
0x3d3: {  	v16 =	vor.u32 v34, v2;
	v7 =	vadd.f32 v7, v49;
	v11 =	vld.idx.msk [tilespmem:v11+s12+$0x0], $0xffff;
	[tilespmem:v12+s24+$0x0] =	vst.idx.msk $0xffff, v3  }
0x3d4: {  	v3 =	vor.u32 v30, v42;
	v4 =	vld.idx.msk [tilespmem:v4+s12+$0x0], $0xffff;
	v17 =	vadd.f32 v57, v50  }
0x3d5: {  	v12 =	vor.u32 v21, v48;
	[tilespmem:v5+s24+$0x0] =	vst.idx.msk $0xffff, v7;
	v5 =	vor.u32 v27, v1  }
0x3d6: {  	v57 =	vadd.f32 v10, v36;
	v6 =	vld.idx.msk [tilespmem:v6+s12+$0x0], $0xffff;
	[tilespmem:v8+s24+$0x0] =	vst.idx.msk $0xffff, v17;
	v17 =	vor.u32 v21, v52  }
0x3d7: {  	v7 =	vor.u32 v27, v51;
	v0 =	vadd.f32 v0, v40;
	v10 =	vld.idx.msk [tilespmem:v14+s12+$0x0], $0xffff  }
0x3d8: {  	[tilespmem:v15+s24+$0x0] =	vst.idx.msk $0xffff, v57;
	v57 =	vadd.f32 v11, v47;
	v13 =	vld.idx.msk [tilespmem:v16+s12+$0x0], $0xffff;
	v16 =	vor.u32 v21, v54  }
0x3d9: {  	v14 =	vor.u32 v21, v55;
	[tilespmem:v3+s24+$0x0] =	vst.idx.msk $0xffff, v0;
	v4 =	vadd.f32 v4, v9  }
0x3da: {  	v11 =	vor.u32 v27, v53;
	v0 =	vor.u32 v30, v45;
	[tilespmem:v12+s24+$0x0] =	vst.idx.msk $0xffff, v57  }
0x3db: {  	v12 =	vor.u32 v27, v2;
	v5 =	vld.idx.msk [tilespmem:v5+s12+$0x0], $0xffff;
	[tilespmem:v17+s24+$0x0] =	vst.idx.msk $0xffff, v4;
	v17 =	vadd.f32 v6, v49  }
0x3dc: {  	v8 =	vadd.f32 v10, v43;
	v6 =	vor.u32 v58, v44;
	v7 =	vld.idx.msk [tilespmem:v7+s12+$0x0], $0xffff  }
0x3dd: {  	v19 =	vld [tilespmem:$0x1FE20];
	v10 =	vadd.f32 v13, v50;
	[tilespmem:v16+s24+$0x0] =	vst.idx.msk $0xffff, v17;
	v16 =	vor.u32 v30, v48  }
0x3de: {  	v18 =	vld [tilespmem:$0x1FE50];
	v57 =	vor.u32 v58, v46;
	v17 =	vor.u32 v30, v52  }
0x3df: {  	v11 =	vld.idx.msk [tilespmem:v11+s12+$0x0], $0xffff;
	[tilespmem:v14+s24+$0x0] =	vst.idx.msk $0xffff, v10  }
0x3e0: {  	[tilespmem:v0+s24+$0x0] =	vst.idx.msk $0xffff, v8;
	v8 =	vor.u32 v58, v1;
	v5 =	vadd.f32 v5, v47;
	v0 =	vld.idx.msk [tilespmem:v12+s12+$0x0], $0xffff  }
0x3e1: {  	v10 =	vor.u32 v30, v54;
	v12 =	vor.u32 v58, v51;
	v6 =	vld.idx.msk [tilespmem:v6+s12+$0x0], $0xffff;
	v7 =	vadd.f32 v7, v9  }
0x3e2: {  	v13 =	vor.u32 v58, v53;
	v14 =	vor.u32 v30, v55;
	[tilespmem:v16+s24+$0x0] =	vst.idx.msk $0xffff, v5  }
0x3e3: {  	v3 =	vor.u32 v63, v42;
	v5 =	vld.idx.msk [tilespmem:v57+s12+$0x0], $0xffff;
	[tilespmem:v17+s24+$0x0] =	vst.idx.msk $0xffff, v7;
	v7 =	vor.u32 v58, v2  }
0x3e4: {  	v57 =	vor.u32 v63, v45;
	v4 =	vadd.f32 v11, v49;
	v11 =	vor.u32 v19, v39  }
0x3e5: {  	v17 =	vor.u32 v18, v41;
	v8 =	vld.idx.msk [tilespmem:v8+s12+$0x0], $0xffff;
	v41 =	vor.u32 v63, v48;
	v0 =	vadd.f32 v0, v50  }
0x3e6: {  	[tilespmem:v10+s24+$0x0] =	vst.idx.msk $0xffff, v4;
	v39 =	vadd.f32 v6, v40;
	v6 =	vor.u32 v18, v44;
	v10 =	vld.idx.msk [tilespmem:v12+s12+$0x0], $0xffff  }
0x3e7: {  	v12 =	vor.u32 v18, v46;
	[tilespmem:v14+s24+$0x0] =	vst.idx.msk $0xffff, v0;
	v13 =	vld.idx.msk [tilespmem:v13+s12+$0x0], $0xffff;
	v0 =	vor.u32 v18, v1  }
0x3e8: {  	v1 =	vor.u32 v63, v52;
	v5 =	vadd.f32 v5, v43;
	[tilespmem:v3+s24+$0x0] =	vst.idx.msk $0xffff, v39;
	v3 =	vld.idx.msk [tilespmem:v7+s12+$0x0], $0xffff  }
0x3e9: {  	v53 =	vor.u32 v18, v53;
	v46 =	vor.u32 v18, v51;
	v51 =	vor.u32 v63, v54;
	v44 =	vld.idx.msk [tilespmem:v11+s12+$0x0], $0xffff  }
0x3ea: {  	v4 =	vld.idx.msk [tilespmem:v17+s12+$0x0], $0xffff;
	v8 =	vadd.f32 v8, v47;
	[tilespmem:v57+s24+$0x0] =	vst.idx.msk $0xffff, v5;
	v57 =	vor.u32 v63, v55  }
0x3eb: {  	v2 =	vor.u32 v18, v2;
	v39 =	vor.u32 v60, v37;
	v6 =	vld.idx.msk [tilespmem:v6+s12+$0x0], $0xffff;
	v10 =	vadd.f32 v10, v9  }
0x3ec: {  	[tilespmem:v41+s24+$0x0] =	vst.idx.msk $0xffff, v8;
	v41 =	vor.u32 v60, v38;
	v12 =	vld.idx.msk [tilespmem:v12+s12+$0x0], $0xffff;
	v13 =	vadd.f32 v13, v49  }
0x3ed: {  	v42 =	vor.u32 v60, v42;
	v0 =	vld.idx.msk [tilespmem:v0+s12+$0x0], $0xffff;
	[tilespmem:v1+s24+$0x0] =	vst.idx.msk $0xffff, v10;
	v3 =	vadd.f32 v3, v50  }
0x3ee: {  	[tilespmem:v51+s24+$0x0] =	vst.idx.msk $0xffff, v13;
	v7 =	vadd.f32 v44, v35;
	v44 =	vor.u32 v60, v45;
	v5 =	vld.idx.msk [tilespmem:v46+s12+$0x0], $0xffff  }
0x3ef: {  	v45 =	vadd.f32 v4, v36;
	v46 =	vor.u32 v60, v48;
	v11 =	vld.idx.msk [tilespmem:v53+s12+$0x0], $0xffff;
	[tilespmem:v57+s24+$0x0] =	vst.idx.msk $0xffff, v3  }
0x3f0: {  	v51 =	vor.u32 v60, v52;
	[tilespmem:v39+s24+$0x0] =	vst.idx.msk $0xffff, v7;
	v6 =	vadd.f32 v6, v40;
	v2 =	vld.idx.msk [tilespmem:v2+s12+$0x0], $0xffff  }
0x3f1: {  	v53 =	vor.u32 v60, v54;
	[tilespmem:v41+s24+$0x0] =	vst.idx.msk $0xffff, v45;
	v52 =	vadd.f32 v12, v43  }
0x3f2: {  	p0 =	slt.u32 s4, $0x38;
	v54 =	vor.u32 v60, v55;
	v0 =	vadd.f32 v0, v47;
	[tilespmem:v42+s24+$0x0] =	vst.idx.msk $0xffff, v6  }
.Ltmp5:
0x3f3: {  	[tilespmem:v44+s24+$0x0] =	vst.idx.msk $0xffff, v52;
	v55 =	vadd.f32 v5, v9;
	(pc) =	sbr.rel @p0 .LBB2_11-.Ltmp5, $4  }
0x3f4: {  	[tilespmem:v46+s24+$0x0] =	vst.idx.msk $0xffff, v0;
	v57 =	vadd.f32 v11, v49  }
0x3f5: {  	[tilespmem:v51+s24+$0x0] =	vst.idx.msk $0xffff, v55;
	v2 =	vadd.f32 v2, v50  }
0x3f6: {  	[tilespmem:v53+s24+$0x0] =	vst.idx.msk $0xffff, v57  }
0x3f7: {  	s4 =	sadd.s32 $0x8, s4;
	v48 =	vmov v21;
	[tilespmem:v54+s24+$0x0] =	vst.idx.msk $0xffff, v2  }
0x3f8: {  	s1 =	sadd.s32 $0x1, s1  }
0x3f9: {  	p0 =	sne.s32 s1, $0x32  }
.Ltmp6:
0x3fa: {  	s0 =	sshll.u32 s0, $0x12;
	(pc) =	sbr.rel @p0 .LBB2_4-.Ltmp6, $4  }
0x3fb: {  	s0 =	sor.u32 s7, s0  }
0x3fc: {  	s0 =	sshrl.u32 s0, $0x3  }
0x3fd: {  	s0 =	sadd.s32 s5, s0  }
0x3fe: {  	v21 =	vld [tilespmem:$0x1FF20];
	[hbm4b:s0+s11] =	stream.strided.scatter [tilespmem:s24], [sflag:$0x8], $0x2000, s16, s11, $0x38  }
0x3ff: {  	s0 =	simm.s32 $0x5  }
0x400: {  	_ =	swait.ge [sflag:s0], $0x2000  }
0x401: {  	[sflag:s0] =	ssyncset.done $0x0  }
0x402: {  	s29 =	simm.s32 $0x6;
	[sflag:s0] =	ssyncadd.s32 $0xFFFFE000  }
0x403: {  	_ =	swait.ge [sflag:s29], $0x2000  }
0x404: {  	[sflag:s29] =	ssyncset.done $0x0  }
0x405: {  	s30 =	simm.s32 $0x7;
	[sflag:s29] =	ssyncadd.s32 $0xFFFFE000  }
0x406: {  	_ =	swait.ge [sflag:s30], $0x2000  }
0x407: {  	[sflag:s30] =	ssyncset.done $0x0  }
0x408: {  	s1 =	simm.s32 $0x8;
	[sflag:s30] =	ssyncadd.s32 $0xFFFFE000  }
0x409: {  	_ =	swait.ge [sflag:s1], $0x2000  }
0x40a: {  	s2 =	rddreg [dreg:$0x5];
	v0 =	vld [tilespmem:$0x1FEA0]  }
0x40b: {  	s31 =	rddreg [dreg:$0x4];
	v12 =	vld [tilespmem:$0x1FEB0];
	s2 =	sadd.s32 $0x1, s2  }
0x40c: {  	v14 =	vld [tilespmem:$0x1FEC0];
	p0 =	sne.s32 s2, s31  }
.Ltmp7:
0x40d: {  	v16 =	vld [tilespmem:$0x1FED0];
	(pc) =	sbr.rel @p0 .LBB2_1-.Ltmp7, $4  }
0x40e: {  	v17 =	vld [tilespmem:$0x1FEE0]  }
0x40f: {  	v18 =	vld [tilespmem:$0x1FEF0]  }
0x410: {  	[sflag:s1] =	ssyncset.done $0x0;
	v19 =	vld [tilespmem:$0x1FF00]  }
0x411: {  	v20 =	vld [tilespmem:$0x1FF10];
	[sflag:s1] =	ssyncadd.s32 $0xFFFFE000  }
0x412: {  	_ =	sfence.sel $0x180000  }
0x413: {  	[bflag:$0x0] =	sbarrier.arrive $0xFFFF  }
0x414: {  	_ =	strace $0x90000047  }
0x415: {  	s0 =	stileid.u32;
	[bflag:$0x2] =	sbarrier.arrive $0xFFFF  }
0x416: {  	p0 =	sne.s32 s0, $0x0;
	s0 =	rddreg [dreg:$0x1]  }
0x417: {  	s0 =	sadd.s32 @!p0 $0x100000, s0  }
0x418: {  	[sflag:s0] =	ssyncadd.tile.s32 @!p0 $0x1;
	_ =	shalt  }
.Lfunc_end2:
_tile_overlayer_lowered:
.L_overlay_start_2:
0x419: {  	(tag) =	ssettag $0x2  }
0x41a: {  	s0 =	rddreg [dreg:$0x0];
	s2 =	stileid.u32  }
0x41b: {  	s1 =	rddreg [dreg:$0x1];
	p0 =	sne.s32 s2, $0x0  }
0x41c: {  	s3 =	rddreg [dreg:$0x2];
	[bflag:$0x3] =	sbarrier.arrive $0xFFFF;
	s2 =	simm.s32 @!p0 $0x1C09  }
0x41d: {  	[timem:s3], [sflag:s2] =	dma.local @!p0 [hbm:s0], s1  }
0x41e: {  	s0 =	simm.s32 @!p0 $0x9  }
0x41f: {  	_ =	swait.ge @!p0 [sflag:s0], s1  }
0x420: {  	s1 =	ssub.s32 @!p0 $0x0, s1;
	[sflag:s0] =	ssyncset.done @!p0 $0x0  }
0x421: {  	[sflag:s0] =	ssyncadd.s32 @!p0 s1  }
0x422: {  	[bflag:$0x3] =	sbarrier.arrive $0xFFFF  }
0x423: {  	_ =	shalt  }

</sc_bundles>
